<compile_context>
chip_gen: v7x
topology: tpu7x:2x2x1
jax: 0.10.2.dev20260603
libtpu: 0.0.44.dev20260713+nightly
codegen_flags: <defaults>
</compile_context>

<pallas_src>
import functools

import jax
import jax.numpy as jnp
from jax import lax
from jax.experimental import pallas as pl
from jax.experimental.pallas import tpu as pltpu
from jax.experimental.pallas import tpu_sc as plsc

_VOCAB = 1000000
_EMBED = 64
_BATCH = 4096
_SEQ = 200
_EPS = 1e-5

_NC = 2
_NS = 16
_NW = _NC * _NS
_BPW = _BATCH // _NW
_S0 = 104
_S1 = _SEQ - _S0
_G = _EMBED // 16
_ROW = 128
_TBLK = 16384
_FOLD = 507904
_NBUF = 6


def _tpack_body(lo_ref, hi_ref, out_ref):
    out_ref[...] = jnp.concatenate([lo_ref[...], hi_ref[...]], axis=0).T


def _tpack(tableT):
    nblk = _FOLD // _TBLK
    return pl.pallas_call(
        _tpack_body,
        grid=(nblk,),
        in_specs=[
            pl.BlockSpec((_EMBED, _TBLK), lambda i: (0, i)),
            pl.BlockSpec((_EMBED, _TBLK), lambda i: (0, i + _FOLD // _TBLK)),
        ],
        out_specs=pl.BlockSpec((_TBLK, _ROW), lambda i: (i, 0)),
        out_shape=jax.ShapeDtypeStruct((_FOLD, _ROW), jnp.float32),
        compiler_params=pltpu.CompilerParams(
            fuse_transposed_lhs_in_matmul=True),
    )(tableT, tableT)


def _gidx_body(idsT_hbm, g2_hbm, slab_v, out_v):
    wid = lax.axis_index("s") * _NC + lax.axis_index("c")
    base = wid * _BPW
    pltpu.sync_copy(idsT_hbm.at[:, pl.ds(base, _BPW)], slab_v)
    lane = lax.iota(jnp.int32, 16)
    zero16 = lane * 0

    def xform(v):
        return v * 2 - jnp.where(v >= _FOLD, 2 * _FOLD - 1, 0)

    nfull = _SEQ // 16

    def col(b, carry):
        def chunk(k, c2):
            vals = plsc.load_gather(slab_v, [k * 16 + lane, b + zero16])
            plsc.store_scatter(out_v, [b * _SEQ + k * 16 + lane], xform(vals))
            return c2
        return lax.fori_loop(0, nfull, chunk, carry)

    lax.fori_loop(0, _BPW, col, 0)

    half = lane // 8
    low8 = lane % 8

    def tail(bp, carry):
        b2 = bp * 2
        vals = plsc.load_gather(slab_v, [nfull * 16 + low8, b2 + half])
        dst = (b2 + half) * _SEQ + nfull * 16 + low8
        plsc.store_scatter(out_v, [dst], xform(vals))
        return carry

    lax.fori_loop(0, _BPW // 2, tail, 0)
    pltpu.sync_copy(out_v, g2_hbm.at[pl.ds(base * _SEQ, _BPW * _SEQ)])


_gidx = functools.partial(
    pl.kernel,
    out_type=jax.ShapeDtypeStruct((_BATCH * _SEQ,), jnp.int32),
    mesh=plsc.VectorSubcoreMesh(core_axis_name="c", subcore_axis_name="s"),
    scratch_types=[
        pltpu.VMEM((_SEQ, _BPW), jnp.int32),
        pltpu.VMEM((_BPW * _SEQ,), jnp.int32),
    ],
    compiler_params=pltpu.CompilerParams(use_tc_tiling_on_sc=False,
                                         needs_layout_passes=False),
)(_gidx_body)


def _pool_body(ids_hbm, table_hbm, pooled_hbm, idx_v, bufs, out_v, sems):
    wid = lax.axis_index("s") * _NC + lax.axis_index("c")
    base = wid * _BPW
    pltpu.sync_copy(ids_hbm.at[pl.ds(base * _SEQ, _BPW * _SEQ)], idx_v)

    def issue(b, buf, sem):
        off = b * _SEQ
        pltpu.async_copy(
            table_hbm.at[idx_v.at[pl.ds(off, _S0)]],
            buf.at[pl.ds(0, _S0)], sem)
        pltpu.async_copy(
            table_hbm.at[idx_v.at[pl.ds(off + _S0, _S1)]],
            buf.at[pl.ds(_S0, _S1)], sem)

    def drain(buf, sem):
        pltpu.make_async_copy(table_hbm.at[pl.ds(0, _SEQ)], buf, sem).wait()

    def accum(b, buf):
        def body(r, accs):
            return tuple(accs[g] + buf[r, pl.ds(g * 16, 16)]
                         for g in range(_G))
        accs = tuple(jnp.zeros((16,), jnp.float32) for _ in range(_G))
        accs = lax.fori_loop(0, _SEQ, body, accs, unroll=4)
        for g in range(_G):
            out_v[b, pl.ds(g * 16, 16)] = accs[g] * (1.0 / _SEQ)

    for p in range(_NBUF - 1):
        issue(p, bufs[p], sems[p])

    def outer(i, carry):
        b = i * _NBUF
        for p in range(_NBUF):
            bb = b + p
            nxt = bb + _NBUF - 1

            @pl.when(nxt < _BPW)
            def _():
                issue(nxt, bufs[(p + _NBUF - 1) % _NBUF],
                      sems[(p + _NBUF - 1) % _NBUF])

            drain(bufs[p], sems[p])
            accum(bb, bufs[p])
        return carry

    ntail = _BPW % _NBUF
    nloop = _BPW // _NBUF
    lax.fori_loop(0, nloop, outer, 0)
    for p in range(ntail):
        drain(bufs[p], sems[p])
        accum(nloop * _NBUF + p, bufs[p])
    pltpu.sync_copy(out_v, pooled_hbm.at[pl.ds(base, _BPW)])


_pool = functools.partial(
    pl.kernel,
    out_type=jax.ShapeDtypeStruct((_BATCH, _EMBED), jnp.float32),
    mesh=plsc.VectorSubcoreMesh(core_axis_name="c", subcore_axis_name="s"),
    scratch_types=[
        pltpu.VMEM((_BPW * _SEQ,), jnp.int32),
        tuple(pltpu.VMEM((_SEQ, _EMBED), jnp.float32) for _ in range(_NBUF)),
        pltpu.VMEM((_BPW, _EMBED), jnp.float32),
        tuple(pltpu.SemaphoreType.DMA for _ in range(_NBUF)),
    ],
    compiler_params=pltpu.CompilerParams(use_tc_tiling_on_sc=False),
)(_pool_body)


def _head_body(pooled_ref, wt_ref, b_ref, bng_ref, bnb_ref, lng_ref, lnb_ref,
               out_ref):
    p = jnp.dot(pooled_ref[:], wt_ref[:],
                preferred_element_type=jnp.float32) + b_ref[:]
    mu_b = jnp.mean(p, axis=0, keepdims=True)
    d = p - mu_b
    var_b = jnp.mean(d * d, axis=0, keepdims=True)
    bn = d * lax.rsqrt(var_b + _EPS) * bng_ref[:] + bnb_ref[:]
    mu_l = jnp.mean(bn, axis=1, keepdims=True)
    dl = bn - mu_l
    var_l = jnp.mean(dl * dl, axis=1, keepdims=True)
    out_ref[:] = dl * lax.rsqrt(var_l + _EPS) * lng_ref[:] + lnb_ref[:]


def kernel(input_ids, table, W, b, bn_gamma, bn_beta, ln_gamma, ln_beta):
    g2 = _gidx(input_ids.astype(jnp.int32).T)
    tpad = _tpack(table.T).reshape(2 * _FOLD, _EMBED)
    pooled = _pool(g2, tpad)
    out = pl.pallas_call(
        _head_body,
        out_shape=jax.ShapeDtypeStruct((_BATCH, _EMBED), jnp.float32),
    )(pooled, W.T, b.reshape(1, -1), bn_gamma.reshape(1, -1),
      bn_beta.reshape(1, -1), ln_gamma.reshape(1, -1), ln_beta.reshape(1, -1))
    return out

# --- scband reference (transcript-rebuilt; emitter-appended) ---
"""Pipeline reference for scband-word-vector-generator-61409442399043 (READ-ONLY COPY).

The authoritative reference and input builder live on the scoring server;
editing this copy changes nothing except your own understanding.
"""

import jax, jax.numpy as jnp
import numpy as np

VOCAB = 1000000
EMBED = 64
BATCH = 4096
SEQ = 200
EPS = 1e-5


def setup_inputs(seed: int = 0) -> dict:
    key = jax.random.key(seed)
    k1, k2, k3 = jax.random.split(key, 3)
    input_ids = jax.random.randint(k1, (BATCH, SEQ), 0, VOCAB)
    table = jax.random.normal(k2, (VOCAB, EMBED), dtype=jnp.float32)
    W = jax.random.normal(k3, (EMBED, EMBED), dtype=jnp.float32) * (1.0 / np.sqrt(EMBED))
    b = jnp.zeros((EMBED,), dtype=jnp.float32)
    bn_gamma = jnp.ones((EMBED,), dtype=jnp.float32)
    bn_beta = jnp.zeros((EMBED,), dtype=jnp.float32)
    ln_gamma = jnp.ones((EMBED,), dtype=jnp.float32)
    ln_beta = jnp.zeros((EMBED,), dtype=jnp.float32)
    return {
        "input_ids": input_ids,
        "table": table,
        "W": W,
        "b": b,
        "bn_gamma": bn_gamma,
        "bn_beta": bn_beta,
        "ln_gamma": ln_gamma,
        "ln_beta": ln_beta,
    }


def reference(input_ids, table, W, b, bn_gamma, bn_beta, ln_gamma, ln_beta):
    # nn.Embedding lookup
    embedded = jnp.take(table, input_ids, axis=0)  # [B, L, E]
    # AdaptiveAvgPool1d(1) over sequence dim after transpose(1,2) == mean over L
    pooled = jnp.mean(embedded, axis=1)  # [B, E]
    # Linear projection
    projected = pooled @ W.T + b  # [B, E]
    # BatchNorm1d in training mode: batch statistics, biased variance
    mu_b = jnp.mean(projected, axis=0)
    var_b = jnp.var(projected, axis=0)
    batch_normed = (projected - mu_b) / jnp.sqrt(var_b + EPS) * bn_gamma + bn_beta
    # LayerNorm over last dim
    mu_l = jnp.mean(batch_normed, axis=-1, keepdims=True)
    var_l = jnp.var(batch_normed, axis=-1, keepdims=True)
    out = (batch_normed - mu_l) / jnp.sqrt(var_l + EPS) * ln_gamma + ln_beta
    return out

if __name__ == "__main__":
    import jax
    _d = setup_inputs()
    print(jax.jit(kernel)(*tuple(_d.values())))

</pallas_src>

<mosaic_0001>
#map = affine_map<(d0, d1) -> (0)>
#map1 = affine_map<(d0, d1) -> (0, 0)>
module attributes {stable_mosaic.version = 14 : i64} {
  func.func @_pool_body(%arg0: i32, %arg1: i32, %arg2: memref<819200xi32, #tpu.memory_space<hbm>>, %arg3: memref<1015808x64xf32, #tpu.memory_space<hbm>>, %arg4: memref<4096x64xf32, #tpu.memory_space<hbm>>, %arg5: memref<25600xi32, #tpu.memory_space<vmem>>, %arg6: memref<200x64xf32, #tpu.memory_space<vmem>>, %arg7: memref<200x64xf32, #tpu.memory_space<vmem>>, %arg8: memref<200x64xf32, #tpu.memory_space<vmem>>, %arg9: memref<200x64xf32, #tpu.memory_space<vmem>>, %arg10: memref<200x64xf32, #tpu.memory_space<vmem>>, %arg11: memref<200x64xf32, #tpu.memory_space<vmem>>, %arg12: memref<128x64xf32, #tpu.memory_space<vmem>>, %arg13: memref<!tpu.dma_semaphore, #tpu.memory_space<semaphore_mem>>, %arg14: memref<!tpu.dma_semaphore, #tpu.memory_space<semaphore_mem>>, %arg15: memref<!tpu.dma_semaphore, #tpu.memory_space<semaphore_mem>>, %arg16: memref<!tpu.dma_semaphore, #tpu.memory_space<semaphore_mem>>, %arg17: memref<!tpu.dma_semaphore, #tpu.memory_space<semaphore_mem>>, %arg18: memref<!tpu.dma_semaphore, #tpu.memory_space<semaphore_mem>>) attributes {dimension_semantics = [#tpu.dimension_semantics<core_parallel>, #tpu.dimension_semantics<subcore_parallel>], iteration_bounds = array<i64: 2, 16>, scalar_prefetch = 0 : i64, scratch_operands = 14 : i64, tpu.core_type = #tpu.core_type<sc_vector_subcore>, window_params = [{transform_indices = #map}, {transform_indices = #map1}, {transform_indices = #map1}]} {
    %mul3A = arith.constant 2 : i32
    %mul3A_0 = arith.muli %arg1, %mul3A : i32
    %add3A = arith.addi %mul3A_0, %arg0 : i32
    %mul3A_1 = arith.constant 128 : i32
    %mul3A_2 = arith.muli %add3A, %mul3A_1 : i32
    %mul3A_3 = arith.constant 200 : i32
    %mul3A_4 = arith.muli %mul3A_2, %mul3A_3 : i32
    "tpu.region"() ({
      %run_scoped3A = tpu.sem_alloc : memref<!tpu.dma_semaphore, #tpu.memory_space<semaphore_mem>>
      %dma_start3A_198 = tpu.memref_slice %arg2[%mul3A_4] : memref<819200xi32, #tpu.memory_space<hbm>> -> memref<25600xi32, #tpu.memory_space<hbm>>
      %dma_start3A_199 = tpu.memref_slice %arg2[%mul3A_4] : memref<819200xi32, #tpu.memory_space<hbm>> -> memref<25600xi32, #tpu.memory_space<hbm>>
      tpu.enqueue_dma source(%dma_start3A_199 : memref<25600xi32, #tpu.memory_space<hbm>>) target(%arg5 : memref<25600xi32, #tpu.memory_space<vmem>>) target_semaphore(%run_scoped3A : memref<!tpu.dma_semaphore, #tpu.memory_space<semaphore_mem>>)
      %dma_wait3A_200 = tpu.memref_slice %arg2[%mul3A_4] : memref<819200xi32, #tpu.memory_space<hbm>> -> memref<25600xi32, #tpu.memory_space<hbm>>
      %dma_wait3A_201 = tpu.memref_slice %arg2[%mul3A_4] : memref<819200xi32, #tpu.memory_space<hbm>> -> memref<25600xi32, #tpu.memory_space<hbm>>
      tpu.wait_dma2 semaphore(%run_scoped3A : memref<!tpu.dma_semaphore, #tpu.memory_space<semaphore_mem>>) src(%dma_wait3A_201 : memref<25600xi32, #tpu.memory_space<hbm>>) dst(%arg5 : memref<25600xi32, #tpu.memory_space<vmem>>)
      tpu.yield
    }) : () -> ()
    %dma_start3A = arith.constant 0 : i32
    %dma_start3A_5 = arith.constant 0 : i32
    %dma_start3A_6 = tpu.memref_slice %arg6[%dma_start3A, %dma_start3A_5] : memref<200x64xf32, #tpu.memory_space<vmem>> -> memref<104x64xf32, #tpu.memory_space<vmem>>
    %dma_start3A_7 = arith.constant 0 : i32
    %dma_start3A_8 = tpu.memref_slice %arg5[%dma_start3A_7] : memref<25600xi32, #tpu.memory_space<vmem>> -> memref<104xi32, #tpu.memory_space<vmem>>
    %dma_start3A_9 = arith.constant 0 : i32
    %dma_start3A_10 = arith.constant 0 : i32
    %dma_start3A_11 = tpu.memref_slice %arg3[%dma_start3A_9, %dma_start3A_10] : memref<1015808x64xf32, #tpu.memory_space<hbm>> -> memref<1015808x64xf32, #tpu.memory_space<hbm>>
    tpu.enqueue_indirect_dma source(%dma_start3A_11 : memref<1015808x64xf32, #tpu.memory_space<hbm>>) target(%dma_start3A_6 : memref<104x64xf32, #tpu.memory_space<vmem>>) offsets(%dma_start3A_8 : memref<104xi32, #tpu.memory_space<vmem>>) semaphore(%arg13 : memref<!tpu.dma_semaphore, #tpu.memory_space<semaphore_mem>>)
    %dma_start3A_12 = arith.constant 104 : i32
    %dma_start3A_13 = arith.constant 0 : i32
    %dma_start3A_14 = tpu.memref_slice %arg6[%dma_start3A_12, %dma_start3A_13] : memref<200x64xf32, #tpu.memory_space<vmem>> -> memref<96x64xf32, #tpu.memory_space<vmem>>
    %dma_start3A_15 = arith.constant 104 : i32
    %dma_start3A_16 = tpu.memref_slice %arg5[%dma_start3A_15] : memref<25600xi32, #tpu.memory_space<vmem>> -> memref<96xi32, #tpu.memory_space<vmem>>
    %dma_start3A_17 = arith.constant 0 : i32
    %dma_start3A_18 = arith.constant 0 : i32
    %dma_start3A_19 = tpu.memref_slice %arg3[%dma_start3A_17, %dma_start3A_18] : memref<1015808x64xf32, #tpu.memory_space<hbm>> -> memref<1015808x64xf32, #tpu.memory_space<hbm>>
    tpu.enqueue_indirect_dma source(%dma_start3A_19 : memref<1015808x64xf32, #tpu.memory_space<hbm>>) target(%dma_start3A_14 : memref<96x64xf32, #tpu.memory_space<vmem>>) offsets(%dma_start3A_16 : memref<96xi32, #tpu.memory_space<vmem>>) semaphore(%arg13 : memref<!tpu.dma_semaphore, #tpu.memory_space<semaphore_mem>>)
    %dma_start3A_20 = arith.constant 0 : i32
    %dma_start3A_21 = arith.constant 0 : i32
    %dma_start3A_22 = tpu.memref_slice %arg7[%dma_start3A_20, %dma_start3A_21] : memref<200x64xf32, #tpu.memory_space<vmem>> -> memref<104x64xf32, #tpu.memory_space<vmem>>
    %dma_start3A_23 = arith.constant 200 : i32
    %dma_start3A_24 = tpu.memref_slice %arg5[%dma_start3A_23] : memref<25600xi32, #tpu.memory_space<vmem>> -> memref<104xi32, #tpu.memory_space<vmem>>
    %dma_start3A_25 = arith.constant 0 : i32
    %dma_start3A_26 = arith.constant 0 : i32
    %dma_start3A_27 = tpu.memref_slice %arg3[%dma_start3A_25, %dma_start3A_26] : memref<1015808x64xf32, #tpu.memory_space<hbm>> -> memref<1015808x64xf32, #tpu.memory_space<hbm>>
    tpu.enqueue_indirect_dma source(%dma_start3A_27 : memref<1015808x64xf32, #tpu.memory_space<hbm>>) target(%dma_start3A_22 : memref<104x64xf32, #tpu.memory_space<vmem>>) offsets(%dma_start3A_24 : memref<104xi32, #tpu.memory_space<vmem>>) semaphore(%arg14 : memref<!tpu.dma_semaphore, #tpu.memory_space<semaphore_mem>>)
    %dma_start3A_28 = arith.constant 104 : i32
    %dma_start3A_29 = arith.constant 0 : i32
    %dma_start3A_30 = tpu.memref_slice %arg7[%dma_start3A_28, %dma_start3A_29] : memref<200x64xf32, #tpu.memory_space<vmem>> -> memref<96x64xf32, #tpu.memory_space<vmem>>
    %dma_start3A_31 = arith.constant 304 : i32
    %dma_start3A_32 = tpu.memref_slice %arg5[%dma_start3A_31] : memref<25600xi32, #tpu.memory_space<vmem>> -> memref<96xi32, #tpu.memory_space<vmem>>
    %dma_start3A_33 = arith.constant 0 : i32
    %dma_start3A_34 = arith.constant 0 : i32
    %dma_start3A_35 = tpu.memref_slice %arg3[%dma_start3A_33, %dma_start3A_34] : memref<1015808x64xf32, #tpu.memory_space<hbm>> -> memref<1015808x64xf32, #tpu.memory_space<hbm>>
    tpu.enqueue_indirect_dma source(%dma_start3A_35 : memref<1015808x64xf32, #tpu.memory_space<hbm>>) target(%dma_start3A_30 : memref<96x64xf32, #tpu.memory_space<vmem>>) offsets(%dma_start3A_32 : memref<96xi32, #tpu.memory_space<vmem>>) semaphore(%arg14 : memref<!tpu.dma_semaphore, #tpu.memory_space<semaphore_mem>>)
    %dma_start3A_36 = arith.constant 0 : i32
    %dma_start3A_37 = arith.constant 0 : i32
    %dma_start3A_38 = tpu.memref_slice %arg8[%dma_start3A_36, %dma_start3A_37] : memref<200x64xf32, #tpu.memory_space<vmem>> -> memref<104x64xf32, #tpu.memory_space<vmem>>
    %dma_start3A_39 = arith.constant 400 : i32
    %dma_start3A_40 = tpu.memref_slice %arg5[%dma_start3A_39] : memref<25600xi32, #tpu.memory_space<vmem>> -> memref<104xi32, #tpu.memory_space<vmem>>
    %dma_start3A_41 = arith.constant 0 : i32
    %dma_start3A_42 = arith.constant 0 : i32
    %dma_start3A_43 = tpu.memref_slice %arg3[%dma_start3A_41, %dma_start3A_42] : memref<1015808x64xf32, #tpu.memory_space<hbm>> -> memref<1015808x64xf32, #tpu.memory_space<hbm>>
    tpu.enqueue_indirect_dma source(%dma_start3A_43 : memref<1015808x64xf32, #tpu.memory_space<hbm>>) target(%dma_start3A_38 : memref<104x64xf32, #tpu.memory_space<vmem>>) offsets(%dma_start3A_40 : memref<104xi32, #tpu.memory_space<vmem>>) semaphore(%arg15 : memref<!tpu.dma_semaphore, #tpu.memory_space<semaphore_mem>>)
    %dma_start3A_44 = arith.constant 104 : i32
    %dma_start3A_45 = arith.constant 0 : i32
    %dma_start3A_46 = tpu.memref_slice %arg8[%dma_start3A_44, %dma_start3A_45] : memref<200x64xf32, #tpu.memory_space<vmem>> -> memref<96x64xf32, #tpu.memory_space<vmem>>
    %dma_start3A_47 = arith.constant 504 : i32
    %dma_start3A_48 = tpu.memref_slice %arg5[%dma_start3A_47] : memref<25600xi32, #tpu.memory_space<vmem>> -> memref<96xi32, #tpu.memory_space<vmem>>
    %dma_start3A_49 = arith.constant 0 : i32
    %dma_start3A_50 = arith.constant 0 : i32
    %dma_start3A_51 = tpu.memref_slice %arg3[%dma_start3A_49, %dma_start3A_50] : memref<1015808x64xf32, #tpu.memory_space<hbm>> -> memref<1015808x64xf32, #tpu.memory_space<hbm>>
    tpu.enqueue_indirect_dma source(%dma_start3A_51 : memref<1015808x64xf32, #tpu.memory_space<hbm>>) target(%dma_start3A_46 : memref<96x64xf32, #tpu.memory_space<vmem>>) offsets(%dma_start3A_48 : memref<96xi32, #tpu.memory_space<vmem>>) semaphore(%arg15 : memref<!tpu.dma_semaphore, #tpu.memory_space<semaphore_mem>>)
    %dma_start3A_52 = arith.constant 0 : i32
    %dma_start3A_53 = arith.constant 0 : i32
    %dma_start3A_54 = tpu.memref_slice %arg9[%dma_start3A_52, %dma_start3A_53] : memref<200x64xf32, #tpu.memory_space<vmem>> -> memref<104x64xf32, #tpu.memory_space<vmem>>
    %dma_start3A_55 = arith.constant 600 : i32
    %dma_start3A_56 = tpu.memref_slice %arg5[%dma_start3A_55] : memref<25600xi32, #tpu.memory_space<vmem>> -> memref<104xi32, #tpu.memory_space<vmem>>
    %dma_start3A_57 = arith.constant 0 : i32
    %dma_start3A_58 = arith.constant 0 : i32
    %dma_start3A_59 = tpu.memref_slice %arg3[%dma_start3A_57, %dma_start3A_58] : memref<1015808x64xf32, #tpu.memory_space<hbm>> -> memref<1015808x64xf32, #tpu.memory_space<hbm>>
    tpu.enqueue_indirect_dma source(%dma_start3A_59 : memref<1015808x64xf32, #tpu.memory_space<hbm>>) target(%dma_start3A_54 : memref<104x64xf32, #tpu.memory_space<vmem>>) offsets(%dma_start3A_56 : memref<104xi32, #tpu.memory_space<vmem>>) semaphore(%arg16 : memref<!tpu.dma_semaphore, #tpu.memory_space<semaphore_mem>>)
    %dma_start3A_60 = arith.constant 104 : i32
    %dma_start3A_61 = arith.constant 0 : i32
    %dma_start3A_62 = tpu.memref_slice %arg9[%dma_start3A_60, %dma_start3A_61] : memref<200x64xf32, #tpu.memory_space<vmem>> -> memref<96x64xf32, #tpu.memory_space<vmem>>
    %dma_start3A_63 = arith.constant 704 : i32
    %dma_start3A_64 = tpu.memref_slice %arg5[%dma_start3A_63] : memref<25600xi32, #tpu.memory_space<vmem>> -> memref<96xi32, #tpu.memory_space<vmem>>
    %dma_start3A_65 = arith.constant 0 : i32
    %dma_start3A_66 = arith.constant 0 : i32
    %dma_start3A_67 = tpu.memref_slice %arg3[%dma_start3A_65, %dma_start3A_66] : memref<1015808x64xf32, #tpu.memory_space<hbm>> -> memref<1015808x64xf32, #tpu.memory_space<hbm>>
    tpu.enqueue_indirect_dma source(%dma_start3A_67 : memref<1015808x64xf32, #tpu.memory_space<hbm>>) target(%dma_start3A_62 : memref<96x64xf32, #tpu.memory_space<vmem>>) offsets(%dma_start3A_64 : memref<96xi32, #tpu.memory_space<vmem>>) semaphore(%arg16 : memref<!tpu.dma_semaphore, #tpu.memory_space<semaphore_mem>>)
    %dma_start3A_68 = arith.constant 0 : i32
    %dma_start3A_69 = arith.constant 0 : i32
    %dma_start3A_70 = tpu.memref_slice %arg10[%dma_start3A_68, %dma_start3A_69] : memref<200x64xf32, #tpu.memory_space<vmem>> -> memref<104x64xf32, #tpu.memory_space<vmem>>
    %dma_start3A_71 = arith.constant 800 : i32
    %dma_start3A_72 = tpu.memref_slice %arg5[%dma_start3A_71] : memref<25600xi32, #tpu.memory_space<vmem>> -> memref<104xi32, #tpu.memory_space<vmem>>
    %dma_start3A_73 = arith.constant 0 : i32
    %dma_start3A_74 = arith.constant 0 : i32
    %dma_start3A_75 = tpu.memref_slice %arg3[%dma_start3A_73, %dma_start3A_74] : memref<1015808x64xf32, #tpu.memory_space<hbm>> -> memref<1015808x64xf32, #tpu.memory_space<hbm>>
    tpu.enqueue_indirect_dma source(%dma_start3A_75 : memref<1015808x64xf32, #tpu.memory_space<hbm>>) target(%dma_start3A_70 : memref<104x64xf32, #tpu.memory_space<vmem>>) offsets(%dma_start3A_72 : memref<104xi32, #tpu.memory_space<vmem>>) semaphore(%arg17 : memref<!tpu.dma_semaphore, #tpu.memory_space<semaphore_mem>>)
    %dma_start3A_76 = arith.constant 104 : i32
    %dma_start3A_77 = arith.constant 0 : i32
    %dma_start3A_78 = tpu.memref_slice %arg10[%dma_start3A_76, %dma_start3A_77] : memref<200x64xf32, #tpu.memory_space<vmem>> -> memref<96x64xf32, #tpu.memory_space<vmem>>
    %dma_start3A_79 = arith.constant 904 : i32
    %dma_start3A_80 = tpu.memref_slice %arg5[%dma_start3A_79] : memref<25600xi32, #tpu.memory_space<vmem>> -> memref<96xi32, #tpu.memory_space<vmem>>
    %dma_start3A_81 = arith.constant 0 : i32
    %dma_start3A_82 = arith.constant 0 : i32
    %dma_start3A_83 = tpu.memref_slice %arg3[%dma_start3A_81, %dma_start3A_82] : memref<1015808x64xf32, #tpu.memory_space<hbm>> -> memref<1015808x64xf32, #tpu.memory_space<hbm>>
    tpu.enqueue_indirect_dma source(%dma_start3A_83 : memref<1015808x64xf32, #tpu.memory_space<hbm>>) target(%dma_start3A_78 : memref<96x64xf32, #tpu.memory_space<vmem>>) offsets(%dma_start3A_80 : memref<96xi32, #tpu.memory_space<vmem>>) semaphore(%arg17 : memref<!tpu.dma_semaphore, #tpu.memory_space<semaphore_mem>>)
    %scan3A = arith.constant 0 : i32
    %scan3A_84 = arith.constant 0 : i32
    %scan3A_85 = arith.constant 21 : i32
    %scan3A_86 = arith.addi %scan3A_84, %scan3A_85 : i32
    %scan3A_87 = arith.constant 1 : i32
    scf.for %scan3A_198 = %scan3A_84 to %scan3A_86 step %scan3A_87  : i32 {
      %mul3A_199 = arith.constant 6 : i32
      %mul3A_200 = arith.muli %scan3A_198, %mul3A_199 : i32
      %add3A_201 = arith.constant 0 : i32
      %add3A_202 = arith.addi %mul3A_200, %add3A_201 : i32
      %add3A_203 = arith.constant 6 : i32
      %add3A_204 = arith.addi %add3A_202, %add3A_203 : i32
      %sub3A = arith.constant 1 : i32
      %sub3A_205 = arith.subi %add3A_204, %sub3A : i32
      %lt3A = arith.constant 128 : i32
      %lt3A_206 = arith.cmpi slt, %sub3A_205, %lt3A : i32
      %convert_element_type3A = arith.extui %lt3A_206 : i1 to i32
      %cond3A = arith.constant 0 : i32
      %cond3A_207 = arith.cmpi ne, %convert_element_type3A, %cond3A : i32
      scf.if %cond3A_207 {
        %mul3A_575 = arith.constant 200 : i32
        %mul3A_576 = arith.muli %sub3A_205, %mul3A_575 : i32
        %dma_start3A_577 = arith.constant 0 : i32
        %dma_start3A_578 = arith.constant 0 : i32
        %dma_start3A_579 = tpu.memref_slice %arg11[%dma_start3A_577, %dma_start3A_578] : memref<200x64xf32, #tpu.memory_space<vmem>> -> memref<104x64xf32, #tpu.memory_space<vmem>>
        %dma_start3A_580 = tpu.memref_slice %arg5[%mul3A_576] : memref<25600xi32, #tpu.memory_space<vmem>> -> memref<104xi32, #tpu.memory_space<vmem>>
        %dma_start3A_581 = arith.constant 0 : i32
        %dma_start3A_582 = arith.constant 0 : i32
        %dma_start3A_583 = tpu.memref_slice %arg3[%dma_start3A_581, %dma_start3A_582] : memref<1015808x64xf32, #tpu.memory_space<hbm>> -> memref<1015808x64xf32, #tpu.memory_space<hbm>>
        tpu.enqueue_indirect_dma source(%dma_start3A_583 : memref<1015808x64xf32, #tpu.memory_space<hbm>>) target(%dma_start3A_579 : memref<104x64xf32, #tpu.memory_space<vmem>>) offsets(%dma_start3A_580 : memref<104xi32, #tpu.memory_space<vmem>>) semaphore(%arg18 : memref<!tpu.dma_semaphore, #tpu.memory_space<semaphore_mem>>)
        %add3A_584 = arith.constant 104 : i32
        %add3A_585 = arith.addi %mul3A_576, %add3A_584 : i32
        %dma_start3A_586 = arith.constant 104 : i32
        %dma_start3A_587 = arith.constant 0 : i32
        %dma_start3A_588 = tpu.memref_slice %arg11[%dma_start3A_586, %dma_start3A_587] : memref<200x64xf32, #tpu.memory_space<vmem>> -> memref<96x64xf32, #tpu.memory_space<vmem>>
        %dma_start3A_589 = tpu.memref_slice %arg5[%add3A_585] : memref<25600xi32, #tpu.memory_space<vmem>> -> memref<96xi32, #tpu.memory_space<vmem>>
        %dma_start3A_590 = arith.constant 0 : i32
        %dma_start3A_591 = arith.constant 0 : i32
        %dma_start3A_592 = tpu.memref_slice %arg3[%dma_start3A_590, %dma_start3A_591] : memref<1015808x64xf32, #tpu.memory_space<hbm>> -> memref<1015808x64xf32, #tpu.memory_space<hbm>>
        tpu.enqueue_indirect_dma source(%dma_start3A_592 : memref<1015808x64xf32, #tpu.memory_space<hbm>>) target(%dma_start3A_588 : memref<96x64xf32, #tpu.memory_space<vmem>>) offsets(%dma_start3A_589 : memref<96xi32, #tpu.memory_space<vmem>>) semaphore(%arg18 : memref<!tpu.dma_semaphore, #tpu.memory_space<semaphore_mem>>)
      } else {
      }
      %dma_wait3A_208 = arith.constant 0 : i32
      %dma_wait3A_209 = arith.constant 0 : i32
      %dma_wait3A_210 = tpu.memref_slice %arg3[%dma_wait3A_208, %dma_wait3A_209] : memref<1015808x64xf32, #tpu.memory_space<hbm>> -> memref<200x64xf32, #tpu.memory_space<hbm>>
      %dma_wait3A_211 = arith.constant 0 : i32
      %dma_wait3A_212 = arith.constant 0 : i32
      %dma_wait3A_213 = tpu.memref_slice %arg3[%dma_wait3A_211, %dma_wait3A_212] : memref<1015808x64xf32, #tpu.memory_space<hbm>> -> memref<200x64xf32, #tpu.memory_space<hbm>>
      tpu.wait_dma2 semaphore(%arg13 : memref<!tpu.dma_semaphore, #tpu.memory_space<semaphore_mem>>) src(%dma_wait3A_213 : memref<200x64xf32, #tpu.memory_space<hbm>>) dst(%arg6 : memref<200x64xf32, #tpu.memory_space<vmem>>)
      %broadcast_in_dim3A_214 = arith.constant 0.000000e+00 : f32
      %broadcast_in_dim3A_215 = vector.broadcast %broadcast_in_dim3A_214 : f32 to vector<16xf32>
      %broadcast_in_dim3A_216 = arith.constant 0.000000e+00 : f32
      %broadcast_in_dim3A_217 = vector.broadcast %broadcast_in_dim3A_216 : f32 to vector<16xf32>
      %broadcast_in_dim3A_218 = arith.constant 0.000000e+00 : f32
      %broadcast_in_dim3A_219 = vector.broadcast %broadcast_in_dim3A_218 : f32 to vector<16xf32>
      %broadcast_in_dim3A_220 = arith.constant 0.000000e+00 : f32
      %broadcast_in_dim3A_221 = vector.broadcast %broadcast_in_dim3A_220 : f32 to vector<16xf32>
      %scan3A_222 = arith.constant 0 : i32
      %scan3A_223 = arith.constant 200 : i32
      %scan3A_224 = arith.addi %scan3A_222, %scan3A_223 : i32
      %scan3A_225 = arith.constant 4 : i32
      %scan3A_226:4 = scf.for %scan3A_575 = %scan3A_222 to %scan3A_224 step %scan3A_225 iter_args(%scan3A_576 = %broadcast_in_dim3A_215, %scan3A_577 = %broadcast_in_dim3A_217, %scan3A_578 = %broadcast_in_dim3A_219, %scan3A_579 = %broadcast_in_dim3A_221) -> (vector<16xf32>, vector<16xf32>, vector<16xf32>, vector<16xf32>)  : i32 {
        %get3A = arith.index_cast %scan3A_575 : i32 to index
        %get3A_580 = arith.constant 0 : index
        %get3A_581 = tpu.vector_load %arg6[%get3A, %get3A_580] {strides = array<i32>} : memref<200x64xf32, #tpu.memory_space<vmem>>, vector<1x16xf32>,
        %get3A_582 = vector.shape_cast %get3A_581 : vector<1x16xf32> to vector<16xf32>
        %add3A_583 = arith.addf %scan3A_576, %get3A_582 : vector<16xf32>
        %get3A_584 = arith.index_cast %scan3A_575 : i32 to index
        %get3A_585 = arith.constant 16 : index
        %get3A_586 = tpu.vector_load %arg6[%get3A_584, %get3A_585] {strides = array<i32>} : memref<200x64xf32, #tpu.memory_space<vmem>>, vector<1x16xf32>,
        %get3A_587 = vector.shape_cast %get3A_586 : vector<1x16xf32> to vector<16xf32>
        %add3A_588 = arith.addf %scan3A_577, %get3A_587 : vector<16xf32>
        %get3A_589 = arith.index_cast %scan3A_575 : i32 to index
        %get3A_590 = arith.constant 32 : index
        %get3A_591 = tpu.vector_load %arg6[%get3A_589, %get3A_590] {strides = array<i32>} : memref<200x64xf32, #tpu.memory_space<vmem>>, vector<1x16xf32>,
        %get3A_592 = vector.shape_cast %get3A_591 : vector<1x16xf32> to vector<16xf32>
        %add3A_593 = arith.addf %scan3A_578, %get3A_592 : vector<16xf32>
        %get3A_594 = arith.index_cast %scan3A_575 : i32 to index
        %get3A_595 = arith.constant 48 : index
        %get3A_596 = tpu.vector_load %arg6[%get3A_594, %get3A_595] {strides = array<i32>} : memref<200x64xf32, #tpu.memory_space<vmem>>, vector<1x16xf32>,
        %get3A_597 = vector.shape_cast %get3A_596 : vector<1x16xf32> to vector<16xf32>
        %add3A_598 = arith.addf %scan3A_579, %get3A_597 : vector<16xf32>
        %scan3A_599 = arith.constant 1 : i32
        %scan3A_600 = arith.addi %scan3A_575, %scan3A_599 : i32
        %get3A_601 = arith.index_cast %scan3A_600 : i32 to index
        %get3A_602 = arith.constant 0 : index
        %get3A_603 = tpu.vector_load %arg6[%get3A_601, %get3A_602] {strides = array<i32>} : memref<200x64xf32, #tpu.memory_space<vmem>>, vector<1x16xf32>,
        %get3A_604 = vector.shape_cast %get3A_603 : vector<1x16xf32> to vector<16xf32>
        %add3A_605 = arith.addf %add3A_583, %get3A_604 : vector<16xf32>
        %get3A_606 = arith.index_cast %scan3A_600 : i32 to index
        %get3A_607 = arith.constant 16 : index
        %get3A_608 = tpu.vector_load %arg6[%get3A_606, %get3A_607] {strides = array<i32>} : memref<200x64xf32, #tpu.memory_space<vmem>>, vector<1x16xf32>,
        %get3A_609 = vector.shape_cast %get3A_608 : vector<1x16xf32> to vector<16xf32>
        %add3A_610 = arith.addf %add3A_588, %get3A_609 : vector<16xf32>
        %get3A_611 = arith.index_cast %scan3A_600 : i32 to index
        %get3A_612 = arith.constant 32 : index
        %get3A_613 = tpu.vector_load %arg6[%get3A_611, %get3A_612] {strides = array<i32>} : memref<200x64xf32, #tpu.memory_space<vmem>>, vector<1x16xf32>,
        %get3A_614 = vector.shape_cast %get3A_613 : vector<1x16xf32> to vector<16xf32>
        %add3A_615 = arith.addf %add3A_593, %get3A_614 : vector<16xf32>
        %get3A_616 = arith.index_cast %scan3A_600 : i32 to index
        %get3A_617 = arith.constant 48 : index
        %get3A_618 = tpu.vector_load %arg6[%get3A_616, %get3A_617] {strides = array<i32>} : memref<200x64xf32, #tpu.memory_space<vmem>>, vector<1x16xf32>,
        %get3A_619 = vector.shape_cast %get3A_618 : vector<1x16xf32> to vector<16xf32>
        %add3A_620 = arith.addf %add3A_598, %get3A_619 : vector<16xf32>
        %scan3A_621 = arith.constant 2 : i32
        %scan3A_622 = arith.addi %scan3A_575, %scan3A_621 : i32
        %get3A_623 = arith.index_cast %scan3A_622 : i32 to index
        %get3A_624 = arith.constant 0 : index
        %get3A_625 = tpu.vector_load %arg6[%get3A_623, %get3A_624] {strides = array<i32>} : memref<200x64xf32, #tpu.memory_space<vmem>>, vector<1x16xf32>,
        %get3A_626 = vector.shape_cast %get3A_625 : vector<1x16xf32> to vector<16xf32>
        %add3A_627 = arith.addf %add3A_605, %get3A_626 : vector<16xf32>
        %get3A_628 = arith.index_cast %scan3A_622 : i32 to index
        %get3A_629 = arith.constant 16 : index
        %get3A_630 = tpu.vector_load %arg6[%get3A_628, %get3A_629] {strides = array<i32>} : memref<200x64xf32, #tpu.memory_space<vmem>>, vector<1x16xf32>,
        %get3A_631 = vector.shape_cast %get3A_630 : vector<1x16xf32> to vector<16xf32>
        %add3A_632 = arith.addf %add3A_610, %get3A_631 : vector<16xf32>
        %get3A_633 = arith.index_cast %scan3A_622 : i32 to index
        %get3A_634 = arith.constant 32 : index
        %get3A_635 = tpu.vector_load %arg6[%get3A_633, %get3A_634] {strides = array<i32>} : memref<200x64xf32, #tpu.memory_space<vmem>>, vector<1x16xf32>,
        %get3A_636 = vector.shape_cast %get3A_635 : vector<1x16xf32> to vector<16xf32>
        %add3A_637 = arith.addf %add3A_615, %get3A_636 : vector<16xf32>
        %get3A_638 = arith.index_cast %scan3A_622 : i32 to index
        %get3A_639 = arith.constant 48 : index
        %get3A_640 = tpu.vector_load %arg6[%get3A_638, %get3A_639] {strides = array<i32>} : memref<200x64xf32, #tpu.memory_space<vmem>>, vector<1x16xf32>,
        %get3A_641 = vector.shape_cast %get3A_640 : vector<1x16xf32> to vector<16xf32>
        %add3A_642 = arith.addf %add3A_620, %get3A_641 : vector<16xf32>
        %scan3A_643 = arith.constant 3 : i32
        %scan3A_644 = arith.addi %scan3A_575, %scan3A_643 : i32
        %get3A_645 = arith.index_cast %scan3A_644 : i32 to index
        %get3A_646 = arith.constant 0 : index
        %get3A_647 = tpu.vector_load %arg6[%get3A_645, %get3A_646] {strides = array<i32>} : memref<200x64xf32, #tpu.memory_space<vmem>>, vector<1x16xf32>,
        %get3A_648 = vector.shape_cast %get3A_647 : vector<1x16xf32> to vector<16xf32>
        %add3A_649 = arith.addf %add3A_627, %get3A_648 : vector<16xf32>
        %get3A_650 = arith.index_cast %scan3A_644 : i32 to index
        %get3A_651 = arith.constant 16 : index
        %get3A_652 = tpu.vector_load %arg6[%get3A_650, %get3A_651] {strides = array<i32>} : memref<200x64xf32, #tpu.memory_space<vmem>>, vector<1x16xf32>,
        %get3A_653 = vector.shape_cast %get3A_652 : vector<1x16xf32> to vector<16xf32>
        %add3A_654 = arith.addf %add3A_632, %get3A_653 : vector<16xf32>
        %get3A_655 = arith.index_cast %scan3A_644 : i32 to index
        %get3A_656 = arith.constant 32 : index
        %get3A_657 = tpu.vector_load %arg6[%get3A_655, %get3A_656] {strides = array<i32>} : memref<200x64xf32, #tpu.memory_space<vmem>>, vector<1x16xf32>,
        %get3A_658 = vector.shape_cast %get3A_657 : vector<1x16xf32> to vector<16xf32>
        %add3A_659 = arith.addf %add3A_637, %get3A_658 : vector<16xf32>
        %get3A_660 = arith.index_cast %scan3A_644 : i32 to index
        %get3A_661 = arith.constant 48 : index
        %get3A_662 = tpu.vector_load %arg6[%get3A_660, %get3A_661] {strides = array<i32>} : memref<200x64xf32, #tpu.memory_space<vmem>>, vector<1x16xf32>,
        %get3A_663 = vector.shape_cast %get3A_662 : vector<1x16xf32> to vector<16xf32>
        %add3A_664 = arith.addf %add3A_642, %get3A_663 : vector<16xf32>
        scf.yield %add3A_649, %add3A_654, %add3A_659, %add3A_664 : vector<16xf32>, vector<16xf32>, vector<16xf32>, vector<16xf32>
      }
      %scan3A_227 = arith.constant 200 : i32
      %mul3A_228 = arith.constant 5.000000e-03 : f32
      %mul3A_229 = vector.broadcast %mul3A_228 : f32 to vector<16xf32>
      %mul3A_230 = arith.mulf %scan3A_226#0, %mul3A_229 : vector<16xf32>
      %swap3A_231 = arith.index_cast %add3A_202 : i32 to index
      %swap3A_232 = arith.constant 0 : index
      %swap3A_233 = tpu.vector_load %arg12[%swap3A_231, %swap3A_232] {strides = array<i32>} : memref<128x64xf32, #tpu.memory_space<vmem>>, vector<1x16xf32>,
      %swap3A_234 = vector.shape_cast %swap3A_233 : vector<1x16xf32> to vector<16xf32>
      %swap3A_235 = vector.shape_cast %mul3A_230 : vector<16xf32> to vector<1x16xf32>
      tpu.vector_store %arg12[%swap3A_231, %swap3A_232], %swap3A_235 {strides = array<i32>} : memref<128x64xf32, #tpu.memory_space<vmem>>, vector<1x16xf32>,
      %mul3A_236 = arith.constant 5.000000e-03 : f32
      %mul3A_237 = vector.broadcast %mul3A_236 : f32 to vector<16xf32>
      %mul3A_238 = arith.mulf %scan3A_226#1, %mul3A_237 : vector<16xf32>
      %swap3A_239 = arith.index_cast %add3A_202 : i32 to index
      %swap3A_240 = arith.constant 16 : index
      %swap3A_241 = tpu.vector_load %arg12[%swap3A_239, %swap3A_240] {strides = array<i32>} : memref<128x64xf32, #tpu.memory_space<vmem>>, vector<1x16xf32>,
      %swap3A_242 = vector.shape_cast %swap3A_241 : vector<1x16xf32> to vector<16xf32>
      %swap3A_243 = vector.shape_cast %mul3A_238 : vector<16xf32> to vector<1x16xf32>
      tpu.vector_store %arg12[%swap3A_239, %swap3A_240], %swap3A_243 {strides = array<i32>} : memref<128x64xf32, #tpu.memory_space<vmem>>, vector<1x16xf32>,
      %mul3A_244 = arith.constant 5.000000e-03 : f32
      %mul3A_245 = vector.broadcast %mul3A_244 : f32 to vector<16xf32>
      %mul3A_246 = arith.mulf %scan3A_226#2, %mul3A_245 : vector<16xf32>
      %swap3A_247 = arith.index_cast %add3A_202 : i32 to index
      %swap3A_248 = arith.constant 32 : index
      %swap3A_249 = tpu.vector_load %arg12[%swap3A_247, %swap3A_248] {strides = array<i32>} : memref<128x64xf32, #tpu.memory_space<vmem>>, vector<1x16xf32>,
      %swap3A_250 = vector.shape_cast %swap3A_249 : vector<1x16xf32> to vector<16xf32>
      %swap3A_251 = vector.shape_cast %mul3A_246 : vector<16xf32> to vector<1x16xf32>
      tpu.vector_store %arg12[%swap3A_247, %swap3A_248], %swap3A_251 {strides = array<i32>} : memref<128x64xf32, #tpu.memory_space<vmem>>, vector<1x16xf32>,
      %mul3A_252 = arith.constant 5.000000e-03 : f32
      %mul3A_253 = vector.broadcast %mul3A_252 : f32 to vector<16xf32>
      %mul3A_254 = arith.mulf %scan3A_226#3, %mul3A_253 : vector<16xf32>
      %swap3A_255 = arith.index_cast %add3A_202 : i32 to index
      %swap3A_256 = arith.constant 48 : index
      %swap3A_257 = tpu.vector_load %arg12[%swap3A_255, %swap3A_256] {strides = array<i32>} : memref<128x64xf32, #tpu.memory_space<vmem>>, vector<1x16xf32>,
      %swap3A_258 = vector.shape_cast %swap3A_257 : vector<1x16xf32> to vector<16xf32>
      %swap3A_259 = vector.shape_cast %mul3A_254 : vector<16xf32> to vector<1x16xf32>
      tpu.vector_store %arg12[%swap3A_255, %swap3A_256], %swap3A_259 {strides = array<i32>} : memref<128x64xf32, #tpu.memory_space<vmem>>, vector<1x16xf32>,
      %add3A_260 = arith.constant 1 : i32
      %add3A_261 = arith.addi %mul3A_200, %add3A_260 : i32
      %add3A_262 = arith.constant 6 : i32
      %add3A_263 = arith.addi %add3A_261, %add3A_262 : i32
      %sub3A_264 = arith.constant 1 : i32
      %sub3A_265 = arith.subi %add3A_263, %sub3A_264 : i32
      %lt3A_266 = arith.constant 128 : i32
      %lt3A_267 = arith.cmpi slt, %sub3A_265, %lt3A_266 : i32
      %convert_element_type3A_268 = arith.extui %lt3A_267 : i1 to i32
      %cond3A_269 = arith.constant 0 : i32
      %cond3A_270 = arith.cmpi ne, %convert_element_type3A_268, %cond3A_269 : i32
      scf.if %cond3A_270 {
        %mul3A_575 = arith.constant 200 : i32
        %mul3A_576 = arith.muli %sub3A_265, %mul3A_575 : i32
        %dma_start3A_577 = arith.constant 0 : i32
        %dma_start3A_578 = arith.constant 0 : i32
        %dma_start3A_579 = tpu.memref_slice %arg6[%dma_start3A_577, %dma_start3A_578] : memref<200x64xf32, #tpu.memory_space<vmem>> -> memref<104x64xf32, #tpu.memory_space<vmem>>
        %dma_start3A_580 = tpu.memref_slice %arg5[%mul3A_576] : memref<25600xi32, #tpu.memory_space<vmem>> -> memref<104xi32, #tpu.memory_space<vmem>>
        %dma_start3A_581 = arith.constant 0 : i32
        %dma_start3A_582 = arith.constant 0 : i32
        %dma_start3A_583 = tpu.memref_slice %arg3[%dma_start3A_581, %dma_start3A_582] : memref<1015808x64xf32, #tpu.memory_space<hbm>> -> memref<1015808x64xf32, #tpu.memory_space<hbm>>
        tpu.enqueue_indirect_dma source(%dma_start3A_583 : memref<1015808x64xf32, #tpu.memory_space<hbm>>) target(%dma_start3A_579 : memref<104x64xf32, #tpu.memory_space<vmem>>) offsets(%dma_start3A_580 : memref<104xi32, #tpu.memory_space<vmem>>) semaphore(%arg13 : memref<!tpu.dma_semaphore, #tpu.memory_space<semaphore_mem>>)
        %add3A_584 = arith.constant 104 : i32
        %add3A_585 = arith.addi %mul3A_576, %add3A_584 : i32
        %dma_start3A_586 = arith.constant 104 : i32
        %dma_start3A_587 = arith.constant 0 : i32
        %dma_start3A_588 = tpu.memref_slice %arg6[%dma_start3A_586, %dma_start3A_587] : memref<200x64xf32, #tpu.memory_space<vmem>> -> memref<96x64xf32, #tpu.memory_space<vmem>>
        %dma_start3A_589 = tpu.memref_slice %arg5[%add3A_585] : memref<25600xi32, #tpu.memory_space<vmem>> -> memref<96xi32, #tpu.memory_space<vmem>>
        %dma_start3A_590 = arith.constant 0 : i32
        %dma_start3A_591 = arith.constant 0 : i32
        %dma_start3A_592 = tpu.memref_slice %arg3[%dma_start3A_590, %dma_start3A_591] : memref<1015808x64xf32, #tpu.memory_space<hbm>> -> memref<1015808x64xf32, #tpu.memory_space<hbm>>
        tpu.enqueue_indirect_dma source(%dma_start3A_592 : memref<1015808x64xf32, #tpu.memory_space<hbm>>) target(%dma_start3A_588 : memref<96x64xf32, #tpu.memory_space<vmem>>) offsets(%dma_start3A_589 : memref<96xi32, #tpu.memory_space<vmem>>) semaphore(%arg13 : memref<!tpu.dma_semaphore, #tpu.memory_space<semaphore_mem>>)
      } else {
      }
      %dma_wait3A_271 = arith.constant 0 : i32
      %dma_wait3A_272 = arith.constant 0 : i32
      %dma_wait3A_273 = tpu.memref_slice %arg3[%dma_wait3A_271, %dma_wait3A_272] : memref<1015808x64xf32, #tpu.memory_space<hbm>> -> memref<200x64xf32, #tpu.memory_space<hbm>>
      %dma_wait3A_274 = arith.constant 0 : i32
      %dma_wait3A_275 = arith.constant 0 : i32
      %dma_wait3A_276 = tpu.memref_slice %arg3[%dma_wait3A_274, %dma_wait3A_275] : memref<1015808x64xf32, #tpu.memory_space<hbm>> -> memref<200x64xf32, #tpu.memory_space<hbm>>
      tpu.wait_dma2 semaphore(%arg14 : memref<!tpu.dma_semaphore, #tpu.memory_space<semaphore_mem>>) src(%dma_wait3A_276 : memref<200x64xf32, #tpu.memory_space<hbm>>) dst(%arg7 : memref<200x64xf32, #tpu.memory_space<vmem>>)
      %broadcast_in_dim3A_277 = arith.constant 0.000000e+00 : f32
      %broadcast_in_dim3A_278 = vector.broadcast %broadcast_in_dim3A_277 : f32 to vector<16xf32>
      %broadcast_in_dim3A_279 = arith.constant 0.000000e+00 : f32
      %broadcast_in_dim3A_280 = vector.broadcast %broadcast_in_dim3A_279 : f32 to vector<16xf32>
      %broadcast_in_dim3A_281 = arith.constant 0.000000e+00 : f32
      %broadcast_in_dim3A_282 = vector.broadcast %broadcast_in_dim3A_281 : f32 to vector<16xf32>
      %broadcast_in_dim3A_283 = arith.constant 0.000000e+00 : f32
      %broadcast_in_dim3A_284 = vector.broadcast %broadcast_in_dim3A_283 : f32 to vector<16xf32>
      %scan3A_285 = arith.constant 0 : i32
      %scan3A_286 = arith.constant 200 : i32
      %scan3A_287 = arith.addi %scan3A_285, %scan3A_286 : i32
      %scan3A_288 = arith.constant 4 : i32
      %scan3A_289:4 = scf.for %scan3A_575 = %scan3A_285 to %scan3A_287 step %scan3A_288 iter_args(%scan3A_576 = %broadcast_in_dim3A_278, %scan3A_577 = %broadcast_in_dim3A_280, %scan3A_578 = %broadcast_in_dim3A_282, %scan3A_579 = %broadcast_in_dim3A_284) -> (vector<16xf32>, vector<16xf32>, vector<16xf32>, vector<16xf32>)  : i32 {
        %get3A = arith.index_cast %scan3A_575 : i32 to index
        %get3A_580 = arith.constant 0 : index
        %get3A_581 = tpu.vector_load %arg7[%get3A, %get3A_580] {strides = array<i32>} : memref<200x64xf32, #tpu.memory_space<vmem>>, vector<1x16xf32>,
        %get3A_582 = vector.shape_cast %get3A_581 : vector<1x16xf32> to vector<16xf32>
        %add3A_583 = arith.addf %scan3A_576, %get3A_582 : vector<16xf32>
        %get3A_584 = arith.index_cast %scan3A_575 : i32 to index
        %get3A_585 = arith.constant 16 : index
        %get3A_586 = tpu.vector_load %arg7[%get3A_584, %get3A_585] {strides = array<i32>} : memref<200x64xf32, #tpu.memory_space<vmem>>, vector<1x16xf32>,
        %get3A_587 = vector.shape_cast %get3A_586 : vector<1x16xf32> to vector<16xf32>
        %add3A_588 = arith.addf %scan3A_577, %get3A_587 : vector<16xf32>
        %get3A_589 = arith.index_cast %scan3A_575 : i32 to index
        %get3A_590 = arith.constant 32 : index
        %get3A_591 = tpu.vector_load %arg7[%get3A_589, %get3A_590] {strides = array<i32>} : memref<200x64xf32, #tpu.memory_space<vmem>>, vector<1x16xf32>,
        %get3A_592 = vector.shape_cast %get3A_591 : vector<1x16xf32> to vector<16xf32>
        %add3A_593 = arith.addf %scan3A_578, %get3A_592 : vector<16xf32>
        %get3A_594 = arith.index_cast %scan3A_575 : i32 to index
        %get3A_595 = arith.constant 48 : index
        %get3A_596 = tpu.vector_load %arg7[%get3A_594, %get3A_595] {strides = array<i32>} : memref<200x64xf32, #tpu.memory_space<vmem>>, vector<1x16xf32>,
        %get3A_597 = vector.shape_cast %get3A_596 : vector<1x16xf32> to vector<16xf32>
        %add3A_598 = arith.addf %scan3A_579, %get3A_597 : vector<16xf32>
        %scan3A_599 = arith.constant 1 : i32
        %scan3A_600 = arith.addi %scan3A_575, %scan3A_599 : i32
        %get3A_601 = arith.index_cast %scan3A_600 : i32 to index
        %get3A_602 = arith.constant 0 : index
        %get3A_603 = tpu.vector_load %arg7[%get3A_601, %get3A_602] {strides = array<i32>} : memref<200x64xf32, #tpu.memory_space<vmem>>, vector<1x16xf32>,
        %get3A_604 = vector.shape_cast %get3A_603 : vector<1x16xf32> to vector<16xf32>
        %add3A_605 = arith.addf %add3A_583, %get3A_604 : vector<16xf32>
        %get3A_606 = arith.index_cast %scan3A_600 : i32 to index
        %get3A_607 = arith.constant 16 : index
        %get3A_608 = tpu.vector_load %arg7[%get3A_606, %get3A_607] {strides = array<i32>} : memref<200x64xf32, #tpu.memory_space<vmem>>, vector<1x16xf32>,
        %get3A_609 = vector.shape_cast %get3A_608 : vector<1x16xf32> to vector<16xf32>
        %add3A_610 = arith.addf %add3A_588, %get3A_609 : vector<16xf32>
        %get3A_611 = arith.index_cast %scan3A_600 : i32 to index
        %get3A_612 = arith.constant 32 : index
        %get3A_613 = tpu.vector_load %arg7[%get3A_611, %get3A_612] {strides = array<i32>} : memref<200x64xf32, #tpu.memory_space<vmem>>, vector<1x16xf32>,
        %get3A_614 = vector.shape_cast %get3A_613 : vector<1x16xf32> to vector<16xf32>
        %add3A_615 = arith.addf %add3A_593, %get3A_614 : vector<16xf32>
        %get3A_616 = arith.index_cast %scan3A_600 : i32 to index
        %get3A_617 = arith.constant 48 : index
        %get3A_618 = tpu.vector_load %arg7[%get3A_616, %get3A_617] {strides = array<i32>} : memref<200x64xf32, #tpu.memory_space<vmem>>, vector<1x16xf32>,
        %get3A_619 = vector.shape_cast %get3A_618 : vector<1x16xf32> to vector<16xf32>
        %add3A_620 = arith.addf %add3A_598, %get3A_619 : vector<16xf32>
        %scan3A_621 = arith.constant 2 : i32
        %scan3A_622 = arith.addi %scan3A_575, %scan3A_621 : i32
        %get3A_623 = arith.index_cast %scan3A_622 : i32 to index
        %get3A_624 = arith.constant 0 : index
        %get3A_625 = tpu.vector_load %arg7[%get3A_623, %get3A_624] {strides = array<i32>} : memref<200x64xf32, #tpu.memory_space<vmem>>, vector<1x16xf32>,
        %get3A_626 = vector.shape_cast %get3A_625 : vector<1x16xf32> to vector<16xf32>
        %add3A_627 = arith.addf %add3A_605, %get3A_626 : vector<16xf32>
        %get3A_628 = arith.index_cast %scan3A_622 : i32 to index
        %get3A_629 = arith.constant 16 : index
        %get3A_630 = tpu.vector_load %arg7[%get3A_628, %get3A_629] {strides = array<i32>} : memref<200x64xf32, #tpu.memory_space<vmem>>, vector<1x16xf32>,
        %get3A_631 = vector.shape_cast %get3A_630 : vector<1x16xf32> to vector<16xf32>
        %add3A_632 = arith.addf %add3A_610, %get3A_631 : vector<16xf32>
        %get3A_633 = arith.index_cast %scan3A_622 : i32 to index
        %get3A_634 = arith.constant 32 : index
        %get3A_635 = tpu.vector_load %arg7[%get3A_633, %get3A_634] {strides = array<i32>} : memref<200x64xf32, #tpu.memory_space<vmem>>, vector<1x16xf32>,
        %get3A_636 = vector.shape_cast %get3A_635 : vector<1x16xf32> to vector<16xf32>
        %add3A_637 = arith.addf %add3A_615, %get3A_636 : vector<16xf32>
        %get3A_638 = arith.index_cast %scan3A_622 : i32 to index
        %get3A_639 = arith.constant 48 : index
        %get3A_640 = tpu.vector_load %arg7[%get3A_638, %get3A_639] {strides = array<i32>} : memref<200x64xf32, #tpu.memory_space<vmem>>, vector<1x16xf32>,
        %get3A_641 = vector.shape_cast %get3A_640 : vector<1x16xf32> to vector<16xf32>
        %add3A_642 = arith.addf %add3A_620, %get3A_641 : vector<16xf32>
        %scan3A_643 = arith.constant 3 : i32
        %scan3A_644 = arith.addi %scan3A_575, %scan3A_643 : i32
        %get3A_645 = arith.index_cast %scan3A_644 : i32 to index
        %get3A_646 = arith.constant 0 : index
        %get3A_647 = tpu.vector_load %arg7[%get3A_645, %get3A_646] {strides = array<i32>} : memref<200x64xf32, #tpu.memory_space<vmem>>, vector<1x16xf32>,
        %get3A_648 = vector.shape_cast %get3A_647 : vector<1x16xf32> to vector<16xf32>
        %add3A_649 = arith.addf %add3A_627, %get3A_648 : vector<16xf32>
        %get3A_650 = arith.index_cast %scan3A_644 : i32 to index
        %get3A_651 = arith.constant 16 : index
        %get3A_652 = tpu.vector_load %arg7[%get3A_650, %get3A_651] {strides = array<i32>} : memref<200x64xf32, #tpu.memory_space<vmem>>, vector<1x16xf32>,
        %get3A_653 = vector.shape_cast %get3A_652 : vector<1x16xf32> to vector<16xf32>
        %add3A_654 = arith.addf %add3A_632, %get3A_653 : vector<16xf32>
        %get3A_655 = arith.index_cast %scan3A_644 : i32 to index
        %get3A_656 = arith.constant 32 : index
        %get3A_657 = tpu.vector_load %arg7[%get3A_655, %get3A_656] {strides = array<i32>} : memref<200x64xf32, #tpu.memory_space<vmem>>, vector<1x16xf32>,
        %get3A_658 = vector.shape_cast %get3A_657 : vector<1x16xf32> to vector<16xf32>
        %add3A_659 = arith.addf %add3A_637, %get3A_658 : vector<16xf32>
        %get3A_660 = arith.index_cast %scan3A_644 : i32 to index
        %get3A_661 = arith.constant 48 : index
        %get3A_662 = tpu.vector_load %arg7[%get3A_660, %get3A_661] {strides = array<i32>} : memref<200x64xf32, #tpu.memory_space<vmem>>, vector<1x16xf32>,
        %get3A_663 = vector.shape_cast %get3A_662 : vector<1x16xf32> to vector<16xf32>
        %add3A_664 = arith.addf %add3A_642, %get3A_663 : vector<16xf32>
        scf.yield %add3A_649, %add3A_654, %add3A_659, %add3A_664 : vector<16xf32>, vector<16xf32>, vector<16xf32>, vector<16xf32>
      }
      %scan3A_290 = arith.constant 200 : i32
      %mul3A_291 = arith.constant 5.000000e-03 : f32
      %mul3A_292 = vector.broadcast %mul3A_291 : f32 to vector<16xf32>
      %mul3A_293 = arith.mulf %scan3A_289#0, %mul3A_292 : vector<16xf32>
      %swap3A_294 = arith.index_cast %add3A_261 : i32 to index
      %swap3A_295 = arith.constant 0 : index
      %swap3A_296 = tpu.vector_load %arg12[%swap3A_294, %swap3A_295] {strides = array<i32>} : memref<128x64xf32, #tpu.memory_space<vmem>>, vector<1x16xf32>,
      %swap3A_297 = vector.shape_cast %swap3A_296 : vector<1x16xf32> to vector<16xf32>
      %swap3A_298 = vector.shape_cast %mul3A_293 : vector<16xf32> to vector<1x16xf32>
      tpu.vector_store %arg12[%swap3A_294, %swap3A_295], %swap3A_298 {strides = array<i32>} : memref<128x64xf32, #tpu.memory_space<vmem>>, vector<1x16xf32>,
      %mul3A_299 = arith.constant 5.000000e-03 : f32
      %mul3A_300 = vector.broadcast %mul3A_299 : f32 to vector<16xf32>
      %mul3A_301 = arith.mulf %scan3A_289#1, %mul3A_300 : vector<16xf32>
      %swap3A_302 = arith.index_cast %add3A_261 : i32 to index
      %swap3A_303 = arith.constant 16 : index
      %swap3A_304 = tpu.vector_load %arg12[%swap3A_302, %swap3A_303] {strides = array<i32>} : memref<128x64xf32, #tpu.memory_space<vmem>>, vector<1x16xf32>,
      %swap3A_305 = vector.shape_cast %swap3A_304 : vector<1x16xf32> to vector<16xf32>
      %swap3A_306 = vector.shape_cast %mul3A_301 : vector<16xf32> to vector<1x16xf32>
      tpu.vector_store %arg12[%swap3A_302, %swap3A_303], %swap3A_306 {strides = array<i32>} : memref<128x64xf32, #tpu.memory_space<vmem>>, vector<1x16xf32>,
      %mul3A_307 = arith.constant 5.000000e-03 : f32
      %mul3A_308 = vector.broadcast %mul3A_307 : f32 to vector<16xf32>
      %mul3A_309 = arith.mulf %scan3A_289#2, %mul3A_308 : vector<16xf32>
      %swap3A_310 = arith.index_cast %add3A_261 : i32 to index
      %swap3A_311 = arith.constant 32 : index
      %swap3A_312 = tpu.vector_load %arg12[%swap3A_310, %swap3A_311] {strides = array<i32>} : memref<128x64xf32, #tpu.memory_space<vmem>>, vector<1x16xf32>,
      %swap3A_313 = vector.shape_cast %swap3A_312 : vector<1x16xf32> to vector<16xf32>
      %swap3A_314 = vector.shape_cast %mul3A_309 : vector<16xf32> to vector<1x16xf32>
      tpu.vector_store %arg12[%swap3A_310, %swap3A_311], %swap3A_314 {strides = array<i32>} : memref<128x64xf32, #tpu.memory_space<vmem>>, vector<1x16xf32>,
      %mul3A_315 = arith.constant 5.000000e-03 : f32
      %mul3A_316 = vector.broadcast %mul3A_315 : f32 to vector<16xf32>
      %mul3A_317 = arith.mulf %scan3A_289#3, %mul3A_316 : vector<16xf32>
      %swap3A_318 = arith.index_cast %add3A_261 : i32 to index
      %swap3A_319 = arith.constant 48 : index
      %swap3A_320 = tpu.vector_load %arg12[%swap3A_318, %swap3A_319] {strides = array<i32>} : memref<128x64xf32, #tpu.memory_space<vmem>>, vector<1x16xf32>,
      %swap3A_321 = vector.shape_cast %swap3A_320 : vector<1x16xf32> to vector<16xf32>
      %swap3A_322 = vector.shape_cast %mul3A_317 : vector<16xf32> to vector<1x16xf32>
      tpu.vector_store %arg12[%swap3A_318, %swap3A_319], %swap3A_322 {strides = array<i32>} : memref<128x64xf32, #tpu.memory_space<vmem>>, vector<1x16xf32>,
      %add3A_323 = arith.constant 2 : i32
      %add3A_324 = arith.addi %mul3A_200, %add3A_323 : i32
      %add3A_325 = arith.constant 6 : i32
      %add3A_326 = arith.addi %add3A_324, %add3A_325 : i32
      %sub3A_327 = arith.constant 1 : i32
      %sub3A_328 = arith.subi %add3A_326, %sub3A_327 : i32
      %lt3A_329 = arith.constant 128 : i32
      %lt3A_330 = arith.cmpi slt, %sub3A_328, %lt3A_329 : i32
      %convert_element_type3A_331 = arith.extui %lt3A_330 : i1 to i32
      %cond3A_332 = arith.constant 0 : i32
      %cond3A_333 = arith.cmpi ne, %convert_element_type3A_331, %cond3A_332 : i32
      scf.if %cond3A_333 {
        %mul3A_575 = arith.constant 200 : i32
        %mul3A_576 = arith.muli %sub3A_328, %mul3A_575 : i32
        %dma_start3A_577 = arith.constant 0 : i32
        %dma_start3A_578 = arith.constant 0 : i32
        %dma_start3A_579 = tpu.memref_slice %arg7[%dma_start3A_577, %dma_start3A_578] : memref<200x64xf32, #tpu.memory_space<vmem>> -> memref<104x64xf32, #tpu.memory_space<vmem>>
        %dma_start3A_580 = tpu.memref_slice %arg5[%mul3A_576] : memref<25600xi32, #tpu.memory_space<vmem>> -> memref<104xi32, #tpu.memory_space<vmem>>
        %dma_start3A_581 = arith.constant 0 : i32
        %dma_start3A_582 = arith.constant 0 : i32
        %dma_start3A_583 = tpu.memref_slice %arg3[%dma_start3A_581, %dma_start3A_582] : memref<1015808x64xf32, #tpu.memory_space<hbm>> -> memref<1015808x64xf32, #tpu.memory_space<hbm>>
        tpu.enqueue_indirect_dma source(%dma_start3A_583 : memref<1015808x64xf32, #tpu.memory_space<hbm>>) target(%dma_start3A_579 : memref<104x64xf32, #tpu.memory_space<vmem>>) offsets(%dma_start3A_580 : memref<104xi32, #tpu.memory_space<vmem>>) semaphore(%arg14 : memref<!tpu.dma_semaphore, #tpu.memory_space<semaphore_mem>>)
        %add3A_584 = arith.constant 104 : i32
        %add3A_585 = arith.addi %mul3A_576, %add3A_584 : i32
        %dma_start3A_586 = arith.constant 104 : i32
        %dma_start3A_587 = arith.constant 0 : i32
        %dma_start3A_588 = tpu.memref_slice %arg7[%dma_start3A_586, %dma_start3A_587] : memref<200x64xf32, #tpu.memory_space<vmem>> -> memref<96x64xf32, #tpu.memory_space<vmem>>
        %dma_start3A_589 = tpu.memref_slice %arg5[%add3A_585] : memref<25600xi32, #tpu.memory_space<vmem>> -> memref<96xi32, #tpu.memory_space<vmem>>
        %dma_start3A_590 = arith.constant 0 : i32
        %dma_start3A_591 = arith.constant 0 : i32
        %dma_start3A_592 = tpu.memref_slice %arg3[%dma_start3A_590, %dma_start3A_591] : memref<1015808x64xf32, #tpu.memory_space<hbm>> -> memref<1015808x64xf32, #tpu.memory_space<hbm>>
        tpu.enqueue_indirect_dma source(%dma_start3A_592 : memref<1015808x64xf32, #tpu.memory_space<hbm>>) target(%dma_start3A_588 : memref<96x64xf32, #tpu.memory_space<vmem>>) offsets(%dma_start3A_589 : memref<96xi32, #tpu.memory_space<vmem>>) semaphore(%arg14 : memref<!tpu.dma_semaphore, #tpu.memory_space<semaphore_mem>>)
      } else {
      }
      %dma_wait3A_334 = arith.constant 0 : i32
      %dma_wait3A_335 = arith.constant 0 : i32
      %dma_wait3A_336 = tpu.memref_slice %arg3[%dma_wait3A_334, %dma_wait3A_335] : memref<1015808x64xf32, #tpu.memory_space<hbm>> -> memref<200x64xf32, #tpu.memory_space<hbm>>
      %dma_wait3A_337 = arith.constant 0 : i32
      %dma_wait3A_338 = arith.constant 0 : i32
      %dma_wait3A_339 = tpu.memref_slice %arg3[%dma_wait3A_337, %dma_wait3A_338] : memref<1015808x64xf32, #tpu.memory_space<hbm>> -> memref<200x64xf32, #tpu.memory_space<hbm>>
      tpu.wait_dma2 semaphore(%arg15 : memref<!tpu.dma_semaphore, #tpu.memory_space<semaphore_mem>>) src(%dma_wait3A_339 : memref<200x64xf32, #tpu.memory_space<hbm>>) dst(%arg8 : memref<200x64xf32, #tpu.memory_space<vmem>>)
      %broadcast_in_dim3A_340 = arith.constant 0.000000e+00 : f32
      %broadcast_in_dim3A_341 = vector.broadcast %broadcast_in_dim3A_340 : f32 to vector<16xf32>
      %broadcast_in_dim3A_342 = arith.constant 0.000000e+00 : f32
      %broadcast_in_dim3A_343 = vector.broadcast %broadcast_in_dim3A_342 : f32 to vector<16xf32>
      %broadcast_in_dim3A_344 = arith.constant 0.000000e+00 : f32
      %broadcast_in_dim3A_345 = vector.broadcast %broadcast_in_dim3A_344 : f32 to vector<16xf32>
      %broadcast_in_dim3A_346 = arith.constant 0.000000e+00 : f32
      %broadcast_in_dim3A_347 = vector.broadcast %broadcast_in_dim3A_346 : f32 to vector<16xf32>
      %scan3A_348 = arith.constant 0 : i32
      %scan3A_349 = arith.constant 200 : i32
      %scan3A_350 = arith.addi %scan3A_348, %scan3A_349 : i32
      %scan3A_351 = arith.constant 4 : i32
      %scan3A_352:4 = scf.for %scan3A_575 = %scan3A_348 to %scan3A_350 step %scan3A_351 iter_args(%scan3A_576 = %broadcast_in_dim3A_341, %scan3A_577 = %broadcast_in_dim3A_343, %scan3A_578 = %broadcast_in_dim3A_345, %scan3A_579 = %broadcast_in_dim3A_347) -> (vector<16xf32>, vector<16xf32>, vector<16xf32>, vector<16xf32>)  : i32 {
        %get3A = arith.index_cast %scan3A_575 : i32 to index
        %get3A_580 = arith.constant 0 : index
        %get3A_581 = tpu.vector_load %arg8[%get3A, %get3A_580] {strides = array<i32>} : memref<200x64xf32, #tpu.memory_space<vmem>>, vector<1x16xf32>,
        %get3A_582 = vector.shape_cast %get3A_581 : vector<1x16xf32> to vector<16xf32>
        %add3A_583 = arith.addf %scan3A_576, %get3A_582 : vector<16xf32>
        %get3A_584 = arith.index_cast %scan3A_575 : i32 to index
        %get3A_585 = arith.constant 16 : index
        %get3A_586 = tpu.vector_load %arg8[%get3A_584, %get3A_585] {strides = array<i32>} : memref<200x64xf32, #tpu.memory_space<vmem>>, vector<1x16xf32>,
        %get3A_587 = vector.shape_cast %get3A_586 : vector<1x16xf32> to vector<16xf32>
        %add3A_588 = arith.addf %scan3A_577, %get3A_587 : vector<16xf32>
        %get3A_589 = arith.index_cast %scan3A_575 : i32 to index
        %get3A_590 = arith.constant 32 : index
        %get3A_591 = tpu.vector_load %arg8[%get3A_589, %get3A_590] {strides = array<i32>} : memref<200x64xf32, #tpu.memory_space<vmem>>, vector<1x16xf32>,
        %get3A_592 = vector.shape_cast %get3A_591 : vector<1x16xf32> to vector<16xf32>
        %add3A_593 = arith.addf %scan3A_578, %get3A_592 : vector<16xf32>
        %get3A_594 = arith.index_cast %scan3A_575 : i32 to index
        %get3A_595 = arith.constant 48 : index
        %get3A_596 = tpu.vector_load %arg8[%get3A_594, %get3A_595] {strides = array<i32>} : memref<200x64xf32, #tpu.memory_space<vmem>>, vector<1x16xf32>,
        %get3A_597 = vector.shape_cast %get3A_596 : vector<1x16xf32> to vector<16xf32>
        %add3A_598 = arith.addf %scan3A_579, %get3A_597 : vector<16xf32>
        %scan3A_599 = arith.constant 1 : i32
        %scan3A_600 = arith.addi %scan3A_575, %scan3A_599 : i32
        %get3A_601 = arith.index_cast %scan3A_600 : i32 to index
        %get3A_602 = arith.constant 0 : index
        %get3A_603 = tpu.vector_load %arg8[%get3A_601, %get3A_602] {strides = array<i32>} : memref<200x64xf32, #tpu.memory_space<vmem>>, vector<1x16xf32>,
        %get3A_604 = vector.shape_cast %get3A_603 : vector<1x16xf32> to vector<16xf32>
        %add3A_605 = arith.addf %add3A_583, %get3A_604 : vector<16xf32>
        %get3A_606 = arith.index_cast %scan3A_600 : i32 to index
        %get3A_607 = arith.constant 16 : index
        %get3A_608 = tpu.vector_load %arg8[%get3A_606, %get3A_607] {strides = array<i32>} : memref<200x64xf32, #tpu.memory_space<vmem>>, vector<1x16xf32>,
        %get3A_609 = vector.shape_cast %get3A_608 : vector<1x16xf32> to vector<16xf32>
        %add3A_610 = arith.addf %add3A_588, %get3A_609 : vector<16xf32>
        %get3A_611 = arith.index_cast %scan3A_600 : i32 to index
        %get3A_612 = arith.constant 32 : index
        %get3A_613 = tpu.vector_load %arg8[%get3A_611, %get3A_612] {strides = array<i32>} : memref<200x64xf32, #tpu.memory_space<vmem>>, vector<1x16xf32>,
        %get3A_614 = vector.shape_cast %get3A_613 : vector<1x16xf32> to vector<16xf32>
        %add3A_615 = arith.addf %add3A_593, %get3A_614 : vector<16xf32>
        %get3A_616 = arith.index_cast %scan3A_600 : i32 to index
        %get3A_617 = arith.constant 48 : index
        %get3A_618 = tpu.vector_load %arg8[%get3A_616, %get3A_617] {strides = array<i32>} : memref<200x64xf32, #tpu.memory_space<vmem>>, vector<1x16xf32>,
        %get3A_619 = vector.shape_cast %get3A_618 : vector<1x16xf32> to vector<16xf32>
        %add3A_620 = arith.addf %add3A_598, %get3A_619 : vector<16xf32>
        %scan3A_621 = arith.constant 2 : i32
        %scan3A_622 = arith.addi %scan3A_575, %scan3A_621 : i32
        %get3A_623 = arith.index_cast %scan3A_622 : i32 to index
        %get3A_624 = arith.constant 0 : index
        %get3A_625 = tpu.vector_load %arg8[%get3A_623, %get3A_624] {strides = array<i32>} : memref<200x64xf32, #tpu.memory_space<vmem>>, vector<1x16xf32>,
        %get3A_626 = vector.shape_cast %get3A_625 : vector<1x16xf32> to vector<16xf32>
        %add3A_627 = arith.addf %add3A_605, %get3A_626 : vector<16xf32>
        %get3A_628 = arith.index_cast %scan3A_622 : i32 to index
        %get3A_629 = arith.constant 16 : index
        %get3A_630 = tpu.vector_load %arg8[%get3A_628, %get3A_629] {strides = array<i32>} : memref<200x64xf32, #tpu.memory_space<vmem>>, vector<1x16xf32>,
        %get3A_631 = vector.shape_cast %get3A_630 : vector<1x16xf32> to vector<16xf32>
        %add3A_632 = arith.addf %add3A_610, %get3A_631 : vector<16xf32>
        %get3A_633 = arith.index_cast %scan3A_622 : i32 to index
        %get3A_634 = arith.constant 32 : index
        %get3A_635 = tpu.vector_load %arg8[%get3A_633, %get3A_634] {strides = array<i32>} : memref<200x64xf32, #tpu.memory_space<vmem>>, vector<1x16xf32>,
        %get3A_636 = vector.shape_cast %get3A_635 : vector<1x16xf32> to vector<16xf32>
        %add3A_637 = arith.addf %add3A_615, %get3A_636 : vector<16xf32>
        %get3A_638 = arith.index_cast %scan3A_622 : i32 to index
        %get3A_639 = arith.constant 48 : index
        %get3A_640 = tpu.vector_load %arg8[%get3A_638, %get3A_639] {strides = array<i32>} : memref<200x64xf32, #tpu.memory_space<vmem>>, vector<1x16xf32>,
        %get3A_641 = vector.shape_cast %get3A_640 : vector<1x16xf32> to vector<16xf32>
        %add3A_642 = arith.addf %add3A_620, %get3A_641 : vector<16xf32>
        %scan3A_643 = arith.constant 3 : i32
        %scan3A_644 = arith.addi %scan3A_575, %scan3A_643 : i32
        %get3A_645 = arith.index_cast %scan3A_644 : i32 to index
        %get3A_646 = arith.constant 0 : index
        %get3A_647 = tpu.vector_load %arg8[%get3A_645, %get3A_646] {strides = array<i32>} : memref<200x64xf32, #tpu.memory_space<vmem>>, vector<1x16xf32>,
        %get3A_648 = vector.shape_cast %get3A_647 : vector<1x16xf32> to vector<16xf32>
        %add3A_649 = arith.addf %add3A_627, %get3A_648 : vector<16xf32>
        %get3A_650 = arith.index_cast %scan3A_644 : i32 to index
        %get3A_651 = arith.constant 16 : index
        %get3A_652 = tpu.vector_load %arg8[%get3A_650, %get3A_651] {strides = array<i32>} : memref<200x64xf32, #tpu.memory_space<vmem>>, vector<1x16xf32>,
        %get3A_653 = vector.shape_cast %get3A_652 : vector<1x16xf32> to vector<16xf32>
        %add3A_654 = arith.addf %add3A_632, %get3A_653 : vector<16xf32>
        %get3A_655 = arith.index_cast %scan3A_644 : i32 to index
        %get3A_656 = arith.constant 32 : index
        %get3A_657 = tpu.vector_load %arg8[%get3A_655, %get3A_656] {strides = array<i32>} : memref<200x64xf32, #tpu.memory_space<vmem>>, vector<1x16xf32>,
        %get3A_658 = vector.shape_cast %get3A_657 : vector<1x16xf32> to vector<16xf32>
        %add3A_659 = arith.addf %add3A_637, %get3A_658 : vector<16xf32>
        %get3A_660 = arith.index_cast %scan3A_644 : i32 to index
        %get3A_661 = arith.constant 48 : index
        %get3A_662 = tpu.vector_load %arg8[%get3A_660, %get3A_661] {strides = array<i32>} : memref<200x64xf32, #tpu.memory_space<vmem>>, vector<1x16xf32>,
        %get3A_663 = vector.shape_cast %get3A_662 : vector<1x16xf32> to vector<16xf32>
        %add3A_664 = arith.addf %add3A_642, %get3A_663 : vector<16xf32>
        scf.yield %add3A_649, %add3A_654, %add3A_659, %add3A_664 : vector<16xf32>, vector<16xf32>, vector<16xf32>, vector<16xf32>
      }
      %scan3A_353 = arith.constant 200 : i32
      %mul3A_354 = arith.constant 5.000000e-03 : f32
      %mul3A_355 = vector.broadcast %mul3A_354 : f32 to vector<16xf32>
      %mul3A_356 = arith.mulf %scan3A_352#0, %mul3A_355 : vector<16xf32>
      %swap3A_357 = arith.index_cast %add3A_324 : i32 to index
      %swap3A_358 = arith.constant 0 : index
      %swap3A_359 = tpu.vector_load %arg12[%swap3A_357, %swap3A_358] {strides = array<i32>} : memref<128x64xf32, #tpu.memory_space<vmem>>, vector<1x16xf32>,
      %swap3A_360 = vector.shape_cast %swap3A_359 : vector<1x16xf32> to vector<16xf32>
      %swap3A_361 = vector.shape_cast %mul3A_356 : vector<16xf32> to vector<1x16xf32>
      tpu.vector_store %arg12[%swap3A_357, %swap3A_358], %swap3A_361 {strides = array<i32>} : memref<128x64xf32, #tpu.memory_space<vmem>>, vector<1x16xf32>,
      %mul3A_362 = arith.constant 5.000000e-03 : f32
      %mul3A_363 = vector.broadcast %mul3A_362 : f32 to vector<16xf32>
      %mul3A_364 = arith.mulf %scan3A_352#1, %mul3A_363 : vector<16xf32>
      %swap3A_365 = arith.index_cast %add3A_324 : i32 to index
      %swap3A_366 = arith.constant 16 : index
      %swap3A_367 = tpu.vector_load %arg12[%swap3A_365, %swap3A_366] {strides = array<i32>} : memref<128x64xf32, #tpu.memory_space<vmem>>, vector<1x16xf32>,
      %swap3A_368 = vector.shape_cast %swap3A_367 : vector<1x16xf32> to vector<16xf32>
      %swap3A_369 = vector.shape_cast %mul3A_364 : vector<16xf32> to vector<1x16xf32>
      tpu.vector_store %arg12[%swap3A_365, %swap3A_366], %swap3A_369 {strides = array<i32>} : memref<128x64xf32, #tpu.memory_space<vmem>>, vector<1x16xf32>,
      %mul3A_370 = arith.constant 5.000000e-03 : f32
      %mul3A_371 = vector.broadcast %mul3A_370 : f32 to vector<16xf32>
      %mul3A_372 = arith.mulf %scan3A_352#2, %mul3A_371 : vector<16xf32>
      %swap3A_373 = arith.index_cast %add3A_324 : i32 to index
      %swap3A_374 = arith.constant 32 : index
      %swap3A_375 = tpu.vector_load %arg12[%swap3A_373, %swap3A_374] {strides = array<i32>} : memref<128x64xf32, #tpu.memory_space<vmem>>, vector<1x16xf32>,
      %swap3A_376 = vector.shape_cast %swap3A_375 : vector<1x16xf32> to vector<16xf32>
      %swap3A_377 = vector.shape_cast %mul3A_372 : vector<16xf32> to vector<1x16xf32>
      tpu.vector_store %arg12[%swap3A_373, %swap3A_374], %swap3A_377 {strides = array<i32>} : memref<128x64xf32, #tpu.memory_space<vmem>>, vector<1x16xf32>,
      %mul3A_378 = arith.constant 5.000000e-03 : f32
      %mul3A_379 = vector.broadcast %mul3A_378 : f32 to vector<16xf32>
      %mul3A_380 = arith.mulf %scan3A_352#3, %mul3A_379 : vector<16xf32>
      %swap3A_381 = arith.index_cast %add3A_324 : i32 to index
      %swap3A_382 = arith.constant 48 : index
      %swap3A_383 = tpu.vector_load %arg12[%swap3A_381, %swap3A_382] {strides = array<i32>} : memref<128x64xf32, #tpu.memory_space<vmem>>, vector<1x16xf32>,
      %swap3A_384 = vector.shape_cast %swap3A_383 : vector<1x16xf32> to vector<16xf32>
      %swap3A_385 = vector.shape_cast %mul3A_380 : vector<16xf32> to vector<1x16xf32>
      tpu.vector_store %arg12[%swap3A_381, %swap3A_382], %swap3A_385 {strides = array<i32>} : memref<128x64xf32, #tpu.memory_space<vmem>>, vector<1x16xf32>,
      %add3A_386 = arith.constant 3 : i32
      %add3A_387 = arith.addi %mul3A_200, %add3A_386 : i32
      %add3A_388 = arith.constant 6 : i32
      %add3A_389 = arith.addi %add3A_387, %add3A_388 : i32
      %sub3A_390 = arith.constant 1 : i32
      %sub3A_391 = arith.subi %add3A_389, %sub3A_390 : i32
      %lt3A_392 = arith.constant 128 : i32
      %lt3A_393 = arith.cmpi slt, %sub3A_391, %lt3A_392 : i32
      %convert_element_type3A_394 = arith.extui %lt3A_393 : i1 to i32
      %cond3A_395 = arith.constant 0 : i32
      %cond3A_396 = arith.cmpi ne, %convert_element_type3A_394, %cond3A_395 : i32
      scf.if %cond3A_396 {
        %mul3A_575 = arith.constant 200 : i32
        %mul3A_576 = arith.muli %sub3A_391, %mul3A_575 : i32
        %dma_start3A_577 = arith.constant 0 : i32
        %dma_start3A_578 = arith.constant 0 : i32
        %dma_start3A_579 = tpu.memref_slice %arg8[%dma_start3A_577, %dma_start3A_578] : memref<200x64xf32, #tpu.memory_space<vmem>> -> memref<104x64xf32, #tpu.memory_space<vmem>>
        %dma_start3A_580 = tpu.memref_slice %arg5[%mul3A_576] : memref<25600xi32, #tpu.memory_space<vmem>> -> memref<104xi32, #tpu.memory_space<vmem>>
        %dma_start3A_581 = arith.constant 0 : i32
        %dma_start3A_582 = arith.constant 0 : i32
        %dma_start3A_583 = tpu.memref_slice %arg3[%dma_start3A_581, %dma_start3A_582] : memref<1015808x64xf32, #tpu.memory_space<hbm>> -> memref<1015808x64xf32, #tpu.memory_space<hbm>>
        tpu.enqueue_indirect_dma source(%dma_start3A_583 : memref<1015808x64xf32, #tpu.memory_space<hbm>>) target(%dma_start3A_579 : memref<104x64xf32, #tpu.memory_space<vmem>>) offsets(%dma_start3A_580 : memref<104xi32, #tpu.memory_space<vmem>>) semaphore(%arg15 : memref<!tpu.dma_semaphore, #tpu.memory_space<semaphore_mem>>)
        %add3A_584 = arith.constant 104 : i32
        %add3A_585 = arith.addi %mul3A_576, %add3A_584 : i32
        %dma_start3A_586 = arith.constant 104 : i32
        %dma_start3A_587 = arith.constant 0 : i32
        %dma_start3A_588 = tpu.memref_slice %arg8[%dma_start3A_586, %dma_start3A_587] : memref<200x64xf32, #tpu.memory_space<vmem>> -> memref<96x64xf32, #tpu.memory_space<vmem>>
        %dma_start3A_589 = tpu.memref_slice %arg5[%add3A_585] : memref<25600xi32, #tpu.memory_space<vmem>> -> memref<96xi32, #tpu.memory_space<vmem>>
        %dma_start3A_590 = arith.constant 0 : i32
        %dma_start3A_591 = arith.constant 0 : i32
        %dma_start3A_592 = tpu.memref_slice %arg3[%dma_start3A_590, %dma_start3A_591] : memref<1015808x64xf32, #tpu.memory_space<hbm>> -> memref<1015808x64xf32, #tpu.memory_space<hbm>>
        tpu.enqueue_indirect_dma source(%dma_start3A_592 : memref<1015808x64xf32, #tpu.memory_space<hbm>>) target(%dma_start3A_588 : memref<96x64xf32, #tpu.memory_space<vmem>>) offsets(%dma_start3A_589 : memref<96xi32, #tpu.memory_space<vmem>>) semaphore(%arg15 : memref<!tpu.dma_semaphore, #tpu.memory_space<semaphore_mem>>)
      } else {
      }
      %dma_wait3A_397 = arith.constant 0 : i32
      %dma_wait3A_398 = arith.constant 0 : i32
      %dma_wait3A_399 = tpu.memref_slice %arg3[%dma_wait3A_397, %dma_wait3A_398] : memref<1015808x64xf32, #tpu.memory_space<hbm>> -> memref<200x64xf32, #tpu.memory_space<hbm>>
      %dma_wait3A_400 = arith.constant 0 : i32
      %dma_wait3A_401 = arith.constant 0 : i32
      %dma_wait3A_402 = tpu.memref_slice %arg3[%dma_wait3A_400, %dma_wait3A_401] : memref<1015808x64xf32, #tpu.memory_space<hbm>> -> memref<200x64xf32, #tpu.memory_space<hbm>>
      tpu.wait_dma2 semaphore(%arg16 : memref<!tpu.dma_semaphore, #tpu.memory_space<semaphore_mem>>) src(%dma_wait3A_402 : memref<200x64xf32, #tpu.memory_space<hbm>>) dst(%arg9 : memref<200x64xf32, #tpu.memory_space<vmem>>)
      %broadcast_in_dim3A_403 = arith.constant 0.000000e+00 : f32
      %broadcast_in_dim3A_404 = vector.broadcast %broadcast_in_dim3A_403 : f32 to vector<16xf32>
      %broadcast_in_dim3A_405 = arith.constant 0.000000e+00 : f32
      %broadcast_in_dim3A_406 = vector.broadcast %broadcast_in_dim3A_405 : f32 to vector<16xf32>
      %broadcast_in_dim3A_407 = arith.constant 0.000000e+00 : f32
      %broadcast_in_dim3A_408 = vector.broadcast %broadcast_in_dim3A_407 : f32 to vector<16xf32>
      %broadcast_in_dim3A_409 = arith.constant 0.000000e+00 : f32
      %broadcast_in_dim3A_410 = vector.broadcast %broadcast_in_dim3A_409 : f32 to vector<16xf32>
      %scan3A_411 = arith.constant 0 : i32
      %scan3A_412 = arith.constant 200 : i32
      %scan3A_413 = arith.addi %scan3A_411, %scan3A_412 : i32
      %scan3A_414 = arith.constant 4 : i32
      %scan3A_415:4 = scf.for %scan3A_575 = %scan3A_411 to %scan3A_413 step %scan3A_414 iter_args(%scan3A_576 = %broadcast_in_dim3A_404, %scan3A_577 = %broadcast_in_dim3A_406, %scan3A_578 = %broadcast_in_dim3A_408, %scan3A_579 = %broadcast_in_dim3A_410) -> (vector<16xf32>, vector<16xf32>, vector<16xf32>, vector<16xf32>)  : i32 {
        %get3A = arith.index_cast %scan3A_575 : i32 to index
        %get3A_580 = arith.constant 0 : index
        %get3A_581 = tpu.vector_load %arg9[%get3A, %get3A_580] {strides = array<i32>} : memref<200x64xf32, #tpu.memory_space<vmem>>, vector<1x16xf32>,
        %get3A_582 = vector.shape_cast %get3A_581 : vector<1x16xf32> to vector<16xf32>
        %add3A_583 = arith.addf %scan3A_576, %get3A_582 : vector<16xf32>
        %get3A_584 = arith.index_cast %scan3A_575 : i32 to index
        %get3A_585 = arith.constant 16 : index
        %get3A_586 = tpu.vector_load %arg9[%get3A_584, %get3A_585] {strides = array<i32>} : memref<200x64xf32, #tpu.memory_space<vmem>>, vector<1x16xf32>,
        %get3A_587 = vector.shape_cast %get3A_586 : vector<1x16xf32> to vector<16xf32>
        %add3A_588 = arith.addf %scan3A_577, %get3A_587 : vector<16xf32>
        %get3A_589 = arith.index_cast %scan3A_575 : i32 to index
        %get3A_590 = arith.constant 32 : index
        %get3A_591 = tpu.vector_load %arg9[%get3A_589, %get3A_590] {strides = array<i32>} : memref<200x64xf32, #tpu.memory_space<vmem>>, vector<1x16xf32>,
        %get3A_592 = vector.shape_cast %get3A_591 : vector<1x16xf32> to vector<16xf32>
        %add3A_593 = arith.addf %scan3A_578, %get3A_592 : vector<16xf32>
        %get3A_594 = arith.index_cast %scan3A_575 : i32 to index
        %get3A_595 = arith.constant 48 : index
        %get3A_596 = tpu.vector_load %arg9[%get3A_594, %get3A_595] {strides = array<i32>} : memref<200x64xf32, #tpu.memory_space<vmem>>, vector<1x16xf32>,
        %get3A_597 = vector.shape_cast %get3A_596 : vector<1x16xf32> to vector<16xf32>
        %add3A_598 = arith.addf %scan3A_579, %get3A_597 : vector<16xf32>
        %scan3A_599 = arith.constant 1 : i32
        %scan3A_600 = arith.addi %scan3A_575, %scan3A_599 : i32
        %get3A_601 = arith.index_cast %scan3A_600 : i32 to index
        %get3A_602 = arith.constant 0 : index
        %get3A_603 = tpu.vector_load %arg9[%get3A_601, %get3A_602] {strides = array<i32>} : memref<200x64xf32, #tpu.memory_space<vmem>>, vector<1x16xf32>,
        %get3A_604 = vector.shape_cast %get3A_603 : vector<1x16xf32> to vector<16xf32>
        %add3A_605 = arith.addf %add3A_583, %get3A_604 : vector<16xf32>
        %get3A_606 = arith.index_cast %scan3A_600 : i32 to index
        %get3A_607 = arith.constant 16 : index
        %get3A_608 = tpu.vector_load %arg9[%get3A_606, %get3A_607] {strides = array<i32>} : memref<200x64xf32, #tpu.memory_space<vmem>>, vector<1x16xf32>,
        %get3A_609 = vector.shape_cast %get3A_608 : vector<1x16xf32> to vector<16xf32>
        %add3A_610 = arith.addf %add3A_588, %get3A_609 : vector<16xf32>
        %get3A_611 = arith.index_cast %scan3A_600 : i32 to index
        %get3A_612 = arith.constant 32 : index
        %get3A_613 = tpu.vector_load %arg9[%get3A_611, %get3A_612] {strides = array<i32>} : memref<200x64xf32, #tpu.memory_space<vmem>>, vector<1x16xf32>,
        %get3A_614 = vector.shape_cast %get3A_613 : vector<1x16xf32> to vector<16xf32>
        %add3A_615 = arith.addf %add3A_593, %get3A_614 : vector<16xf32>
        %get3A_616 = arith.index_cast %scan3A_600 : i32 to index
        %get3A_617 = arith.constant 48 : index
        %get3A_618 = tpu.vector_load %arg9[%get3A_616, %get3A_617] {strides = array<i32>} : memref<200x64xf32, #tpu.memory_space<vmem>>, vector<1x16xf32>,
        %get3A_619 = vector.shape_cast %get3A_618 : vector<1x16xf32> to vector<16xf32>
        %add3A_620 = arith.addf %add3A_598, %get3A_619 : vector<16xf32>
        %scan3A_621 = arith.constant 2 : i32
        %scan3A_622 = arith.addi %scan3A_575, %scan3A_621 : i32
        %get3A_623 = arith.index_cast %scan3A_622 : i32 to index
        %get3A_624 = arith.constant 0 : index
        %get3A_625 = tpu.vector_load %arg9[%get3A_623, %get3A_624] {strides = array<i32>} : memref<200x64xf32, #tpu.memory_space<vmem>>, vector<1x16xf32>,
        %get3A_626 = vector.shape_cast %get3A_625 : vector<1x16xf32> to vector<16xf32>
        %add3A_627 = arith.addf %add3A_605, %get3A_626 : vector<16xf32>
        %get3A_628 = arith.index_cast %scan3A_622 : i32 to index
        %get3A_629 = arith.constant 16 : index
        %get3A_630 = tpu.vector_load %arg9[%get3A_628, %get3A_629] {strides = array<i32>} : memref<200x64xf32, #tpu.memory_space<vmem>>, vector<1x16xf32>,
        %get3A_631 = vector.shape_cast %get3A_630 : vector<1x16xf32> to vector<16xf32>
        %add3A_632 = arith.addf %add3A_610, %get3A_631 : vector<16xf32>
        %get3A_633 = arith.index_cast %scan3A_622 : i32 to index
        %get3A_634 = arith.constant 32 : index
        %get3A_635 = tpu.vector_load %arg9[%get3A_633, %get3A_634] {strides = array<i32>} : memref<200x64xf32, #tpu.memory_space<vmem>>, vector<1x16xf32>,
        %get3A_636 = vector.shape_cast %get3A_635 : vector<1x16xf32> to vector<16xf32>
        %add3A_637 = arith.addf %add3A_615, %get3A_636 : vector<16xf32>
        %get3A_638 = arith.index_cast %scan3A_622 : i32 to index
        %get3A_639 = arith.constant 48 : index
        %get3A_640 = tpu.vector_load %arg9[%get3A_638, %get3A_639] {strides = array<i32>} : memref<200x64xf32, #tpu.memory_space<vmem>>, vector<1x16xf32>,
        %get3A_641 = vector.shape_cast %get3A_640 : vector<1x16xf32> to vector<16xf32>
        %add3A_642 = arith.addf %add3A_620, %get3A_641 : vector<16xf32>
        %scan3A_643 = arith.constant 3 : i32
        %scan3A_644 = arith.addi %scan3A_575, %scan3A_643 : i32
        %get3A_645 = arith.index_cast %scan3A_644 : i32 to index
        %get3A_646 = arith.constant 0 : index
        %get3A_647 = tpu.vector_load %arg9[%get3A_645, %get3A_646] {strides = array<i32>} : memref<200x64xf32, #tpu.memory_space<vmem>>, vector<1x16xf32>,
        %get3A_648 = vector.shape_cast %get3A_647 : vector<1x16xf32> to vector<16xf32>
        %add3A_649 = arith.addf %add3A_627, %get3A_648 : vector<16xf32>
        %get3A_650 = arith.index_cast %scan3A_644 : i32 to index
        %get3A_651 = arith.constant 16 : index
        %get3A_652 = tpu.vector_load %arg9[%get3A_650, %get3A_651] {strides = array<i32>} : memref<200x64xf32, #tpu.memory_space<vmem>>, vector<1x16xf32>,
        %get3A_653 = vector.shape_cast %get3A_652 : vector<1x16xf32> to vector<16xf32>
        %add3A_654 = arith.addf %add3A_632, %get3A_653 : vector<16xf32>
        %get3A_655 = arith.index_cast %scan3A_644 : i32 to index
        %get3A_656 = arith.constant 32 : index
        %get3A_657 = tpu.vector_load %arg9[%get3A_655, %get3A_656] {strides = array<i32>} : memref<200x64xf32, #tpu.memory_space<vmem>>, vector<1x16xf32>,
        %get3A_658 = vector.shape_cast %get3A_657 : vector<1x16xf32> to vector<16xf32>
        %add3A_659 = arith.addf %add3A_637, %get3A_658 : vector<16xf32>
        %get3A_660 = arith.index_cast %scan3A_644 : i32 to index
        %get3A_661 = arith.constant 48 : index
        %get3A_662 = tpu.vector_load %arg9[%get3A_660, %get3A_661] {strides = array<i32>} : memref<200x64xf32, #tpu.memory_space<vmem>>, vector<1x16xf32>,
        %get3A_663 = vector.shape_cast %get3A_662 : vector<1x16xf32> to vector<16xf32>
        %add3A_664 = arith.addf %add3A_642, %get3A_663 : vector<16xf32>
        scf.yield %add3A_649, %add3A_654, %add3A_659, %add3A_664 : vector<16xf32>, vector<16xf32>, vector<16xf32>, vector<16xf32>
      }
      %scan3A_416 = arith.constant 200 : i32
      %mul3A_417 = arith.constant 5.000000e-03 : f32
      %mul3A_418 = vector.broadcast %mul3A_417 : f32 to vector<16xf32>
      %mul3A_419 = arith.mulf %scan3A_415#0, %mul3A_418 : vector<16xf32>
      %swap3A_420 = arith.index_cast %add3A_387 : i32 to index
      %swap3A_421 = arith.constant 0 : index
      %swap3A_422 = tpu.vector_load %arg12[%swap3A_420, %swap3A_421] {strides = array<i32>} : memref<128x64xf32, #tpu.memory_space<vmem>>, vector<1x16xf32>,
      %swap3A_423 = vector.shape_cast %swap3A_422 : vector<1x16xf32> to vector<16xf32>
      %swap3A_424 = vector.shape_cast %mul3A_419 : vector<16xf32> to vector<1x16xf32>
      tpu.vector_store %arg12[%swap3A_420, %swap3A_421], %swap3A_424 {strides = array<i32>} : memref<128x64xf32, #tpu.memory_space<vmem>>, vector<1x16xf32>,
      %mul3A_425 = arith.constant 5.000000e-03 : f32
      %mul3A_426 = vector.broadcast %mul3A_425 : f32 to vector<16xf32>
      %mul3A_427 = arith.mulf %scan3A_415#1, %mul3A_426 : vector<16xf32>
      %swap3A_428 = arith.index_cast %add3A_387 : i32 to index
      %swap3A_429 = arith.constant 16 : index
      %swap3A_430 = tpu.vector_load %arg12[%swap3A_428, %swap3A_429] {strides = array<i32>} : memref<128x64xf32, #tpu.memory_space<vmem>>, vector<1x16xf32>,
      %swap3A_431 = vector.shape_cast %swap3A_430 : vector<1x16xf32> to vector<16xf32>
      %swap3A_432 = vector.shape_cast %mul3A_427 : vector<16xf32> to vector<1x16xf32>
      tpu.vector_store %arg12[%swap3A_428, %swap3A_429], %swap3A_432 {strides = array<i32>} : memref<128x64xf32, #tpu.memory_space<vmem>>, vector<1x16xf32>,
      %mul3A_433 = arith.constant 5.000000e-03 : f32
      %mul3A_434 = vector.broadcast %mul3A_433 : f32 to vector<16xf32>
      %mul3A_435 = arith.mulf %scan3A_415#2, %mul3A_434 : vector<16xf32>
      %swap3A_436 = arith.index_cast %add3A_387 : i32 to index
      %swap3A_437 = arith.constant 32 : index
      %swap3A_438 = tpu.vector_load %arg12[%swap3A_436, %swap3A_437] {strides = array<i32>} : memref<128x64xf32, #tpu.memory_space<vmem>>, vector<1x16xf32>,
      %swap3A_439 = vector.shape_cast %swap3A_438 : vector<1x16xf32> to vector<16xf32>
      %swap3A_440 = vector.shape_cast %mul3A_435 : vector<16xf32> to vector<1x16xf32>
      tpu.vector_store %arg12[%swap3A_436, %swap3A_437], %swap3A_440 {strides = array<i32>} : memref<128x64xf32, #tpu.memory_space<vmem>>, vector<1x16xf32>,
      %mul3A_441 = arith.constant 5.000000e-03 : f32
      %mul3A_442 = vector.broadcast %mul3A_441 : f32 to vector<16xf32>
      %mul3A_443 = arith.mulf %scan3A_415#3, %mul3A_442 : vector<16xf32>
      %swap3A_444 = arith.index_cast %add3A_387 : i32 to index
      %swap3A_445 = arith.constant 48 : index
      %swap3A_446 = tpu.vector_load %arg12[%swap3A_444, %swap3A_445] {strides = array<i32>} : memref<128x64xf32, #tpu.memory_space<vmem>>, vector<1x16xf32>,
      %swap3A_447 = vector.shape_cast %swap3A_446 : vector<1x16xf32> to vector<16xf32>
      %swap3A_448 = vector.shape_cast %mul3A_443 : vector<16xf32> to vector<1x16xf32>
      tpu.vector_store %arg12[%swap3A_444, %swap3A_445], %swap3A_448 {strides = array<i32>} : memref<128x64xf32, #tpu.memory_space<vmem>>, vector<1x16xf32>,
      %add3A_449 = arith.constant 4 : i32
      %add3A_450 = arith.addi %mul3A_200, %add3A_449 : i32
      %add3A_451 = arith.constant 6 : i32
      %add3A_452 = arith.addi %add3A_450, %add3A_451 : i32
      %sub3A_453 = arith.constant 1 : i32
      %sub3A_454 = arith.subi %add3A_452, %sub3A_453 : i32
      %lt3A_455 = arith.constant 128 : i32
      %lt3A_456 = arith.cmpi slt, %sub3A_454, %lt3A_455 : i32
      %convert_element_type3A_457 = arith.extui %lt3A_456 : i1 to i32
      %cond3A_458 = arith.constant 0 : i32
      %cond3A_459 = arith.cmpi ne, %convert_element_type3A_457, %cond3A_458 : i32
      scf.if %cond3A_459 {
        %mul3A_575 = arith.constant 200 : i32
        %mul3A_576 = arith.muli %sub3A_454, %mul3A_575 : i32
        %dma_start3A_577 = arith.constant 0 : i32
        %dma_start3A_578 = arith.constant 0 : i32
        %dma_start3A_579 = tpu.memref_slice %arg9[%dma_start3A_577, %dma_start3A_578] : memref<200x64xf32, #tpu.memory_space<vmem>> -> memref<104x64xf32, #tpu.memory_space<vmem>>
        %dma_start3A_580 = tpu.memref_slice %arg5[%mul3A_576] : memref<25600xi32, #tpu.memory_space<vmem>> -> memref<104xi32, #tpu.memory_space<vmem>>
        %dma_start3A_581 = arith.constant 0 : i32
        %dma_start3A_582 = arith.constant 0 : i32
        %dma_start3A_583 = tpu.memref_slice %arg3[%dma_start3A_581, %dma_start3A_582] : memref<1015808x64xf32, #tpu.memory_space<hbm>> -> memref<1015808x64xf32, #tpu.memory_space<hbm>>
        tpu.enqueue_indirect_dma source(%dma_start3A_583 : memref<1015808x64xf32, #tpu.memory_space<hbm>>) target(%dma_start3A_579 : memref<104x64xf32, #tpu.memory_space<vmem>>) offsets(%dma_start3A_580 : memref<104xi32, #tpu.memory_space<vmem>>) semaphore(%arg16 : memref<!tpu.dma_semaphore, #tpu.memory_space<semaphore_mem>>)
        %add3A_584 = arith.constant 104 : i32
        %add3A_585 = arith.addi %mul3A_576, %add3A_584 : i32
        %dma_start3A_586 = arith.constant 104 : i32
        %dma_start3A_587 = arith.constant 0 : i32
        %dma_start3A_588 = tpu.memref_slice %arg9[%dma_start3A_586, %dma_start3A_587] : memref<200x64xf32, #tpu.memory_space<vmem>> -> memref<96x64xf32, #tpu.memory_space<vmem>>
        %dma_start3A_589 = tpu.memref_slice %arg5[%add3A_585] : memref<25600xi32, #tpu.memory_space<vmem>> -> memref<96xi32, #tpu.memory_space<vmem>>
        %dma_start3A_590 = arith.constant 0 : i32
        %dma_start3A_591 = arith.constant 0 : i32
        %dma_start3A_592 = tpu.memref_slice %arg3[%dma_start3A_590, %dma_start3A_591] : memref<1015808x64xf32, #tpu.memory_space<hbm>> -> memref<1015808x64xf32, #tpu.memory_space<hbm>>
        tpu.enqueue_indirect_dma source(%dma_start3A_592 : memref<1015808x64xf32, #tpu.memory_space<hbm>>) target(%dma_start3A_588 : memref<96x64xf32, #tpu.memory_space<vmem>>) offsets(%dma_start3A_589 : memref<96xi32, #tpu.memory_space<vmem>>) semaphore(%arg16 : memref<!tpu.dma_semaphore, #tpu.memory_space<semaphore_mem>>)
      } else {
      }
      %dma_wait3A_460 = arith.constant 0 : i32
      %dma_wait3A_461 = arith.constant 0 : i32
      %dma_wait3A_462 = tpu.memref_slice %arg3[%dma_wait3A_460, %dma_wait3A_461] : memref<1015808x64xf32, #tpu.memory_space<hbm>> -> memref<200x64xf32, #tpu.memory_space<hbm>>
      %dma_wait3A_463 = arith.constant 0 : i32
      %dma_wait3A_464 = arith.constant 0 : i32
      %dma_wait3A_465 = tpu.memref_slice %arg3[%dma_wait3A_463, %dma_wait3A_464] : memref<1015808x64xf32, #tpu.memory_space<hbm>> -> memref<200x64xf32, #tpu.memory_space<hbm>>
      tpu.wait_dma2 semaphore(%arg17 : memref<!tpu.dma_semaphore, #tpu.memory_space<semaphore_mem>>) src(%dma_wait3A_465 : memref<200x64xf32, #tpu.memory_space<hbm>>) dst(%arg10 : memref<200x64xf32, #tpu.memory_space<vmem>>)
      %broadcast_in_dim3A_466 = arith.constant 0.000000e+00 : f32
      %broadcast_in_dim3A_467 = vector.broadcast %broadcast_in_dim3A_466 : f32 to vector<16xf32>
      %broadcast_in_dim3A_468 = arith.constant 0.000000e+00 : f32
      %broadcast_in_dim3A_469 = vector.broadcast %broadcast_in_dim3A_468 : f32 to vector<16xf32>
      %broadcast_in_dim3A_470 = arith.constant 0.000000e+00 : f32
      %broadcast_in_dim3A_471 = vector.broadcast %broadcast_in_dim3A_470 : f32 to vector<16xf32>
      %broadcast_in_dim3A_472 = arith.constant 0.000000e+00 : f32
      %broadcast_in_dim3A_473 = vector.broadcast %broadcast_in_dim3A_472 : f32 to vector<16xf32>
      %scan3A_474 = arith.constant 0 : i32
      %scan3A_475 = arith.constant 200 : i32
      %scan3A_476 = arith.addi %scan3A_474, %scan3A_475 : i32
      %scan3A_477 = arith.constant 4 : i32
      %scan3A_478:4 = scf.for %scan3A_575 = %scan3A_474 to %scan3A_476 step %scan3A_477 iter_args(%scan3A_576 = %broadcast_in_dim3A_467, %scan3A_577 = %broadcast_in_dim3A_469, %scan3A_578 = %broadcast_in_dim3A_471, %scan3A_579 = %broadcast_in_dim3A_473) -> (vector<16xf32>, vector<16xf32>, vector<16xf32>, vector<16xf32>)  : i32 {
        %get3A = arith.index_cast %scan3A_575 : i32 to index
        %get3A_580 = arith.constant 0 : index
        %get3A_581 = tpu.vector_load %arg10[%get3A, %get3A_580] {strides = array<i32>} : memref<200x64xf32, #tpu.memory_space<vmem>>, vector<1x16xf32>,
        %get3A_582 = vector.shape_cast %get3A_581 : vector<1x16xf32> to vector<16xf32>
        %add3A_583 = arith.addf %scan3A_576, %get3A_582 : vector<16xf32>
        %get3A_584 = arith.index_cast %scan3A_575 : i32 to index
        %get3A_585 = arith.constant 16 : index
        %get3A_586 = tpu.vector_load %arg10[%get3A_584, %get3A_585] {strides = array<i32>} : memref<200x64xf32, #tpu.memory_space<vmem>>, vector<1x16xf32>,
        %get3A_587 = vector.shape_cast %get3A_586 : vector<1x16xf32> to vector<16xf32>
        %add3A_588 = arith.addf %scan3A_577, %get3A_587 : vector<16xf32>
        %get3A_589 = arith.index_cast %scan3A_575 : i32 to index
        %get3A_590 = arith.constant 32 : index
        %get3A_591 = tpu.vector_load %arg10[%get3A_589, %get3A_590] {strides = array<i32>} : memref<200x64xf32, #tpu.memory_space<vmem>>, vector<1x16xf32>,
        %get3A_592 = vector.shape_cast %get3A_591 : vector<1x16xf32> to vector<16xf32>
        %add3A_593 = arith.addf %scan3A_578, %get3A_592 : vector<16xf32>
        %get3A_594 = arith.index_cast %scan3A_575 : i32 to index
        %get3A_595 = arith.constant 48 : index
        %get3A_596 = tpu.vector_load %arg10[%get3A_594, %get3A_595] {strides = array<i32>} : memref<200x64xf32, #tpu.memory_space<vmem>>, vector<1x16xf32>,
        %get3A_597 = vector.shape_cast %get3A_596 : vector<1x16xf32> to vector<16xf32>
        %add3A_598 = arith.addf %scan3A_579, %get3A_597 : vector<16xf32>
        %scan3A_599 = arith.constant 1 : i32
        %scan3A_600 = arith.addi %scan3A_575, %scan3A_599 : i32
        %get3A_601 = arith.index_cast %scan3A_600 : i32 to index
        %get3A_602 = arith.constant 0 : index
        %get3A_603 = tpu.vector_load %arg10[%get3A_601, %get3A_602] {strides = array<i32>} : memref<200x64xf32, #tpu.memory_space<vmem>>, vector<1x16xf32>,
        %get3A_604 = vector.shape_cast %get3A_603 : vector<1x16xf32> to vector<16xf32>
        %add3A_605 = arith.addf %add3A_583, %get3A_604 : vector<16xf32>
        %get3A_606 = arith.index_cast %scan3A_600 : i32 to index
        %get3A_607 = arith.constant 16 : index
        %get3A_608 = tpu.vector_load %arg10[%get3A_606, %get3A_607] {strides = array<i32>} : memref<200x64xf32, #tpu.memory_space<vmem>>, vector<1x16xf32>,
        %get3A_609 = vector.shape_cast %get3A_608 : vector<1x16xf32> to vector<16xf32>
        %add3A_610 = arith.addf %add3A_588, %get3A_609 : vector<16xf32>
        %get3A_611 = arith.index_cast %scan3A_600 : i32 to index
        %get3A_612 = arith.constant 32 : index
        %get3A_613 = tpu.vector_load %arg10[%get3A_611, %get3A_612] {strides = array<i32>} : memref<200x64xf32, #tpu.memory_space<vmem>>, vector<1x16xf32>,
        %get3A_614 = vector.shape_cast %get3A_613 : vector<1x16xf32> to vector<16xf32>
        %add3A_615 = arith.addf %add3A_593, %get3A_614 : vector<16xf32>
        %get3A_616 = arith.index_cast %scan3A_600 : i32 to index
        %get3A_617 = arith.constant 48 : index
        %get3A_618 = tpu.vector_load %arg10[%get3A_616, %get3A_617] {strides = array<i32>} : memref<200x64xf32, #tpu.memory_space<vmem>>, vector<1x16xf32>,
        %get3A_619 = vector.shape_cast %get3A_618 : vector<1x16xf32> to vector<16xf32>
        %add3A_620 = arith.addf %add3A_598, %get3A_619 : vector<16xf32>
        %scan3A_621 = arith.constant 2 : i32
        %scan3A_622 = arith.addi %scan3A_575, %scan3A_621 : i32
        %get3A_623 = arith.index_cast %scan3A_622 : i32 to index
        %get3A_624 = arith.constant 0 : index
        %get3A_625 = tpu.vector_load %arg10[%get3A_623, %get3A_624] {strides = array<i32>} : memref<200x64xf32, #tpu.memory_space<vmem>>, vector<1x16xf32>,
        %get3A_626 = vector.shape_cast %get3A_625 : vector<1x16xf32> to vector<16xf32>
        %add3A_627 = arith.addf %add3A_605, %get3A_626 : vector<16xf32>
        %get3A_628 = arith.index_cast %scan3A_622 : i32 to index
        %get3A_629 = arith.constant 16 : index
        %get3A_630 = tpu.vector_load %arg10[%get3A_628, %get3A_629] {strides = array<i32>} : memref<200x64xf32, #tpu.memory_space<vmem>>, vector<1x16xf32>,
        %get3A_631 = vector.shape_cast %get3A_630 : vector<1x16xf32> to vector<16xf32>
        %add3A_632 = arith.addf %add3A_610, %get3A_631 : vector<16xf32>
        %get3A_633 = arith.index_cast %scan3A_622 : i32 to index
        %get3A_634 = arith.constant 32 : index
        %get3A_635 = tpu.vector_load %arg10[%get3A_633, %get3A_634] {strides = array<i32>} : memref<200x64xf32, #tpu.memory_space<vmem>>, vector<1x16xf32>,
        %get3A_636 = vector.shape_cast %get3A_635 : vector<1x16xf32> to vector<16xf32>
        %add3A_637 = arith.addf %add3A_615, %get3A_636 : vector<16xf32>
        %get3A_638 = arith.index_cast %scan3A_622 : i32 to index
        %get3A_639 = arith.constant 48 : index
        %get3A_640 = tpu.vector_load %arg10[%get3A_638, %get3A_639] {strides = array<i32>} : memref<200x64xf32, #tpu.memory_space<vmem>>, vector<1x16xf32>,
        %get3A_641 = vector.shape_cast %get3A_640 : vector<1x16xf32> to vector<16xf32>
        %add3A_642 = arith.addf %add3A_620, %get3A_641 : vector<16xf32>
        %scan3A_643 = arith.constant 3 : i32
        %scan3A_644 = arith.addi %scan3A_575, %scan3A_643 : i32
        %get3A_645 = arith.index_cast %scan3A_644 : i32 to index
        %get3A_646 = arith.constant 0 : index
        %get3A_647 = tpu.vector_load %arg10[%get3A_645, %get3A_646] {strides = array<i32>} : memref<200x64xf32, #tpu.memory_space<vmem>>, vector<1x16xf32>,
        %get3A_648 = vector.shape_cast %get3A_647 : vector<1x16xf32> to vector<16xf32>
        %add3A_649 = arith.addf %add3A_627, %get3A_648 : vector<16xf32>
        %get3A_650 = arith.index_cast %scan3A_644 : i32 to index
        %get3A_651 = arith.constant 16 : index
        %get3A_652 = tpu.vector_load %arg10[%get3A_650, %get3A_651] {strides = array<i32>} : memref<200x64xf32, #tpu.memory_space<vmem>>, vector<1x16xf32>,
        %get3A_653 = vector.shape_cast %get3A_652 : vector<1x16xf32> to vector<16xf32>
        %add3A_654 = arith.addf %add3A_632, %get3A_653 : vector<16xf32>
        %get3A_655 = arith.index_cast %scan3A_644 : i32 to index
        %get3A_656 = arith.constant 32 : index
        %get3A_657 = tpu.vector_load %arg10[%get3A_655, %get3A_656] {strides = array<i32>} : memref<200x64xf32, #tpu.memory_space<vmem>>, vector<1x16xf32>,
        %get3A_658 = vector.shape_cast %get3A_657 : vector<1x16xf32> to vector<16xf32>
        %add3A_659 = arith.addf %add3A_637, %get3A_658 : vector<16xf32>
        %get3A_660 = arith.index_cast %scan3A_644 : i32 to index
        %get3A_661 = arith.constant 48 : index
        %get3A_662 = tpu.vector_load %arg10[%get3A_660, %get3A_661] {strides = array<i32>} : memref<200x64xf32, #tpu.memory_space<vmem>>, vector<1x16xf32>,
        %get3A_663 = vector.shape_cast %get3A_662 : vector<1x16xf32> to vector<16xf32>
        %add3A_664 = arith.addf %add3A_642, %get3A_663 : vector<16xf32>
        scf.yield %add3A_649, %add3A_654, %add3A_659, %add3A_664 : vector<16xf32>, vector<16xf32>, vector<16xf32>, vector<16xf32>
      }
      %scan3A_479 = arith.constant 200 : i32
      %mul3A_480 = arith.constant 5.000000e-03 : f32
      %mul3A_481 = vector.broadcast %mul3A_480 : f32 to vector<16xf32>
      %mul3A_482 = arith.mulf %scan3A_478#0, %mul3A_481 : vector<16xf32>
      %swap3A_483 = arith.index_cast %add3A_450 : i32 to index
      %swap3A_484 = arith.constant 0 : index
      %swap3A_485 = tpu.vector_load %arg12[%swap3A_483, %swap3A_484] {strides = array<i32>} : memref<128x64xf32, #tpu.memory_space<vmem>>, vector<1x16xf32>,
      %swap3A_486 = vector.shape_cast %swap3A_485 : vector<1x16xf32> to vector<16xf32>
      %swap3A_487 = vector.shape_cast %mul3A_482 : vector<16xf32> to vector<1x16xf32>
      tpu.vector_store %arg12[%swap3A_483, %swap3A_484], %swap3A_487 {strides = array<i32>} : memref<128x64xf32, #tpu.memory_space<vmem>>, vector<1x16xf32>,
      %mul3A_488 = arith.constant 5.000000e-03 : f32
      %mul3A_489 = vector.broadcast %mul3A_488 : f32 to vector<16xf32>
      %mul3A_490 = arith.mulf %scan3A_478#1, %mul3A_489 : vector<16xf32>
      %swap3A_491 = arith.index_cast %add3A_450 : i32 to index
      %swap3A_492 = arith.constant 16 : index
      %swap3A_493 = tpu.vector_load %arg12[%swap3A_491, %swap3A_492] {strides = array<i32>} : memref<128x64xf32, #tpu.memory_space<vmem>>, vector<1x16xf32>,
      %swap3A_494 = vector.shape_cast %swap3A_493 : vector<1x16xf32> to vector<16xf32>
      %swap3A_495 = vector.shape_cast %mul3A_490 : vector<16xf32> to vector<1x16xf32>
      tpu.vector_store %arg12[%swap3A_491, %swap3A_492], %swap3A_495 {strides = array<i32>} : memref<128x64xf32, #tpu.memory_space<vmem>>, vector<1x16xf32>,
      %mul3A_496 = arith.constant 5.000000e-03 : f32
      %mul3A_497 = vector.broadcast %mul3A_496 : f32 to vector<16xf32>
      %mul3A_498 = arith.mulf %scan3A_478#2, %mul3A_497 : vector<16xf32>
      %swap3A_499 = arith.index_cast %add3A_450 : i32 to index
      %swap3A_500 = arith.constant 32 : index
      %swap3A_501 = tpu.vector_load %arg12[%swap3A_499, %swap3A_500] {strides = array<i32>} : memref<128x64xf32, #tpu.memory_space<vmem>>, vector<1x16xf32>,
      %swap3A_502 = vector.shape_cast %swap3A_501 : vector<1x16xf32> to vector<16xf32>
      %swap3A_503 = vector.shape_cast %mul3A_498 : vector<16xf32> to vector<1x16xf32>
      tpu.vector_store %arg12[%swap3A_499, %swap3A_500], %swap3A_503 {strides = array<i32>} : memref<128x64xf32, #tpu.memory_space<vmem>>, vector<1x16xf32>,
      %mul3A_504 = arith.constant 5.000000e-03 : f32
      %mul3A_505 = vector.broadcast %mul3A_504 : f32 to vector<16xf32>
      %mul3A_506 = arith.mulf %scan3A_478#3, %mul3A_505 : vector<16xf32>
      %swap3A_507 = arith.index_cast %add3A_450 : i32 to index
      %swap3A_508 = arith.constant 48 : index
      %swap3A_509 = tpu.vector_load %arg12[%swap3A_507, %swap3A_508] {strides = array<i32>} : memref<128x64xf32, #tpu.memory_space<vmem>>, vector<1x16xf32>,
      %swap3A_510 = vector.shape_cast %swap3A_509 : vector<1x16xf32> to vector<16xf32>
      %swap3A_511 = vector.shape_cast %mul3A_506 : vector<16xf32> to vector<1x16xf32>
      tpu.vector_store %arg12[%swap3A_507, %swap3A_508], %swap3A_511 {strides = array<i32>} : memref<128x64xf32, #tpu.memory_space<vmem>>, vector<1x16xf32>,
      %add3A_512 = arith.constant 5 : i32
      %add3A_513 = arith.addi %mul3A_200, %add3A_512 : i32
      %add3A_514 = arith.constant 6 : i32
      %add3A_515 = arith.addi %add3A_513, %add3A_514 : i32
      %sub3A_516 = arith.constant 1 : i32
      %sub3A_517 = arith.subi %add3A_515, %sub3A_516 : i32
      %lt3A_518 = arith.constant 128 : i32
      %lt3A_519 = arith.cmpi slt, %sub3A_517, %lt3A_518 : i32
      %convert_element_type3A_520 = arith.extui %lt3A_519 : i1 to i32
      %cond3A_521 = arith.constant 0 : i32
      %cond3A_522 = arith.cmpi ne, %convert_element_type3A_520, %cond3A_521 : i32
      scf.if %cond3A_522 {
        %mul3A_575 = arith.constant 200 : i32
        %mul3A_576 = arith.muli %sub3A_517, %mul3A_575 : i32
        %dma_start3A_577 = arith.constant 0 : i32
        %dma_start3A_578 = arith.constant 0 : i32
        %dma_start3A_579 = tpu.memref_slice %arg10[%dma_start3A_577, %dma_start3A_578] : memref<200x64xf32, #tpu.memory_space<vmem>> -> memref<104x64xf32, #tpu.memory_space<vmem>>
        %dma_start3A_580 = tpu.memref_slice %arg5[%mul3A_576] : memref<25600xi32, #tpu.memory_space<vmem>> -> memref<104xi32, #tpu.memory_space<vmem>>
        %dma_start3A_581 = arith.constant 0 : i32
        %dma_start3A_582 = arith.constant 0 : i32
        %dma_start3A_583 = tpu.memref_slice %arg3[%dma_start3A_581, %dma_start3A_582] : memref<1015808x64xf32, #tpu.memory_space<hbm>> -> memref<1015808x64xf32, #tpu.memory_space<hbm>>
        tpu.enqueue_indirect_dma source(%dma_start3A_583 : memref<1015808x64xf32, #tpu.memory_space<hbm>>) target(%dma_start3A_579 : memref<104x64xf32, #tpu.memory_space<vmem>>) offsets(%dma_start3A_580 : memref<104xi32, #tpu.memory_space<vmem>>) semaphore(%arg17 : memref<!tpu.dma_semaphore, #tpu.memory_space<semaphore_mem>>)
        %add3A_584 = arith.constant 104 : i32
        %add3A_585 = arith.addi %mul3A_576, %add3A_584 : i32
        %dma_start3A_586 = arith.constant 104 : i32
        %dma_start3A_587 = arith.constant 0 : i32
        %dma_start3A_588 = tpu.memref_slice %arg10[%dma_start3A_586, %dma_start3A_587] : memref<200x64xf32, #tpu.memory_space<vmem>> -> memref<96x64xf32, #tpu.memory_space<vmem>>
        %dma_start3A_589 = tpu.memref_slice %arg5[%add3A_585] : memref<25600xi32, #tpu.memory_space<vmem>> -> memref<96xi32, #tpu.memory_space<vmem>>
        %dma_start3A_590 = arith.constant 0 : i32
        %dma_start3A_591 = arith.constant 0 : i32
        %dma_start3A_592 = tpu.memref_slice %arg3[%dma_start3A_590, %dma_start3A_591] : memref<1015808x64xf32, #tpu.memory_space<hbm>> -> memref<1015808x64xf32, #tpu.memory_space<hbm>>
        tpu.enqueue_indirect_dma source(%dma_start3A_592 : memref<1015808x64xf32, #tpu.memory_space<hbm>>) target(%dma_start3A_588 : memref<96x64xf32, #tpu.memory_space<vmem>>) offsets(%dma_start3A_589 : memref<96xi32, #tpu.memory_space<vmem>>) semaphore(%arg17 : memref<!tpu.dma_semaphore, #tpu.memory_space<semaphore_mem>>)
      } else {
      }
      %dma_wait3A_523 = arith.constant 0 : i32
      %dma_wait3A_524 = arith.constant 0 : i32
      %dma_wait3A_525 = tpu.memref_slice %arg3[%dma_wait3A_523, %dma_wait3A_524] : memref<1015808x64xf32, #tpu.memory_space<hbm>> -> memref<200x64xf32, #tpu.memory_space<hbm>>
      %dma_wait3A_526 = arith.constant 0 : i32
      %dma_wait3A_527 = arith.constant 0 : i32
      %dma_wait3A_528 = tpu.memref_slice %arg3[%dma_wait3A_526, %dma_wait3A_527] : memref<1015808x64xf32, #tpu.memory_space<hbm>> -> memref<200x64xf32, #tpu.memory_space<hbm>>
      tpu.wait_dma2 semaphore(%arg18 : memref<!tpu.dma_semaphore, #tpu.memory_space<semaphore_mem>>) src(%dma_wait3A_528 : memref<200x64xf32, #tpu.memory_space<hbm>>) dst(%arg11 : memref<200x64xf32, #tpu.memory_space<vmem>>)
      %broadcast_in_dim3A_529 = arith.constant 0.000000e+00 : f32
      %broadcast_in_dim3A_530 = vector.broadcast %broadcast_in_dim3A_529 : f32 to vector<16xf32>
      %broadcast_in_dim3A_531 = arith.constant 0.000000e+00 : f32
      %broadcast_in_dim3A_532 = vector.broadcast %broadcast_in_dim3A_531 : f32 to vector<16xf32>
      %broadcast_in_dim3A_533 = arith.constant 0.000000e+00 : f32
      %broadcast_in_dim3A_534 = vector.broadcast %broadcast_in_dim3A_533 : f32 to vector<16xf32>
      %broadcast_in_dim3A_535 = arith.constant 0.000000e+00 : f32
      %broadcast_in_dim3A_536 = vector.broadcast %broadcast_in_dim3A_535 : f32 to vector<16xf32>
      %scan3A_537 = arith.constant 0 : i32
      %scan3A_538 = arith.constant 200 : i32
      %scan3A_539 = arith.addi %scan3A_537, %scan3A_538 : i32
      %scan3A_540 = arith.constant 4 : i32
      %scan3A_541:4 = scf.for %scan3A_575 = %scan3A_537 to %scan3A_539 step %scan3A_540 iter_args(%scan3A_576 = %broadcast_in_dim3A_530, %scan3A_577 = %broadcast_in_dim3A_532, %scan3A_578 = %broadcast_in_dim3A_534, %scan3A_579 = %broadcast_in_dim3A_536) -> (vector<16xf32>, vector<16xf32>, vector<16xf32>, vector<16xf32>)  : i32 {
        %get3A = arith.index_cast %scan3A_575 : i32 to index
        %get3A_580 = arith.constant 0 : index
        %get3A_581 = tpu.vector_load %arg11[%get3A, %get3A_580] {strides = array<i32>} : memref<200x64xf32, #tpu.memory_space<vmem>>, vector<1x16xf32>,
        %get3A_582 = vector.shape_cast %get3A_581 : vector<1x16xf32> to vector<16xf32>
        %add3A_583 = arith.addf %scan3A_576, %get3A_582 : vector<16xf32>
        %get3A_584 = arith.index_cast %scan3A_575 : i32 to index
        %get3A_585 = arith.constant 16 : index
        %get3A_586 = tpu.vector_load %arg11[%get3A_584, %get3A_585] {strides = array<i32>} : memref<200x64xf32, #tpu.memory_space<vmem>>, vector<1x16xf32>,
        %get3A_587 = vector.shape_cast %get3A_586 : vector<1x16xf32> to vector<16xf32>
        %add3A_588 = arith.addf %scan3A_577, %get3A_587 : vector<16xf32>
        %get3A_589 = arith.index_cast %scan3A_575 : i32 to index
        %get3A_590 = arith.constant 32 : index
        %get3A_591 = tpu.vector_load %arg11[%get3A_589, %get3A_590] {strides = array<i32>} : memref<200x64xf32, #tpu.memory_space<vmem>>, vector<1x16xf32>,
        %get3A_592 = vector.shape_cast %get3A_591 : vector<1x16xf32> to vector<16xf32>
        %add3A_593 = arith.addf %scan3A_578, %get3A_592 : vector<16xf32>
        %get3A_594 = arith.index_cast %scan3A_575 : i32 to index
        %get3A_595 = arith.constant 48 : index
        %get3A_596 = tpu.vector_load %arg11[%get3A_594, %get3A_595] {strides = array<i32>} : memref<200x64xf32, #tpu.memory_space<vmem>>, vector<1x16xf32>,
        %get3A_597 = vector.shape_cast %get3A_596 : vector<1x16xf32> to vector<16xf32>
        %add3A_598 = arith.addf %scan3A_579, %get3A_597 : vector<16xf32>
        %scan3A_599 = arith.constant 1 : i32
        %scan3A_600 = arith.addi %scan3A_575, %scan3A_599 : i32
        %get3A_601 = arith.index_cast %scan3A_600 : i32 to index
        %get3A_602 = arith.constant 0 : index
        %get3A_603 = tpu.vector_load %arg11[%get3A_601, %get3A_602] {strides = array<i32>} : memref<200x64xf32, #tpu.memory_space<vmem>>, vector<1x16xf32>,
        %get3A_604 = vector.shape_cast %get3A_603 : vector<1x16xf32> to vector<16xf32>
        %add3A_605 = arith.addf %add3A_583, %get3A_604 : vector<16xf32>
        %get3A_606 = arith.index_cast %scan3A_600 : i32 to index
        %get3A_607 = arith.constant 16 : index
        %get3A_608 = tpu.vector_load %arg11[%get3A_606, %get3A_607] {strides = array<i32>} : memref<200x64xf32, #tpu.memory_space<vmem>>, vector<1x16xf32>,
        %get3A_609 = vector.shape_cast %get3A_608 : vector<1x16xf32> to vector<16xf32>
        %add3A_610 = arith.addf %add3A_588, %get3A_609 : vector<16xf32>
        %get3A_611 = arith.index_cast %scan3A_600 : i32 to index
        %get3A_612 = arith.constant 32 : index
        %get3A_613 = tpu.vector_load %arg11[%get3A_611, %get3A_612] {strides = array<i32>} : memref<200x64xf32, #tpu.memory_space<vmem>>, vector<1x16xf32>,
        %get3A_614 = vector.shape_cast %get3A_613 : vector<1x16xf32> to vector<16xf32>
        %add3A_615 = arith.addf %add3A_593, %get3A_614 : vector<16xf32>
        %get3A_616 = arith.index_cast %scan3A_600 : i32 to index
        %get3A_617 = arith.constant 48 : index
        %get3A_618 = tpu.vector_load %arg11[%get3A_616, %get3A_617] {strides = array<i32>} : memref<200x64xf32, #tpu.memory_space<vmem>>, vector<1x16xf32>,
        %get3A_619 = vector.shape_cast %get3A_618 : vector<1x16xf32> to vector<16xf32>
        %add3A_620 = arith.addf %add3A_598, %get3A_619 : vector<16xf32>
        %scan3A_621 = arith.constant 2 : i32
        %scan3A_622 = arith.addi %scan3A_575, %scan3A_621 : i32
        %get3A_623 = arith.index_cast %scan3A_622 : i32 to index
        %get3A_624 = arith.constant 0 : index
        %get3A_625 = tpu.vector_load %arg11[%get3A_623, %get3A_624] {strides = array<i32>} : memref<200x64xf32, #tpu.memory_space<vmem>>, vector<1x16xf32>,
        %get3A_626 = vector.shape_cast %get3A_625 : vector<1x16xf32> to vector<16xf32>
        %add3A_627 = arith.addf %add3A_605, %get3A_626 : vector<16xf32>
        %get3A_628 = arith.index_cast %scan3A_622 : i32 to index
        %get3A_629 = arith.constant 16 : index
        %get3A_630 = tpu.vector_load %arg11[%get3A_628, %get3A_629] {strides = array<i32>} : memref<200x64xf32, #tpu.memory_space<vmem>>, vector<1x16xf32>,
        %get3A_631 = vector.shape_cast %get3A_630 : vector<1x16xf32> to vector<16xf32>
        %add3A_632 = arith.addf %add3A_610, %get3A_631 : vector<16xf32>
        %get3A_633 = arith.index_cast %scan3A_622 : i32 to index
        %get3A_634 = arith.constant 32 : index
        %get3A_635 = tpu.vector_load %arg11[%get3A_633, %get3A_634] {strides = array<i32>} : memref<200x64xf32, #tpu.memory_space<vmem>>, vector<1x16xf32>,
        %get3A_636 = vector.shape_cast %get3A_635 : vector<1x16xf32> to vector<16xf32>
        %add3A_637 = arith.addf %add3A_615, %get3A_636 : vector<16xf32>
        %get3A_638 = arith.index_cast %scan3A_622 : i32 to index
        %get3A_639 = arith.constant 48 : index
        %get3A_640 = tpu.vector_load %arg11[%get3A_638, %get3A_639] {strides = array<i32>} : memref<200x64xf32, #tpu.memory_space<vmem>>, vector<1x16xf32>,
        %get3A_641 = vector.shape_cast %get3A_640 : vector<1x16xf32> to vector<16xf32>
        %add3A_642 = arith.addf %add3A_620, %get3A_641 : vector<16xf32>
        %scan3A_643 = arith.constant 3 : i32
        %scan3A_644 = arith.addi %scan3A_575, %scan3A_643 : i32
        %get3A_645 = arith.index_cast %scan3A_644 : i32 to index
        %get3A_646 = arith.constant 0 : index
        %get3A_647 = tpu.vector_load %arg11[%get3A_645, %get3A_646] {strides = array<i32>} : memref<200x64xf32, #tpu.memory_space<vmem>>, vector<1x16xf32>,
        %get3A_648 = vector.shape_cast %get3A_647 : vector<1x16xf32> to vector<16xf32>
        %add3A_649 = arith.addf %add3A_627, %get3A_648 : vector<16xf32>
        %get3A_650 = arith.index_cast %scan3A_644 : i32 to index
        %get3A_651 = arith.constant 16 : index
        %get3A_652 = tpu.vector_load %arg11[%get3A_650, %get3A_651] {strides = array<i32>} : memref<200x64xf32, #tpu.memory_space<vmem>>, vector<1x16xf32>,
        %get3A_653 = vector.shape_cast %get3A_652 : vector<1x16xf32> to vector<16xf32>
        %add3A_654 = arith.addf %add3A_632, %get3A_653 : vector<16xf32>
        %get3A_655 = arith.index_cast %scan3A_644 : i32 to index
        %get3A_656 = arith.constant 32 : index
        %get3A_657 = tpu.vector_load %arg11[%get3A_655, %get3A_656] {strides = array<i32>} : memref<200x64xf32, #tpu.memory_space<vmem>>, vector<1x16xf32>,
        %get3A_658 = vector.shape_cast %get3A_657 : vector<1x16xf32> to vector<16xf32>
        %add3A_659 = arith.addf %add3A_637, %get3A_658 : vector<16xf32>
        %get3A_660 = arith.index_cast %scan3A_644 : i32 to index
        %get3A_661 = arith.constant 48 : index
        %get3A_662 = tpu.vector_load %arg11[%get3A_660, %get3A_661] {strides = array<i32>} : memref<200x64xf32, #tpu.memory_space<vmem>>, vector<1x16xf32>,
        %get3A_663 = vector.shape_cast %get3A_662 : vector<1x16xf32> to vector<16xf32>
        %add3A_664 = arith.addf %add3A_642, %get3A_663 : vector<16xf32>
        scf.yield %add3A_649, %add3A_654, %add3A_659, %add3A_664 : vector<16xf32>, vector<16xf32>, vector<16xf32>, vector<16xf32>
      }
      %scan3A_542 = arith.constant 200 : i32
      %mul3A_543 = arith.constant 5.000000e-03 : f32
      %mul3A_544 = vector.broadcast %mul3A_543 : f32 to vector<16xf32>
      %mul3A_545 = arith.mulf %scan3A_541#0, %mul3A_544 : vector<16xf32>
      %swap3A_546 = arith.index_cast %add3A_513 : i32 to index
      %swap3A_547 = arith.constant 0 : index
      %swap3A_548 = tpu.vector_load %arg12[%swap3A_546, %swap3A_547] {strides = array<i32>} : memref<128x64xf32, #tpu.memory_space<vmem>>, vector<1x16xf32>,
      %swap3A_549 = vector.shape_cast %swap3A_548 : vector<1x16xf32> to vector<16xf32>
      %swap3A_550 = vector.shape_cast %mul3A_545 : vector<16xf32> to vector<1x16xf32>
      tpu.vector_store %arg12[%swap3A_546, %swap3A_547], %swap3A_550 {strides = array<i32>} : memref<128x64xf32, #tpu.memory_space<vmem>>, vector<1x16xf32>,
      %mul3A_551 = arith.constant 5.000000e-03 : f32
      %mul3A_552 = vector.broadcast %mul3A_551 : f32 to vector<16xf32>
      %mul3A_553 = arith.mulf %scan3A_541#1, %mul3A_552 : vector<16xf32>
      %swap3A_554 = arith.index_cast %add3A_513 : i32 to index
      %swap3A_555 = arith.constant 16 : index
      %swap3A_556 = tpu.vector_load %arg12[%swap3A_554, %swap3A_555] {strides = array<i32>} : memref<128x64xf32, #tpu.memory_space<vmem>>, vector<1x16xf32>,
      %swap3A_557 = vector.shape_cast %swap3A_556 : vector<1x16xf32> to vector<16xf32>
      %swap3A_558 = vector.shape_cast %mul3A_553 : vector<16xf32> to vector<1x16xf32>
      tpu.vector_store %arg12[%swap3A_554, %swap3A_555], %swap3A_558 {strides = array<i32>} : memref<128x64xf32, #tpu.memory_space<vmem>>, vector<1x16xf32>,
      %mul3A_559 = arith.constant 5.000000e-03 : f32
      %mul3A_560 = vector.broadcast %mul3A_559 : f32 to vector<16xf32>
      %mul3A_561 = arith.mulf %scan3A_541#2, %mul3A_560 : vector<16xf32>
      %swap3A_562 = arith.index_cast %add3A_513 : i32 to index
      %swap3A_563 = arith.constant 32 : index
      %swap3A_564 = tpu.vector_load %arg12[%swap3A_562, %swap3A_563] {strides = array<i32>} : memref<128x64xf32, #tpu.memory_space<vmem>>, vector<1x16xf32>,
      %swap3A_565 = vector.shape_cast %swap3A_564 : vector<1x16xf32> to vector<16xf32>
      %swap3A_566 = vector.shape_cast %mul3A_561 : vector<16xf32> to vector<1x16xf32>
      tpu.vector_store %arg12[%swap3A_562, %swap3A_563], %swap3A_566 {strides = array<i32>} : memref<128x64xf32, #tpu.memory_space<vmem>>, vector<1x16xf32>,
      %mul3A_567 = arith.constant 5.000000e-03 : f32
      %mul3A_568 = vector.broadcast %mul3A_567 : f32 to vector<16xf32>
      %mul3A_569 = arith.mulf %scan3A_541#3, %mul3A_568 : vector<16xf32>
      %swap3A_570 = arith.index_cast %add3A_513 : i32 to index
      %swap3A_571 = arith.constant 48 : index
      %swap3A_572 = tpu.vector_load %arg12[%swap3A_570, %swap3A_571] {strides = array<i32>} : memref<128x64xf32, #tpu.memory_space<vmem>>, vector<1x16xf32>,
      %swap3A_573 = vector.shape_cast %swap3A_572 : vector<1x16xf32> to vector<16xf32>
      %swap3A_574 = vector.shape_cast %mul3A_569 : vector<16xf32> to vector<1x16xf32>
      tpu.vector_store %arg12[%swap3A_570, %swap3A_571], %swap3A_574 {strides = array<i32>} : memref<128x64xf32, #tpu.memory_space<vmem>>, vector<1x16xf32>,
    }
    %scan3A_88 = arith.constant 21 : i32
    %dma_wait3A = arith.constant 0 : i32
    %dma_wait3A_89 = arith.constant 0 : i32
    %dma_wait3A_90 = tpu.memref_slice %arg3[%dma_wait3A, %dma_wait3A_89] : memref<1015808x64xf32, #tpu.memory_space<hbm>> -> memref<200x64xf32, #tpu.memory_space<hbm>>
    %dma_wait3A_91 = arith.constant 0 : i32
    %dma_wait3A_92 = arith.constant 0 : i32
    %dma_wait3A_93 = tpu.memref_slice %arg3[%dma_wait3A_91, %dma_wait3A_92] : memref<1015808x64xf32, #tpu.memory_space<hbm>> -> memref<200x64xf32, #tpu.memory_space<hbm>>
    tpu.wait_dma2 semaphore(%arg13 : memref<!tpu.dma_semaphore, #tpu.memory_space<semaphore_mem>>) src(%dma_wait3A_93 : memref<200x64xf32, #tpu.memory_space<hbm>>) dst(%arg6 : memref<200x64xf32, #tpu.memory_space<vmem>>)
    %broadcast_in_dim3A = arith.constant 0.000000e+00 : f32
    %broadcast_in_dim3A_94 = vector.broadcast %broadcast_in_dim3A : f32 to vector<16xf32>
    %broadcast_in_dim3A_95 = arith.constant 0.000000e+00 : f32
    %broadcast_in_dim3A_96 = vector.broadcast %broadcast_in_dim3A_95 : f32 to vector<16xf32>
    %broadcast_in_dim3A_97 = arith.constant 0.000000e+00 : f32
    %broadcast_in_dim3A_98 = vector.broadcast %broadcast_in_dim3A_97 : f32 to vector<16xf32>
    %broadcast_in_dim3A_99 = arith.constant 0.000000e+00 : f32
    %broadcast_in_dim3A_100 = vector.broadcast %broadcast_in_dim3A_99 : f32 to vector<16xf32>
    %scan3A_101 = arith.constant 0 : i32
    %scan3A_102 = arith.constant 200 : i32
    %scan3A_103 = arith.addi %scan3A_101, %scan3A_102 : i32
    %scan3A_104 = arith.constant 4 : i32
    %scan3A_105:4 = scf.for %scan3A_198 = %scan3A_101 to %scan3A_103 step %scan3A_104 iter_args(%scan3A_199 = %broadcast_in_dim3A_94, %scan3A_200 = %broadcast_in_dim3A_96, %scan3A_201 = %broadcast_in_dim3A_98, %scan3A_202 = %broadcast_in_dim3A_100) -> (vector<16xf32>, vector<16xf32>, vector<16xf32>, vector<16xf32>)  : i32 {
      %get3A = arith.index_cast %scan3A_198 : i32 to index
      %get3A_203 = arith.constant 0 : index
      %get3A_204 = tpu.vector_load %arg6[%get3A, %get3A_203] {strides = array<i32>} : memref<200x64xf32, #tpu.memory_space<vmem>>, vector<1x16xf32>,
      %get3A_205 = vector.shape_cast %get3A_204 : vector<1x16xf32> to vector<16xf32>
      %add3A_206 = arith.addf %scan3A_199, %get3A_205 : vector<16xf32>
      %get3A_207 = arith.index_cast %scan3A_198 : i32 to index
      %get3A_208 = arith.constant 16 : index
      %get3A_209 = tpu.vector_load %arg6[%get3A_207, %get3A_208] {strides = array<i32>} : memref<200x64xf32, #tpu.memory_space<vmem>>, vector<1x16xf32>,
      %get3A_210 = vector.shape_cast %get3A_209 : vector<1x16xf32> to vector<16xf32>
      %add3A_211 = arith.addf %scan3A_200, %get3A_210 : vector<16xf32>
      %get3A_212 = arith.index_cast %scan3A_198 : i32 to index
      %get3A_213 = arith.constant 32 : index
      %get3A_214 = tpu.vector_load %arg6[%get3A_212, %get3A_213] {strides = array<i32>} : memref<200x64xf32, #tpu.memory_space<vmem>>, vector<1x16xf32>,
      %get3A_215 = vector.shape_cast %get3A_214 : vector<1x16xf32> to vector<16xf32>
      %add3A_216 = arith.addf %scan3A_201, %get3A_215 : vector<16xf32>
      %get3A_217 = arith.index_cast %scan3A_198 : i32 to index
      %get3A_218 = arith.constant 48 : index
      %get3A_219 = tpu.vector_load %arg6[%get3A_217, %get3A_218] {strides = array<i32>} : memref<200x64xf32, #tpu.memory_space<vmem>>, vector<1x16xf32>,
      %get3A_220 = vector.shape_cast %get3A_219 : vector<1x16xf32> to vector<16xf32>
      %add3A_221 = arith.addf %scan3A_202, %get3A_220 : vector<16xf32>
      %scan3A_222 = arith.constant 1 : i32
      %scan3A_223 = arith.addi %scan3A_198, %scan3A_222 : i32
      %get3A_224 = arith.index_cast %scan3A_223 : i32 to index
      %get3A_225 = arith.constant 0 : index
      %get3A_226 = tpu.vector_load %arg6[%get3A_224, %get3A_225] {strides = array<i32>} : memref<200x64xf32, #tpu.memory_space<vmem>>, vector<1x16xf32>,
      %get3A_227 = vector.shape_cast %get3A_226 : vector<1x16xf32> to vector<16xf32>
      %add3A_228 = arith.addf %add3A_206, %get3A_227 : vector<16xf32>
      %get3A_229 = arith.index_cast %scan3A_223 : i32 to index
      %get3A_230 = arith.constant 16 : index
      %get3A_231 = tpu.vector_load %arg6[%get3A_229, %get3A_230] {strides = array<i32>} : memref<200x64xf32, #tpu.memory_space<vmem>>, vector<1x16xf32>,
      %get3A_232 = vector.shape_cast %get3A_231 : vector<1x16xf32> to vector<16xf32>
      %add3A_233 = arith.addf %add3A_211, %get3A_232 : vector<16xf32>
      %get3A_234 = arith.index_cast %scan3A_223 : i32 to index
      %get3A_235 = arith.constant 32 : index
      %get3A_236 = tpu.vector_load %arg6[%get3A_234, %get3A_235] {strides = array<i32>} : memref<200x64xf32, #tpu.memory_space<vmem>>, vector<1x16xf32>,
      %get3A_237 = vector.shape_cast %get3A_236 : vector<1x16xf32> to vector<16xf32>
      %add3A_238 = arith.addf %add3A_216, %get3A_237 : vector<16xf32>
      %get3A_239 = arith.index_cast %scan3A_223 : i32 to index
      %get3A_240 = arith.constant 48 : index
      %get3A_241 = tpu.vector_load %arg6[%get3A_239, %get3A_240] {strides = array<i32>} : memref<200x64xf32, #tpu.memory_space<vmem>>, vector<1x16xf32>,
      %get3A_242 = vector.shape_cast %get3A_241 : vector<1x16xf32> to vector<16xf32>
      %add3A_243 = arith.addf %add3A_221, %get3A_242 : vector<16xf32>
      %scan3A_244 = arith.constant 2 : i32
      %scan3A_245 = arith.addi %scan3A_198, %scan3A_244 : i32
      %get3A_246 = arith.index_cast %scan3A_245 : i32 to index
      %get3A_247 = arith.constant 0 : index
      %get3A_248 = tpu.vector_load %arg6[%get3A_246, %get3A_247] {strides = array<i32>} : memref<200x64xf32, #tpu.memory_space<vmem>>, vector<1x16xf32>,
      %get3A_249 = vector.shape_cast %get3A_248 : vector<1x16xf32> to vector<16xf32>
      %add3A_250 = arith.addf %add3A_228, %get3A_249 : vector<16xf32>
      %get3A_251 = arith.index_cast %scan3A_245 : i32 to index
      %get3A_252 = arith.constant 16 : index
      %get3A_253 = tpu.vector_load %arg6[%get3A_251, %get3A_252] {strides = array<i32>} : memref<200x64xf32, #tpu.memory_space<vmem>>, vector<1x16xf32>,
      %get3A_254 = vector.shape_cast %get3A_253 : vector<1x16xf32> to vector<16xf32>
      %add3A_255 = arith.addf %add3A_233, %get3A_254 : vector<16xf32>
      %get3A_256 = arith.index_cast %scan3A_245 : i32 to index
      %get3A_257 = arith.constant 32 : index
      %get3A_258 = tpu.vector_load %arg6[%get3A_256, %get3A_257] {strides = array<i32>} : memref<200x64xf32, #tpu.memory_space<vmem>>, vector<1x16xf32>,
      %get3A_259 = vector.shape_cast %get3A_258 : vector<1x16xf32> to vector<16xf32>
      %add3A_260 = arith.addf %add3A_238, %get3A_259 : vector<16xf32>
      %get3A_261 = arith.index_cast %scan3A_245 : i32 to index
      %get3A_262 = arith.constant 48 : index
      %get3A_263 = tpu.vector_load %arg6[%get3A_261, %get3A_262] {strides = array<i32>} : memref<200x64xf32, #tpu.memory_space<vmem>>, vector<1x16xf32>,
      %get3A_264 = vector.shape_cast %get3A_263 : vector<1x16xf32> to vector<16xf32>
      %add3A_265 = arith.addf %add3A_243, %get3A_264 : vector<16xf32>
      %scan3A_266 = arith.constant 3 : i32
      %scan3A_267 = arith.addi %scan3A_198, %scan3A_266 : i32
      %get3A_268 = arith.index_cast %scan3A_267 : i32 to index
      %get3A_269 = arith.constant 0 : index
      %get3A_270 = tpu.vector_load %arg6[%get3A_268, %get3A_269] {strides = array<i32>} : memref<200x64xf32, #tpu.memory_space<vmem>>, vector<1x16xf32>,
      %get3A_271 = vector.shape_cast %get3A_270 : vector<1x16xf32> to vector<16xf32>
      %add3A_272 = arith.addf %add3A_250, %get3A_271 : vector<16xf32>
      %get3A_273 = arith.index_cast %scan3A_267 : i32 to index
      %get3A_274 = arith.constant 16 : index
      %get3A_275 = tpu.vector_load %arg6[%get3A_273, %get3A_274] {strides = array<i32>} : memref<200x64xf32, #tpu.memory_space<vmem>>, vector<1x16xf32>,
      %get3A_276 = vector.shape_cast %get3A_275 : vector<1x16xf32> to vector<16xf32>
      %add3A_277 = arith.addf %add3A_255, %get3A_276 : vector<16xf32>
      %get3A_278 = arith.index_cast %scan3A_267 : i32 to index
      %get3A_279 = arith.constant 32 : index
      %get3A_280 = tpu.vector_load %arg6[%get3A_278, %get3A_279] {strides = array<i32>} : memref<200x64xf32, #tpu.memory_space<vmem>>, vector<1x16xf32>,
      %get3A_281 = vector.shape_cast %get3A_280 : vector<1x16xf32> to vector<16xf32>
      %add3A_282 = arith.addf %add3A_260, %get3A_281 : vector<16xf32>
      %get3A_283 = arith.index_cast %scan3A_267 : i32 to index
      %get3A_284 = arith.constant 48 : index
      %get3A_285 = tpu.vector_load %arg6[%get3A_283, %get3A_284] {strides = array<i32>} : memref<200x64xf32, #tpu.memory_space<vmem>>, vector<1x16xf32>,
      %get3A_286 = vector.shape_cast %get3A_285 : vector<1x16xf32> to vector<16xf32>
      %add3A_287 = arith.addf %add3A_265, %get3A_286 : vector<16xf32>
      scf.yield %add3A_272, %add3A_277, %add3A_282, %add3A_287 : vector<16xf32>, vector<16xf32>, vector<16xf32>, vector<16xf32>
    }
    %scan3A_106 = arith.constant 200 : i32
    %mul3A_107 = arith.constant 5.000000e-03 : f32
    %mul3A_108 = vector.broadcast %mul3A_107 : f32 to vector<16xf32>
    %mul3A_109 = arith.mulf %scan3A_105#0, %mul3A_108 : vector<16xf32>
    %swap3A = arith.constant 126 : i32
    %swap3A_110 = arith.index_cast %swap3A : i32 to index
    %swap3A_111 = arith.constant 0 : index
    %swap3A_112 = tpu.vector_load %arg12[%swap3A_110, %swap3A_111] {strides = array<i32>} : memref<128x64xf32, #tpu.memory_space<vmem>>, vector<1x16xf32>,
    %swap3A_113 = vector.shape_cast %swap3A_112 : vector<1x16xf32> to vector<16xf32>
    %swap3A_114 = vector.shape_cast %mul3A_109 : vector<16xf32> to vector<1x16xf32>
    tpu.vector_store %arg12[%swap3A_110, %swap3A_111], %swap3A_114 {strides = array<i32>} : memref<128x64xf32, #tpu.memory_space<vmem>>, vector<1x16xf32>,
    %mul3A_115 = arith.constant 5.000000e-03 : f32
    %mul3A_116 = vector.broadcast %mul3A_115 : f32 to vector<16xf32>
    %mul3A_117 = arith.mulf %scan3A_105#1, %mul3A_116 : vector<16xf32>
    %swap3A_118 = arith.constant 126 : i32
    %swap3A_119 = arith.index_cast %swap3A_118 : i32 to index
    %swap3A_120 = arith.constant 16 : index
    %swap3A_121 = tpu.vector_load %arg12[%swap3A_119, %swap3A_120] {strides = array<i32>} : memref<128x64xf32, #tpu.memory_space<vmem>>, vector<1x16xf32>,
    %swap3A_122 = vector.shape_cast %swap3A_121 : vector<1x16xf32> to vector<16xf32>
    %swap3A_123 = vector.shape_cast %mul3A_117 : vector<16xf32> to vector<1x16xf32>
    tpu.vector_store %arg12[%swap3A_119, %swap3A_120], %swap3A_123 {strides = array<i32>} : memref<128x64xf32, #tpu.memory_space<vmem>>, vector<1x16xf32>,
    %mul3A_124 = arith.constant 5.000000e-03 : f32
    %mul3A_125 = vector.broadcast %mul3A_124 : f32 to vector<16xf32>
    %mul3A_126 = arith.mulf %scan3A_105#2, %mul3A_125 : vector<16xf32>
    %swap3A_127 = arith.constant 126 : i32
    %swap3A_128 = arith.index_cast %swap3A_127 : i32 to index
    %swap3A_129 = arith.constant 32 : index
    %swap3A_130 = tpu.vector_load %arg12[%swap3A_128, %swap3A_129] {strides = array<i32>} : memref<128x64xf32, #tpu.memory_space<vmem>>, vector<1x16xf32>,
    %swap3A_131 = vector.shape_cast %swap3A_130 : vector<1x16xf32> to vector<16xf32>
    %swap3A_132 = vector.shape_cast %mul3A_126 : vector<16xf32> to vector<1x16xf32>
    tpu.vector_store %arg12[%swap3A_128, %swap3A_129], %swap3A_132 {strides = array<i32>} : memref<128x64xf32, #tpu.memory_space<vmem>>, vector<1x16xf32>,
    %mul3A_133 = arith.constant 5.000000e-03 : f32
    %mul3A_134 = vector.broadcast %mul3A_133 : f32 to vector<16xf32>
    %mul3A_135 = arith.mulf %scan3A_105#3, %mul3A_134 : vector<16xf32>
    %swap3A_136 = arith.constant 126 : i32
    %swap3A_137 = arith.index_cast %swap3A_136 : i32 to index
    %swap3A_138 = arith.constant 48 : index
    %swap3A_139 = tpu.vector_load %arg12[%swap3A_137, %swap3A_138] {strides = array<i32>} : memref<128x64xf32, #tpu.memory_space<vmem>>, vector<1x16xf32>,
    %swap3A_140 = vector.shape_cast %swap3A_139 : vector<1x16xf32> to vector<16xf32>
    %swap3A_141 = vector.shape_cast %mul3A_135 : vector<16xf32> to vector<1x16xf32>
    tpu.vector_store %arg12[%swap3A_137, %swap3A_138], %swap3A_141 {strides = array<i32>} : memref<128x64xf32, #tpu.memory_space<vmem>>, vector<1x16xf32>,
    %dma_wait3A_142 = arith.constant 0 : i32
    %dma_wait3A_143 = arith.constant 0 : i32
    %dma_wait3A_144 = tpu.memref_slice %arg3[%dma_wait3A_142, %dma_wait3A_143] : memref<1015808x64xf32, #tpu.memory_space<hbm>> -> memref<200x64xf32, #tpu.memory_space<hbm>>
    %dma_wait3A_145 = arith.constant 0 : i32
    %dma_wait3A_146 = arith.constant 0 : i32
    %dma_wait3A_147 = tpu.memref_slice %arg3[%dma_wait3A_145, %dma_wait3A_146] : memref<1015808x64xf32, #tpu.memory_space<hbm>> -> memref<200x64xf32, #tpu.memory_space<hbm>>
    tpu.wait_dma2 semaphore(%arg14 : memref<!tpu.dma_semaphore, #tpu.memory_space<semaphore_mem>>) src(%dma_wait3A_147 : memref<200x64xf32, #tpu.memory_space<hbm>>) dst(%arg7 : memref<200x64xf32, #tpu.memory_space<vmem>>)
    %broadcast_in_dim3A_148 = arith.constant 0.000000e+00 : f32
    %broadcast_in_dim3A_149 = vector.broadcast %broadcast_in_dim3A_148 : f32 to vector<16xf32>
    %broadcast_in_dim3A_150 = arith.constant 0.000000e+00 : f32
    %broadcast_in_dim3A_151 = vector.broadcast %broadcast_in_dim3A_150 : f32 to vector<16xf32>
    %broadcast_in_dim3A_152 = arith.constant 0.000000e+00 : f32
    %broadcast_in_dim3A_153 = vector.broadcast %broadcast_in_dim3A_152 : f32 to vector<16xf32>
    %broadcast_in_dim3A_154 = arith.constant 0.000000e+00 : f32
    %broadcast_in_dim3A_155 = vector.broadcast %broadcast_in_dim3A_154 : f32 to vector<16xf32>
    %scan3A_156 = arith.constant 0 : i32
    %scan3A_157 = arith.constant 200 : i32
    %scan3A_158 = arith.addi %scan3A_156, %scan3A_157 : i32
    %scan3A_159 = arith.constant 4 : i32
    %scan3A_160:4 = scf.for %scan3A_198 = %scan3A_156 to %scan3A_158 step %scan3A_159 iter_args(%scan3A_199 = %broadcast_in_dim3A_149, %scan3A_200 = %broadcast_in_dim3A_151, %scan3A_201 = %broadcast_in_dim3A_153, %scan3A_202 = %broadcast_in_dim3A_155) -> (vector<16xf32>, vector<16xf32>, vector<16xf32>, vector<16xf32>)  : i32 {
      %get3A = arith.index_cast %scan3A_198 : i32 to index
      %get3A_203 = arith.constant 0 : index
      %get3A_204 = tpu.vector_load %arg7[%get3A, %get3A_203] {strides = array<i32>} : memref<200x64xf32, #tpu.memory_space<vmem>>, vector<1x16xf32>,
      %get3A_205 = vector.shape_cast %get3A_204 : vector<1x16xf32> to vector<16xf32>
      %add3A_206 = arith.addf %scan3A_199, %get3A_205 : vector<16xf32>
      %get3A_207 = arith.index_cast %scan3A_198 : i32 to index
      %get3A_208 = arith.constant 16 : index
      %get3A_209 = tpu.vector_load %arg7[%get3A_207, %get3A_208] {strides = array<i32>} : memref<200x64xf32, #tpu.memory_space<vmem>>, vector<1x16xf32>,
      %get3A_210 = vector.shape_cast %get3A_209 : vector<1x16xf32> to vector<16xf32>
      %add3A_211 = arith.addf %scan3A_200, %get3A_210 : vector<16xf32>
      %get3A_212 = arith.index_cast %scan3A_198 : i32 to index
      %get3A_213 = arith.constant 32 : index
      %get3A_214 = tpu.vector_load %arg7[%get3A_212, %get3A_213] {strides = array<i32>} : memref<200x64xf32, #tpu.memory_space<vmem>>, vector<1x16xf32>,
      %get3A_215 = vector.shape_cast %get3A_214 : vector<1x16xf32> to vector<16xf32>
      %add3A_216 = arith.addf %scan3A_201, %get3A_215 : vector<16xf32>
      %get3A_217 = arith.index_cast %scan3A_198 : i32 to index
      %get3A_218 = arith.constant 48 : index
      %get3A_219 = tpu.vector_load %arg7[%get3A_217, %get3A_218] {strides = array<i32>} : memref<200x64xf32, #tpu.memory_space<vmem>>, vector<1x16xf32>,
      %get3A_220 = vector.shape_cast %get3A_219 : vector<1x16xf32> to vector<16xf32>
      %add3A_221 = arith.addf %scan3A_202, %get3A_220 : vector<16xf32>
      %scan3A_222 = arith.constant 1 : i32
      %scan3A_223 = arith.addi %scan3A_198, %scan3A_222 : i32
      %get3A_224 = arith.index_cast %scan3A_223 : i32 to index
      %get3A_225 = arith.constant 0 : index
      %get3A_226 = tpu.vector_load %arg7[%get3A_224, %get3A_225] {strides = array<i32>} : memref<200x64xf32, #tpu.memory_space<vmem>>, vector<1x16xf32>,
      %get3A_227 = vector.shape_cast %get3A_226 : vector<1x16xf32> to vector<16xf32>
      %add3A_228 = arith.addf %add3A_206, %get3A_227 : vector<16xf32>
      %get3A_229 = arith.index_cast %scan3A_223 : i32 to index
      %get3A_230 = arith.constant 16 : index
      %get3A_231 = tpu.vector_load %arg7[%get3A_229, %get3A_230] {strides = array<i32>} : memref<200x64xf32, #tpu.memory_space<vmem>>, vector<1x16xf32>,
      %get3A_232 = vector.shape_cast %get3A_231 : vector<1x16xf32> to vector<16xf32>
      %add3A_233 = arith.addf %add3A_211, %get3A_232 : vector<16xf32>
      %get3A_234 = arith.index_cast %scan3A_223 : i32 to index
      %get3A_235 = arith.constant 32 : index
      %get3A_236 = tpu.vector_load %arg7[%get3A_234, %get3A_235] {strides = array<i32>} : memref<200x64xf32, #tpu.memory_space<vmem>>, vector<1x16xf32>,
      %get3A_237 = vector.shape_cast %get3A_236 : vector<1x16xf32> to vector<16xf32>
      %add3A_238 = arith.addf %add3A_216, %get3A_237 : vector<16xf32>
      %get3A_239 = arith.index_cast %scan3A_223 : i32 to index
      %get3A_240 = arith.constant 48 : index
      %get3A_241 = tpu.vector_load %arg7[%get3A_239, %get3A_240] {strides = array<i32>} : memref<200x64xf32, #tpu.memory_space<vmem>>, vector<1x16xf32>,
      %get3A_242 = vector.shape_cast %get3A_241 : vector<1x16xf32> to vector<16xf32>
      %add3A_243 = arith.addf %add3A_221, %get3A_242 : vector<16xf32>
      %scan3A_244 = arith.constant 2 : i32
      %scan3A_245 = arith.addi %scan3A_198, %scan3A_244 : i32
      %get3A_246 = arith.index_cast %scan3A_245 : i32 to index
      %get3A_247 = arith.constant 0 : index
      %get3A_248 = tpu.vector_load %arg7[%get3A_246, %get3A_247] {strides = array<i32>} : memref<200x64xf32, #tpu.memory_space<vmem>>, vector<1x16xf32>,
      %get3A_249 = vector.shape_cast %get3A_248 : vector<1x16xf32> to vector<16xf32>
      %add3A_250 = arith.addf %add3A_228, %get3A_249 : vector<16xf32>
      %get3A_251 = arith.index_cast %scan3A_245 : i32 to index
      %get3A_252 = arith.constant 16 : index
      %get3A_253 = tpu.vector_load %arg7[%get3A_251, %get3A_252] {strides = array<i32>} : memref<200x64xf32, #tpu.memory_space<vmem>>, vector<1x16xf32>,
      %get3A_254 = vector.shape_cast %get3A_253 : vector<1x16xf32> to vector<16xf32>
      %add3A_255 = arith.addf %add3A_233, %get3A_254 : vector<16xf32>
      %get3A_256 = arith.index_cast %scan3A_245 : i32 to index
      %get3A_257 = arith.constant 32 : index
      %get3A_258 = tpu.vector_load %arg7[%get3A_256, %get3A_257] {strides = array<i32>} : memref<200x64xf32, #tpu.memory_space<vmem>>, vector<1x16xf32>,
      %get3A_259 = vector.shape_cast %get3A_258 : vector<1x16xf32> to vector<16xf32>
      %add3A_260 = arith.addf %add3A_238, %get3A_259 : vector<16xf32>
      %get3A_261 = arith.index_cast %scan3A_245 : i32 to index
      %get3A_262 = arith.constant 48 : index
      %get3A_263 = tpu.vector_load %arg7[%get3A_261, %get3A_262] {strides = array<i32>} : memref<200x64xf32, #tpu.memory_space<vmem>>, vector<1x16xf32>,
      %get3A_264 = vector.shape_cast %get3A_263 : vector<1x16xf32> to vector<16xf32>
      %add3A_265 = arith.addf %add3A_243, %get3A_264 : vector<16xf32>
      %scan3A_266 = arith.constant 3 : i32
      %scan3A_267 = arith.addi %scan3A_198, %scan3A_266 : i32
      %get3A_268 = arith.index_cast %scan3A_267 : i32 to index
      %get3A_269 = arith.constant 0 : index
      %get3A_270 = tpu.vector_load %arg7[%get3A_268, %get3A_269] {strides = array<i32>} : memref<200x64xf32, #tpu.memory_space<vmem>>, vector<1x16xf32>,
      %get3A_271 = vector.shape_cast %get3A_270 : vector<1x16xf32> to vector<16xf32>
      %add3A_272 = arith.addf %add3A_250, %get3A_271 : vector<16xf32>
      %get3A_273 = arith.index_cast %scan3A_267 : i32 to index
      %get3A_274 = arith.constant 16 : index
      %get3A_275 = tpu.vector_load %arg7[%get3A_273, %get3A_274] {strides = array<i32>} : memref<200x64xf32, #tpu.memory_space<vmem>>, vector<1x16xf32>,
      %get3A_276 = vector.shape_cast %get3A_275 : vector<1x16xf32> to vector<16xf32>
      %add3A_277 = arith.addf %add3A_255, %get3A_276 : vector<16xf32>
      %get3A_278 = arith.index_cast %scan3A_267 : i32 to index
      %get3A_279 = arith.constant 32 : index
      %get3A_280 = tpu.vector_load %arg7[%get3A_278, %get3A_279] {strides = array<i32>} : memref<200x64xf32, #tpu.memory_space<vmem>>, vector<1x16xf32>,
      %get3A_281 = vector.shape_cast %get3A_280 : vector<1x16xf32> to vector<16xf32>
      %add3A_282 = arith.addf %add3A_260, %get3A_281 : vector<16xf32>
      %get3A_283 = arith.index_cast %scan3A_267 : i32 to index
      %get3A_284 = arith.constant 48 : index
      %get3A_285 = tpu.vector_load %arg7[%get3A_283, %get3A_284] {strides = array<i32>} : memref<200x64xf32, #tpu.memory_space<vmem>>, vector<1x16xf32>,
      %get3A_286 = vector.shape_cast %get3A_285 : vector<1x16xf32> to vector<16xf32>
      %add3A_287 = arith.addf %add3A_265, %get3A_286 : vector<16xf32>
      scf.yield %add3A_272, %add3A_277, %add3A_282, %add3A_287 : vector<16xf32>, vector<16xf32>, vector<16xf32>, vector<16xf32>
    }
    %scan3A_161 = arith.constant 200 : i32
    %mul3A_162 = arith.constant 5.000000e-03 : f32
    %mul3A_163 = vector.broadcast %mul3A_162 : f32 to vector<16xf32>
    %mul3A_164 = arith.mulf %scan3A_160#0, %mul3A_163 : vector<16xf32>
    %swap3A_165 = arith.constant 127 : i32
    %swap3A_166 = arith.index_cast %swap3A_165 : i32 to index
    %swap3A_167 = arith.constant 0 : index
    %swap3A_168 = tpu.vector_load %arg12[%swap3A_166, %swap3A_167] {strides = array<i32>} : memref<128x64xf32, #tpu.memory_space<vmem>>, vector<1x16xf32>,
    %swap3A_169 = vector.shape_cast %swap3A_168 : vector<1x16xf32> to vector<16xf32>
    %swap3A_170 = vector.shape_cast %mul3A_164 : vector<16xf32> to vector<1x16xf32>
    tpu.vector_store %arg12[%swap3A_166, %swap3A_167], %swap3A_170 {strides = array<i32>} : memref<128x64xf32, #tpu.memory_space<vmem>>, vector<1x16xf32>,
    %mul3A_171 = arith.constant 5.000000e-03 : f32
    %mul3A_172 = vector.broadcast %mul3A_171 : f32 to vector<16xf32>
    %mul3A_173 = arith.mulf %scan3A_160#1, %mul3A_172 : vector<16xf32>
    %swap3A_174 = arith.constant 127 : i32
    %swap3A_175 = arith.index_cast %swap3A_174 : i32 to index
    %swap3A_176 = arith.constant 16 : index
    %swap3A_177 = tpu.vector_load %arg12[%swap3A_175, %swap3A_176] {strides = array<i32>} : memref<128x64xf32, #tpu.memory_space<vmem>>, vector<1x16xf32>,
    %swap3A_178 = vector.shape_cast %swap3A_177 : vector<1x16xf32> to vector<16xf32>
    %swap3A_179 = vector.shape_cast %mul3A_173 : vector<16xf32> to vector<1x16xf32>
    tpu.vector_store %arg12[%swap3A_175, %swap3A_176], %swap3A_179 {strides = array<i32>} : memref<128x64xf32, #tpu.memory_space<vmem>>, vector<1x16xf32>,
    %mul3A_180 = arith.constant 5.000000e-03 : f32
    %mul3A_181 = vector.broadcast %mul3A_180 : f32 to vector<16xf32>
    %mul3A_182 = arith.mulf %scan3A_160#2, %mul3A_181 : vector<16xf32>
    %swap3A_183 = arith.constant 127 : i32
    %swap3A_184 = arith.index_cast %swap3A_183 : i32 to index
    %swap3A_185 = arith.constant 32 : index
    %swap3A_186 = tpu.vector_load %arg12[%swap3A_184, %swap3A_185] {strides = array<i32>} : memref<128x64xf32, #tpu.memory_space<vmem>>, vector<1x16xf32>,
    %swap3A_187 = vector.shape_cast %swap3A_186 : vector<1x16xf32> to vector<16xf32>
    %swap3A_188 = vector.shape_cast %mul3A_182 : vector<16xf32> to vector<1x16xf32>
    tpu.vector_store %arg12[%swap3A_184, %swap3A_185], %swap3A_188 {strides = array<i32>} : memref<128x64xf32, #tpu.memory_space<vmem>>, vector<1x16xf32>,
    %mul3A_189 = arith.constant 5.000000e-03 : f32
    %mul3A_190 = vector.broadcast %mul3A_189 : f32 to vector<16xf32>
    %mul3A_191 = arith.mulf %scan3A_160#3, %mul3A_190 : vector<16xf32>
    %swap3A_192 = arith.constant 127 : i32
    %swap3A_193 = arith.index_cast %swap3A_192 : i32 to index
    %swap3A_194 = arith.constant 48 : index
    %swap3A_195 = tpu.vector_load %arg12[%swap3A_193, %swap3A_194] {strides = array<i32>} : memref<128x64xf32, #tpu.memory_space<vmem>>, vector<1x16xf32>,
    %swap3A_196 = vector.shape_cast %swap3A_195 : vector<1x16xf32> to vector<16xf32>
    %swap3A_197 = vector.shape_cast %mul3A_191 : vector<16xf32> to vector<1x16xf32>
    tpu.vector_store %arg12[%swap3A_193, %swap3A_194], %swap3A_197 {strides = array<i32>} : memref<128x64xf32, #tpu.memory_space<vmem>>, vector<1x16xf32>,
    "tpu.region"() ({
      %run_scoped3A = tpu.sem_alloc : memref<!tpu.dma_semaphore, #tpu.memory_space<semaphore_mem>>
      %dma_start3A_198 = arith.constant 0 : i32
      %dma_start3A_199 = tpu.memref_slice %arg4[%mul3A_2, %dma_start3A_198] : memref<4096x64xf32, #tpu.memory_space<hbm>> -> memref<128x64xf32, #tpu.memory_space<hbm>>
      %dma_start3A_200 = arith.constant 0 : i32
      %dma_start3A_201 = tpu.memref_slice %arg4[%mul3A_2, %dma_start3A_200] : memref<4096x64xf32, #tpu.memory_space<hbm>> -> memref<128x64xf32, #tpu.memory_space<hbm>>
      tpu.enqueue_dma source(%arg12 : memref<128x64xf32, #tpu.memory_space<vmem>>) target(%dma_start3A_201 : memref<128x64xf32, #tpu.memory_space<hbm>>) target_semaphore(%run_scoped3A : memref<!tpu.dma_semaphore, #tpu.memory_space<semaphore_mem>>)
      %dma_wait3A_202 = arith.constant 0 : i32
      %dma_wait3A_203 = tpu.memref_slice %arg4[%mul3A_2, %dma_wait3A_202] : memref<4096x64xf32, #tpu.memory_space<hbm>> -> memref<128x64xf32, #tpu.memory_space<hbm>>
      %dma_wait3A_204 = arith.constant 0 : i32
      %dma_wait3A_205 = tpu.memref_slice %arg4[%mul3A_2, %dma_wait3A_204] : memref<4096x64xf32, #tpu.memory_space<hbm>> -> memref<128x64xf32, #tpu.memory_space<hbm>>
      tpu.wait_dma2 semaphore(%run_scoped3A : memref<!tpu.dma_semaphore, #tpu.memory_space<semaphore_mem>>) src(%arg12 : memref<128x64xf32, #tpu.memory_space<vmem>>) dst(%dma_wait3A_205 : memref<128x64xf32, #tpu.memory_space<hbm>>)
      tpu.yield
    }) : () -> ()
    return
  }
}

#map = affine_map<(d0, d1) -> (0, 0)>
#map1 = affine_map<(d0, d1) -> (0)>
module attributes {stable_mosaic.version = 14 : i64} {
  func.func @_gidx_body(%arg0: i32, %arg1: i32, %arg2: memref<200x4096xi32, #tpu.memory_space<hbm>>, %arg3: memref<819200xi32, #tpu.memory_space<hbm>>, %arg4: memref<200x128xi32, #tpu.memory_space<vmem>>, %arg5: memref<25600xi32, #tpu.memory_space<vmem>>) attributes {dimension_semantics = [#tpu.dimension_semantics<core_parallel>, #tpu.dimension_semantics<subcore_parallel>], iteration_bounds = array<i64: 2, 16>, scalar_prefetch = 0 : i64, scratch_operands = 2 : i64, tpu.core_type = #tpu.core_type<sc_vector_subcore>, window_params = [{transform_indices = #map}, {transform_indices = #map1}]} {
    %mul3A = arith.constant 2 : i32
    %mul3A_0 = arith.muli %arg1, %mul3A : i32
    %add3A = arith.addi %mul3A_0, %arg0 : i32
    %mul3A_1 = arith.constant 128 : i32
    %mul3A_2 = arith.muli %add3A, %mul3A_1 : i32
    "tpu.region"() ({
      %run_scoped3A = tpu.sem_alloc : memref<!tpu.dma_semaphore, #tpu.memory_space<semaphore_mem>>
      %dma_start3A = arith.constant 0 : i32
      %dma_start3A_62 = tpu.memref_slice %arg2[%dma_start3A, %mul3A_2] : memref<200x4096xi32, #tpu.memory_space<hbm>> -> memref<200x128xi32, #tpu.memory_space<hbm>>
      %dma_start3A_63 = arith.constant 0 : i32
      %dma_start3A_64 = tpu.memref_slice %arg2[%dma_start3A_63, %mul3A_2] : memref<200x4096xi32, #tpu.memory_space<hbm>> -> memref<200x128xi32, #tpu.memory_space<hbm>>
      tpu.enqueue_dma source(%dma_start3A_64 : memref<200x128xi32, #tpu.memory_space<hbm>>) target(%arg4 : memref<200x128xi32, #tpu.memory_space<vmem>>) target_semaphore(%run_scoped3A : memref<!tpu.dma_semaphore, #tpu.memory_space<semaphore_mem>>)
      %dma_wait3A = arith.constant 0 : i32
      %dma_wait3A_65 = tpu.memref_slice %arg2[%dma_wait3A, %mul3A_2] : memref<200x4096xi32, #tpu.memory_space<hbm>> -> memref<200x128xi32, #tpu.memory_space<hbm>>
      %dma_wait3A_66 = arith.constant 0 : i32
      %dma_wait3A_67 = tpu.memref_slice %arg2[%dma_wait3A_66, %mul3A_2] : memref<200x4096xi32, #tpu.memory_space<hbm>> -> memref<200x128xi32, #tpu.memory_space<hbm>>
      tpu.wait_dma2 semaphore(%run_scoped3A : memref<!tpu.dma_semaphore, #tpu.memory_space<semaphore_mem>>) src(%dma_wait3A_67 : memref<200x128xi32, #tpu.memory_space<hbm>>) dst(%arg4 : memref<200x128xi32, #tpu.memory_space<vmem>>)
      tpu.yield
    }) : () -> ()
    %iota3A = tpu.iota {dimensions = array<i32: 0>} : vector<16xi32>
    %mul3A_3 = arith.constant 0 : i32
    %mul3A_4 = vector.broadcast %mul3A_3 : i32 to vector<16xi32>
    %mul3A_5 = arith.muli %iota3A, %mul3A_4 : vector<16xi32>
    %scan3A = arith.constant 0 : i32
    %scan3A_6 = arith.constant 0 : i32
    %scan3A_7 = arith.constant 128 : i32
    %scan3A_8 = arith.addi %scan3A_6, %scan3A_7 : i32
    %scan3A_9 = arith.constant 1 : i32
    scf.for %scan3A_62 = %scan3A_6 to %scan3A_8 step %scan3A_9  : i32 {
      %scan3A_63 = arith.constant 0 : i32
      %scan3A_64 = arith.constant 12 : i32
      %scan3A_65 = arith.addi %scan3A_63, %scan3A_64 : i32
      %scan3A_66 = arith.constant 1 : i32
      scf.for %scan3A_68 = %scan3A_63 to %scan3A_65 step %scan3A_66  : i32 {
        %mul3A_69 = arith.constant 16 : i32
        %mul3A_70 = arith.muli %scan3A_68, %mul3A_69 : i32
        %add3A_71 = vector.broadcast %mul3A_70 : i32 to vector<16xi32>
        %add3A_72 = arith.addi %add3A_71, %iota3A : vector<16xi32>
        %add3A_73 = vector.broadcast %scan3A_62 : i32 to vector<16xi32>
        %add3A_74 = arith.addi %add3A_73, %mul3A_5 : vector<16xi32>
        %gather3A = tpu.vector_load_idx %arg4[%add3A_72, %add3A_74] : memref<200x128xi32, #tpu.memory_space<vmem>>[vector<16xi32>, vector<16xi32>], vector<16xi32>,
        %mul3A_75 = arith.constant 200 : i32
        %mul3A_76 = arith.muli %scan3A_62, %mul3A_75 : i32
        %mul3A_77 = arith.constant 16 : i32
        %mul3A_78 = arith.muli %scan3A_68, %mul3A_77 : i32
        %add3A_79 = arith.addi %mul3A_76, %mul3A_78 : i32
        %add3A_80 = vector.broadcast %add3A_79 : i32 to vector<16xi32>
        %add3A_81 = arith.addi %add3A_80, %iota3A : vector<16xi32>
        %mul3A_82 = arith.constant 2 : i32
        %mul3A_83 = vector.broadcast %mul3A_82 : i32 to vector<16xi32>
        %mul3A_84 = arith.muli %gather3A, %mul3A_83 : vector<16xi32>
        %ge3A = arith.constant 507904 : i32
        %ge3A_85 = vector.broadcast %ge3A : i32 to vector<16xi32>
        %ge3A_86 = arith.cmpi sge, %gather3A, %ge3A_85 : vector<16xi32>
        %jit3A_87 = arith.constant 1015807 : i32
        %jit3A_88 = arith.constant 0 : i32
        %broadcast_in_dim3A = vector.broadcast %jit3A_87 : i32 to vector<16xi32>
        %broadcast_in_dim3A_89 = vector.broadcast %jit3A_88 : i32 to vector<16xi32>
        %select_n3A_90 = arith.select %ge3A_86, %broadcast_in_dim3A, %broadcast_in_dim3A_89 : vector<16xi1>, vector<16xi32>
        %sub3A_91 = arith.subi %mul3A_84, %select_n3A_90 : vector<16xi32>
        tpu.vector_store_idx %arg5[%add3A_81], %sub3A_91 : memref<25600xi32, #tpu.memory_space<vmem>>[vector<16xi32>], vector<16xi32>,
      }
      %scan3A_67 = arith.constant 12 : i32
    }
    %scan3A_10 = arith.constant 128 : i32
    %jit3A = arith.constant 8 : i32
    %div3A = vector.broadcast %jit3A : i32 to vector<16xi32>
    %div3A_11 = arith.divsi %iota3A, %div3A : vector<16xi32>
    %sign3A = arith.constant 0 : i32
    %sign3A_12 = vector.broadcast %sign3A : i32 to vector<16xi32>
    %sign3A_13 = arith.cmpi sgt, %iota3A, %sign3A_12 : vector<16xi32>
    %sign3A_14 = arith.extui %sign3A_13 : vector<16xi1> to vector<16xi32>
    %sign3A_15 = arith.constant 0 : i32
    %sign3A_16 = vector.broadcast %sign3A_15 : i32 to vector<16xi32>
    %sign3A_17 = arith.cmpi slt, %iota3A, %sign3A_16 : vector<16xi32>
    %sign3A_18 = arith.extui %sign3A_17 : vector<16xi1> to vector<16xi32>
    %sign3A_19 = arith.subi %sign3A_14, %sign3A_18 : vector<16xi32>
    %sign3A_20 = arith.constant 0 : i32
    %sign3A_21 = arith.cmpi sgt, %jit3A, %sign3A_20 : i32
    %sign3A_22 = arith.extui %sign3A_21 : i1 to i32
    %sign3A_23 = arith.constant 0 : i32
    %sign3A_24 = arith.cmpi slt, %jit3A, %sign3A_23 : i32
    %sign3A_25 = arith.extui %sign3A_24 : i1 to i32
    %sign3A_26 = arith.subi %sign3A_22, %sign3A_25 : i32
    %ne3A = vector.broadcast %sign3A_26 : i32 to vector<16xi32>
    %ne3A_27 = arith.cmpi ne, %sign3A_19, %ne3A : vector<16xi32>
    %rem3A = vector.broadcast %jit3A : i32 to vector<16xi32>
    %rem3A_28 = arith.remsi %iota3A, %rem3A : vector<16xi32>
    %ne3A_29 = arith.constant 0 : i32
    %ne3A_30 = vector.broadcast %ne3A_29 : i32 to vector<16xi32>
    %ne3A_31 = arith.cmpi ne, %rem3A_28, %ne3A_30 : vector<16xi32>
    %and3A = arith.andi %ne3A_27, %ne3A_31 : vector<16xi1>
    %sub3A = arith.constant 1 : i32
    %sub3A_32 = vector.broadcast %sub3A : i32 to vector<16xi32>
    %sub3A_33 = arith.subi %div3A_11, %sub3A_32 : vector<16xi32>
    %select_n3A = arith.select %and3A, %sub3A_33, %div3A_11 : vector<16xi1>, vector<16xi32>
    %jit3A_34 = arith.constant 8 : i32
    %eq3A = arith.constant 0 : i32
    %eq3A_35 = arith.cmpi eq, %jit3A_34, %eq3A : i32
    %jit3A_36 = arith.constant 1 : i32
    %select_n3A_37 = arith.select %eq3A_35, %jit3A_36, %jit3A_34 : i32
    %rem3A_38 = vector.broadcast %select_n3A_37 : i32 to vector<16xi32>
    %rem3A_39 = arith.remsi %iota3A, %rem3A_38 : vector<16xi32>
    %ne3A_40 = arith.constant 0 : i32
    %ne3A_41 = vector.broadcast %ne3A_40 : i32 to vector<16xi32>
    %ne3A_42 = arith.cmpi ne, %rem3A_39, %ne3A_41 : vector<16xi32>
    %lt3A = arith.constant 0 : i32
    %lt3A_43 = vector.broadcast %lt3A : i32 to vector<16xi32>
    %lt3A_44 = arith.cmpi slt, %rem3A_39, %lt3A_43 : vector<16xi32>
    %lt3A_45 = arith.constant 0 : i32
    %lt3A_46 = arith.cmpi slt, %select_n3A_37, %lt3A_45 : i32
    %ne3A_47 = vector.broadcast %lt3A_46 : i1 to vector<16xi1>
    %ne3A_48 = vector.broadcast %ne3A_47 : vector<16xi1> to vector<16xi1>
    %ne3A_49 = arith.xori %lt3A_44, %ne3A_48 : vector<16xi1>
    %and3A_50 = arith.andi %ne3A_49, %ne3A_42 : vector<16xi1>
    %add3A_51 = vector.broadcast %select_n3A_37 : i32 to vector<16xi32>
    %add3A_52 = arith.addi %rem3A_39, %add3A_51 : vector<16xi32>
    %select_n3A_53 = arith.select %and3A_50, %add3A_52, %rem3A_39 : vector<16xi1>, vector<16xi32>
    %scan3A_54 = arith.constant 0 : i32
    %scan3A_55 = arith.constant 0 : i32
    %scan3A_56 = arith.constant 64 : i32
    %scan3A_57 = arith.addi %scan3A_55, %scan3A_56 : i32
    %scan3A_58 = arith.constant 1 : i32
    scf.for %scan3A_62 = %scan3A_55 to %scan3A_57 step %scan3A_58  : i32 {
      %mul3A_63 = arith.constant 2 : i32
      %mul3A_64 = arith.muli %scan3A_62, %mul3A_63 : i32
      %add3A_65 = arith.constant 192 : i32
      %add3A_66 = vector.broadcast %add3A_65 : i32 to vector<16xi32>
      %add3A_67 = arith.addi %add3A_66, %select_n3A_53 : vector<16xi32>
      %add3A_68 = vector.broadcast %mul3A_64 : i32 to vector<16xi32>
      %add3A_69 = arith.addi %add3A_68, %select_n3A : vector<16xi32>
      %gather3A = tpu.vector_load_idx %arg4[%add3A_67, %add3A_69] : memref<200x128xi32, #tpu.memory_space<vmem>>[vector<16xi32>, vector<16xi32>], vector<16xi32>,
      %add3A_70 = vector.broadcast %mul3A_64 : i32 to vector<16xi32>
      %add3A_71 = arith.addi %add3A_70, %select_n3A : vector<16xi32>
      %mul3A_72 = arith.constant 200 : i32
      %mul3A_73 = vector.broadcast %mul3A_72 : i32 to vector<16xi32>
      %mul3A_74 = arith.muli %add3A_71, %mul3A_73 : vector<16xi32>
      %add3A_75 = arith.constant 192 : i32
      %add3A_76 = vector.broadcast %add3A_75 : i32 to vector<16xi32>
      %add3A_77 = arith.addi %mul3A_74, %add3A_76 : vector<16xi32>
      %add3A_78 = arith.addi %add3A_77, %select_n3A_53 : vector<16xi32>
      %mul3A_79 = arith.constant 2 : i32
      %mul3A_80 = vector.broadcast %mul3A_79 : i32 to vector<16xi32>
      %mul3A_81 = arith.muli %gather3A, %mul3A_80 : vector<16xi32>
      %ge3A = arith.constant 507904 : i32
      %ge3A_82 = vector.broadcast %ge3A : i32 to vector<16xi32>
      %ge3A_83 = arith.cmpi sge, %gather3A, %ge3A_82 : vector<16xi32>
      %jit3A_84 = arith.constant 1015807 : i32
      %jit3A_85 = arith.constant 0 : i32
      %broadcast_in_dim3A = vector.broadcast %jit3A_84 : i32 to vector<16xi32>
      %broadcast_in_dim3A_86 = vector.broadcast %jit3A_85 : i32 to vector<16xi32>
      %select_n3A_87 = arith.select %ge3A_83, %broadcast_in_dim3A, %broadcast_in_dim3A_86 : vector<16xi1>, vector<16xi32>
      %sub3A_88 = arith.subi %mul3A_81, %select_n3A_87 : vector<16xi32>
      tpu.vector_store_idx %arg5[%add3A_78], %sub3A_88 : memref<25600xi32, #tpu.memory_space<vmem>>[vector<16xi32>], vector<16xi32>,
    }
    %scan3A_59 = arith.constant 64 : i32
    %mul3A_60 = arith.constant 200 : i32
    %mul3A_61 = arith.muli %mul3A_2, %mul3A_60 : i32
    "tpu.region"() ({
      %run_scoped3A = tpu.sem_alloc : memref<!tpu.dma_semaphore, #tpu.memory_space<semaphore_mem>>
      %dma_start3A = tpu.memref_slice %arg3[%mul3A_61] : memref<819200xi32, #tpu.memory_space<hbm>> -> memref<25600xi32, #tpu.memory_space<hbm>>
      %dma_start3A_62 = tpu.memref_slice %arg3[%mul3A_61] : memref<819200xi32, #tpu.memory_space<hbm>> -> memref<25600xi32, #tpu.memory_space<hbm>>
      tpu.enqueue_dma source(%arg5 : memref<25600xi32, #tpu.memory_space<vmem>>) target(%dma_start3A_62 : memref<25600xi32, #tpu.memory_space<hbm>>) target_semaphore(%run_scoped3A : memref<!tpu.dma_semaphore, #tpu.memory_space<semaphore_mem>>)
      %dma_wait3A = tpu.memref_slice %arg3[%mul3A_61] : memref<819200xi32, #tpu.memory_space<hbm>> -> memref<25600xi32, #tpu.memory_space<hbm>>
      %dma_wait3A_63 = tpu.memref_slice %arg3[%mul3A_61] : memref<819200xi32, #tpu.memory_space<hbm>> -> memref<25600xi32, #tpu.memory_space<hbm>>
      tpu.wait_dma2 semaphore(%run_scoped3A : memref<!tpu.dma_semaphore, #tpu.memory_space<semaphore_mem>>) src(%arg5 : memref<25600xi32, #tpu.memory_space<vmem>>) dst(%dma_wait3A_63 : memref<25600xi32, #tpu.memory_space<hbm>>)
      tpu.yield
    }) : () -> ()
    return
  }
}

module attributes {stable_mosaic.version = 14 : i64} {
  func.func @_head_body(%arg0: memref<4096x64xf32, #tpu.memory_space<vmem>>, %arg1: memref<64x64xf32, #tpu.memory_space<vmem>>, %arg2: memref<1x64xf32, #tpu.memory_space<vmem>>, %arg3: memref<1x64xf32, #tpu.memory_space<vmem>>, %arg4: memref<1x64xf32, #tpu.memory_space<vmem>>, %arg5: memref<1x64xf32, #tpu.memory_space<vmem>>, %arg6: memref<1x64xf32, #tpu.memory_space<vmem>>, %arg7: memref<4096x64xf32, #tpu.memory_space<vmem>>) attributes {dimension_semantics = [], scalar_prefetch = 0 : i64, scratch_operands = 0 : i64, tpu.core_type = #tpu.core_type<tc>} {
    %get3A = arith.constant 0 : index
    %get3A_0 = arith.constant 0 : index
    %get3A_1 = vector.load %arg0[%get3A, %get3A_0] : memref<4096x64xf32, #tpu.memory_space<vmem>>, vector<4096x64xf32>
    %get3A_2 = arith.constant 0 : index
    %get3A_3 = arith.constant 0 : index
    %get3A_4 = vector.load %arg1[%get3A_2, %get3A_3] : memref<64x64xf32, #tpu.memory_space<vmem>>, vector<64x64xf32>
    %dot_general3A = arith.constant dense<0.000000e+00> : vector<4096x64xf32>
    %dot_general3A_5 = tpu.matmul %get3A_1, %get3A_4, %dot_general3A {dimension_numbers = #tpu.dot_dimension_numbers<[1], [0], [0], [1], [0, 0, 1, 1], [], []>, transpose_lhs_hint = false} : vector<4096x64xf32>, vector<64x64xf32>, vector<4096x64xf32> -> vector<4096x64xf32>
    %get3A_6 = arith.constant 0 : index
    %get3A_7 = arith.constant 0 : index
    %get3A_8 = vector.load %arg2[%get3A_6, %get3A_7] : memref<1x64xf32, #tpu.memory_space<vmem>>, vector<1x64xf32>
    %add3A = vector.broadcast %get3A_8 : vector<1x64xf32> to vector<4096x64xf32>
    %add3A_9 = arith.addf %dot_general3A_5, %add3A : vector<4096x64xf32>
    %reduce_sum3A = arith.constant dense<0.000000e+00> : vector<64xf32>
    %reduce_sum3A_10 = vector.multi_reduction <add>, %add3A_9, %reduce_sum3A [0] : vector<4096x64xf32> to vector<64xf32>
    %broadcast_in_dim3A = vector.shape_cast %reduce_sum3A_10 : vector<64xf32> to vector<1x64xf32>
    %div3A = arith.constant 4.096000e+03 : f32
    %div3A_11 = vector.broadcast %div3A : f32 to vector<1x64xf32>
    %div3A_12 = arith.divf %broadcast_in_dim3A, %div3A_11 : vector<1x64xf32>
    %sub3A = vector.broadcast %div3A_12 : vector<1x64xf32> to vector<4096x64xf32>
    %sub3A_13 = arith.subf %add3A_9, %sub3A : vector<4096x64xf32>
    %mul3A = arith.mulf %sub3A_13, %sub3A_13 : vector<4096x64xf32>
    %reduce_sum3A_14 = arith.constant dense<0.000000e+00> : vector<64xf32>
    %reduce_sum3A_15 = vector.multi_reduction <add>, %mul3A, %reduce_sum3A_14 [0] : vector<4096x64xf32> to vector<64xf32>
    %broadcast_in_dim3A_16 = vector.shape_cast %reduce_sum3A_15 : vector<64xf32> to vector<1x64xf32>
    %div3A_17 = arith.constant 4.096000e+03 : f32
    %div3A_18 = vector.broadcast %div3A_17 : f32 to vector<1x64xf32>
    %div3A_19 = arith.divf %broadcast_in_dim3A_16, %div3A_18 : vector<1x64xf32>
    %add3A_20 = arith.constant 9.99999974E-6 : f32
    %add3A_21 = vector.broadcast %add3A_20 : f32 to vector<1x64xf32>
    %add3A_22 = arith.addf %div3A_19, %add3A_21 : vector<1x64xf32>
    %rsqrt3A = math.rsqrt %add3A_22 : vector<1x64xf32>
    %mul3A_23 = vector.broadcast %rsqrt3A : vector<1x64xf32> to vector<4096x64xf32>
    %mul3A_24 = arith.mulf %sub3A_13, %mul3A_23 : vector<4096x64xf32>
    %get3A_25 = arith.constant 0 : index
    %get3A_26 = arith.constant 0 : index
    %get3A_27 = vector.load %arg3[%get3A_25, %get3A_26] : memref<1x64xf32, #tpu.memory_space<vmem>>, vector<1x64xf32>
    %mul3A_28 = vector.broadcast %get3A_27 : vector<1x64xf32> to vector<4096x64xf32>
    %mul3A_29 = arith.mulf %mul3A_24, %mul3A_28 : vector<4096x64xf32>
    %get3A_30 = arith.constant 0 : index
    %get3A_31 = arith.constant 0 : index
    %get3A_32 = vector.load %arg4[%get3A_30, %get3A_31] : memref<1x64xf32, #tpu.memory_space<vmem>>, vector<1x64xf32>
    %add3A_33 = vector.broadcast %get3A_32 : vector<1x64xf32> to vector<4096x64xf32>
    %add3A_34 = arith.addf %mul3A_29, %add3A_33 : vector<4096x64xf32>
    %reduce_sum3A_35 = arith.constant dense<0.000000e+00> : vector<4096xf32>
    %reduce_sum3A_36 = vector.multi_reduction <add>, %add3A_34, %reduce_sum3A_35 [1] : vector<4096x64xf32> to vector<4096xf32>
    %broadcast_in_dim3A_37 = vector.shape_cast %reduce_sum3A_36 : vector<4096xf32> to vector<4096x1xf32>
    %div3A_38 = arith.constant 6.400000e+01 : f32
    %div3A_39 = vector.broadcast %div3A_38 : f32 to vector<4096x1xf32>
    %div3A_40 = arith.divf %broadcast_in_dim3A_37, %div3A_39 : vector<4096x1xf32>
    %sub3A_41 = vector.broadcast %div3A_40 : vector<4096x1xf32> to vector<4096x64xf32>
    %sub3A_42 = arith.subf %add3A_34, %sub3A_41 : vector<4096x64xf32>
    %mul3A_43 = arith.mulf %sub3A_42, %sub3A_42 : vector<4096x64xf32>
    %reduce_sum3A_44 = arith.constant dense<0.000000e+00> : vector<4096xf32>
    %reduce_sum3A_45 = vector.multi_reduction <add>, %mul3A_43, %reduce_sum3A_44 [1] : vector<4096x64xf32> to vector<4096xf32>
    %broadcast_in_dim3A_46 = vector.shape_cast %reduce_sum3A_45 : vector<4096xf32> to vector<4096x1xf32>
    %div3A_47 = arith.constant 6.400000e+01 : f32
    %div3A_48 = vector.broadcast %div3A_47 : f32 to vector<4096x1xf32>
    %div3A_49 = arith.divf %broadcast_in_dim3A_46, %div3A_48 : vector<4096x1xf32>
    %add3A_50 = arith.constant 9.99999974E-6 : f32
    %add3A_51 = vector.broadcast %add3A_50 : f32 to vector<4096x1xf32>
    %add3A_52 = arith.addf %div3A_49, %add3A_51 : vector<4096x1xf32>
    %rsqrt3A_53 = math.rsqrt %add3A_52 : vector<4096x1xf32>
    %mul3A_54 = vector.broadcast %rsqrt3A_53 : vector<4096x1xf32> to vector<4096x64xf32>
    %mul3A_55 = arith.mulf %sub3A_42, %mul3A_54 : vector<4096x64xf32>
    %get3A_56 = arith.constant 0 : index
    %get3A_57 = arith.constant 0 : index
    %get3A_58 = vector.load %arg5[%get3A_56, %get3A_57] : memref<1x64xf32, #tpu.memory_space<vmem>>, vector<1x64xf32>
    %mul3A_59 = vector.broadcast %get3A_58 : vector<1x64xf32> to vector<4096x64xf32>
    %mul3A_60 = arith.mulf %mul3A_55, %mul3A_59 : vector<4096x64xf32>
    %get3A_61 = arith.constant 0 : index
    %get3A_62 = arith.constant 0 : index
    %get3A_63 = vector.load %arg6[%get3A_61, %get3A_62] : memref<1x64xf32, #tpu.memory_space<vmem>>, vector<1x64xf32>
    %add3A_64 = vector.broadcast %get3A_63 : vector<1x64xf32> to vector<4096x64xf32>
    %add3A_65 = arith.addf %mul3A_60, %add3A_64 : vector<4096x64xf32>
    %swap3A = arith.constant 0 : index
    %swap3A_66 = arith.constant 0 : index
    %swap3A_67 = vector.load %arg7[%swap3A, %swap3A_66] : memref<4096x64xf32, #tpu.memory_space<vmem>>, vector<4096x64xf32>
    tpu.vector_store %arg7[%swap3A, %swap3A_66], %add3A_65 {strides = array<i32>} : memref<4096x64xf32, #tpu.memory_space<vmem>>, vector<4096x64xf32>,
    return
  }
}

module attributes {stable_mosaic.version = 14 : i64} {
  func.func @_tpack_body(%arg0: i32, %arg1: memref<64x16384xf32, #tpu.memory_space<vmem>>, %arg2: memref<64x16384xf32, #tpu.memory_space<vmem>>, %arg3: memref<16384x128xf32, #tpu.memory_space<vmem>>) attributes {dimension_semantics = [#tpu.dimension_semantics<arbitrary>], iteration_bounds = array<i64: 31>, scalar_prefetch = 0 : i64, scratch_operands = 0 : i64, tpu.core_type = #tpu.core_type<tc>, window_params = [{transform_indices = @transform_0, window_bounds = array<i64: 64, 16384>}, {transform_indices = @transform_1, window_bounds = array<i64: 64, 16384>}, {transform_indices = @transform_2, window_bounds = array<i64: 16384, 128>}]} {
    %get3A = arith.constant 0 : index
    %get3A_0 = arith.constant 0 : index
    %get3A_1 = vector.load %arg1[%get3A, %get3A_0] : memref<64x16384xf32, #tpu.memory_space<vmem>>, vector<64x16384xf32>
    %get3A_2 = arith.constant 0 : index
    %get3A_3 = arith.constant 0 : index
    %get3A_4 = vector.load %arg2[%get3A_2, %get3A_3] : memref<64x16384xf32, #tpu.memory_space<vmem>>, vector<64x16384xf32>
    %concatenate3A = tpu.concatenate %get3A_1, %get3A_4 in 0 : vector<64x16384xf32>, vector<64x16384xf32> -> vector<128x16384xf32>
    %transpose3A = tpu.transpose %concatenate3A, [1, 0] : vector<128x16384xf32> -> vector<16384x128xf32>
    %swap3A = arith.constant 0 : index
    %swap3A_5 = arith.constant 0 : index
    %swap3A_6 = vector.load %arg3[%swap3A, %swap3A_5] : memref<16384x128xf32, #tpu.memory_space<vmem>>, vector<16384x128xf32>
    tpu.vector_store %arg3[%swap3A, %swap3A_5], %transpose3A {strides = array<i32>} : memref<16384x128xf32, #tpu.memory_space<vmem>>, vector<16384x128xf32>,
    return
  }
  func.func @transform_0(%arg0: i32) -> (i32, i32) {
    %c0_i32 = arith.constant 0 : i32
    %c0_i32_0 = arith.constant 0 : i32
    return %c0_i32, %arg0 : i32, i32
  }
  func.func @transform_1(%arg0: i32) -> (i32, i32) {
    %add3A = arith.constant 31 : i32
    %add3A_0 = arith.addi %arg0, %add3A : i32
    %c0_i32 = arith.constant 0 : i32
    %c0_i32_1 = arith.constant 0 : i32
    return %c0_i32, %add3A_0 : i32, i32
  }
  func.func @transform_2(%arg0: i32) -> (i32, i32) {
    %c0_i32 = arith.constant 0 : i32
    %c0_i32_0 = arith.constant 0 : i32
    return %arg0, %c0_i32 : i32, i32
  }
}

</mosaic_0001>

<sc_bundles>
// kernel: kernel.6.cloned.1.call-start
scs
__scs_entry_jumppad:
0x0: {  	(pc) =	sbr.rel $0x88, $3  }
0x1: {  	(tag) =	ssettag $0x0;
	lr =	simm.s32 $0x1  }
0x2: {  	[smem:$0x3F99] =	sst lr;
	_ =	strace $0xD0000000  }
0x3: {  	_ = 	snop  }
0x4: {  	_ = 	snop  }
0x5: {  	_ = 	snop  }
0x6: {  	_ = 	snop  }
0x7: {  	_ = 	snop  }
__scs_overlays_trampoline_lowered:
0x8: {  	[smem:$0x3FA8] =	sst s0  }
0x9: {  	[smem:$0x3FA9] =	sst s1  }
0xa: {  	[smem:$0x3FAA] =	sst s2  }
0xb: {  	[smem:$0x3FAB] =	sst s3  }
0xc: {  	[smem:$0x3FAC] =	sst s4  }
0xd: {  	[smem:$0x3FAD] =	sst s5  }
0xe: {  	[smem:$0x3FAE] =	sst s6  }
0xf: {  	[smem:$0x3FAF] =	sst s7  }
0x10: {  	[smem:$0x3FB0] =	sst s8  }
0x11: {  	[smem:$0x3FB1] =	sst s9;
	s0 =	simm.s32 @!p0 $0x0  }
0x12: {  	s1 =	sld [smem:$0x3F97];
	s0 =	simm.s32 @p0 $0x1  }
0x13: {  	[smem:$0x3FB2] =	sst s0;
	s0 =	simm.s32 @!p1 $0x0  }
0x14: {  	s2 =	sld [smem:$0x3F96];
	s0 =	simm.s32 @p1 $0x1  }
0x15: {  	[smem:$0x3FB3] =	sst s0;
	s0 =	simm.s32 @!p2 $0x0  }
0x16: {  	s3 =	sld [smem:$0x3FDB];
	s0 =	simm.s32 @p2 $0x1  }
0x17: {  	s4 =	simm.s32 $0x1BF5;
	[smem:$0x3FB5] =	sst s0  }
0x18: {  	s0 =	sld [smem:$0x3F98];
	_ =	swait.ge [sflag:s4], $0x0  }
0x19: {  	s7 =	sld [smem:$0x3F99]  }
0x1a: {  	s8 =	sadd.s32 $0xFFFFE003, lr  }
0x1b: {  	s9 =	sadd.s32 $0xFFFFFEF7, lr;
	s5 =	simm.s32 $0xFFFFFFFF;
	p2 =	slt.u32 s8, $0xFFFFF086  }
0x1c: {  	p1 =	slt.u32 s9, $0xF7A;
	s5 =	simm.s32 @!p2 $0x0  }
0x1d: {  	s5 =	simm.s32 @p1 $0x1;
	p0 =	seq.s32 s7, s2  }
0x1e: {  	s7 =	smul.u32 @!p0 $0xF7A, s2;
	p2 =	seq.s32 @!p0 s5, $0x0  }
0x1f: {  	s9 =	smul.u32 $0xF7A, s1;
	s8 =	simm.s32 @!p0 $0x1BF5;
	p2 =	por !p2, p0  }
0x20: {  	[sflag:s8] =	ssyncset.s32 @!p0 $0xFFFFF086;
	s6 =	sadd.s32 @!p0 s3, s7;
	s7 =	simm.s32 @!p0 $0x108  }
0x21: {  	s3 =	sadd.s32 s3, s9;
	s6 =	sadd.s32 @!p0 $0x88, s6;
	s7 =	simm.s32 @p2 $0x1082  }
0x22: {  	[simem:s7], [sflag:s8] =	dma.local @!p0 [hbm:s6], $0xF7A  }
0x23: {  	s9 =	sor.u32 $0xD0000000, s2;
	s6 =	simm.s32 $0x108;
	_ =	swait.ge @!p0 [sflag:s8], $0x0  }
0x24: {  	s3 =	sadd.s32 $0x88, s3;
	s6 =	simm.s32 @!p1 $0x1082;
	[sflag:s4] =	ssyncset.s32 $0xFFFFF086  }
0x25: {  	[simem:s6], [sflag:s4] =	dma.local [hbm:s3], $0xF7A  }
0x26: {  	[smem:$0x3F99] =	sst s1;
	(tag) =	ssettag s2;
	_ =	strace s9  }
0x27: {  	s1 =	sld [smem:$0x3FA9]  }
0x28: {  	s2 =	sld [smem:$0x3FAA]  }
0x29: {  	s4 =	sld [smem:$0x3FAC]  }
0x2a: {  	p0 =	seq.s32 s5, $0x0;
	s5 =	sld [smem:$0x3FAD]  }
0x2b: {  	s6 =	sld [smem:$0x3FAE]  }
0x2c: {  	s7 =	sld [smem:$0x3FAF]  }
0x2d: {  	s3 =	simm.s32 $0x108;
	s8 =	sld [smem:$0x3FB0]  }
0x2e: {  	s3 =	simm.s32 @!p0 $0x1082;
	s9 =	sld [smem:$0x3FB1]  }
0x2f: {  	lr =	sadd.s32 s0, s3;
	s0 =	sld [smem:$0x3FA8]  }
0x30: {  	s3 =	sld [smem:$0x3FAB]  }
0x31: {  	[smem:$0x3FB4] =	sst s10  }
0x32: {  	s10 =	sld [smem:$0x3FB2];
	_ =	sdelay $0x3  }
0x33: {  	p0 =	seq.s32 s10, $0x1;
	s10 =	sld [smem:$0x3FB4];
	_ =	sdelay $0x3  }
0x34: {  	[smem:$0x3FB4] =	sst s10  }
0x35: {  	s10 =	sld [smem:$0x3FB3];
	_ =	sdelay $0x3  }
0x36: {  	p1 =	seq.s32 s10, $0x1;
	s10 =	sld [smem:$0x3FB4];
	_ =	sdelay $0x3  }
0x37: {  	[smem:$0x3FB4] =	sst s10  }
0x38: {  	s10 =	sld [smem:$0x3FB5]  }
0x39: {  	_ = 	snop;
	(pc) =	sbr.ind lr, $3  }
0x3a: {  	_ = 	snop  }
0x3b: {  	_ = 	snop  }
0x3c: {  	p2 =	seq.s32 s10, $0x1;
	s10 =	sld [smem:$0x3FB4]  }
0x3d: {  	_ =	shalt  }
0x3e: {  	_ =	shalt  }
0x3f: {  	_ =	shalt  }
0x40: {  	_ =	shalt  }
0x41: {  	_ =	shalt  }
0x42: {  	_ =	shalt  }
0x43: {  	_ =	shalt  }
0x44: {  	_ =	shalt  }
0x45: {  	_ =	shalt  }
0x46: {  	_ =	shalt  }
0x47: {  	_ =	shalt  }
0x48: {  	_ =	shalt  }
0x49: {  	_ =	shalt  }
0x4a: {  	_ =	shalt  }
0x4b: {  	_ =	shalt  }
0x4c: {  	_ =	shalt  }
0x4d: {  	_ =	shalt  }
0x4e: {  	_ =	shalt  }
0x4f: {  	_ =	shalt  }
0x50: {  	_ =	shalt  }
0x51: {  	_ =	shalt  }
0x52: {  	_ =	shalt  }
0x53: {  	_ =	shalt  }
0x54: {  	_ =	shalt  }
0x55: {  	_ =	shalt  }
0x56: {  	_ =	shalt  }
0x57: {  	_ =	shalt  }
0x58: {  	_ =	shalt  }
0x59: {  	_ =	shalt  }
0x5a: {  	_ =	shalt  }
0x5b: {  	_ =	shalt  }
0x5c: {  	_ =	shalt  }
0x5d: {  	_ =	shalt  }
0x5e: {  	_ =	shalt  }
0x5f: {  	_ =	shalt  }
0x60: {  	_ =	shalt  }
0x61: {  	_ =	shalt  }
0x62: {  	_ =	shalt  }
0x63: {  	_ =	shalt  }
0x64: {  	_ =	shalt  }
0x65: {  	_ =	shalt  }
0x66: {  	_ =	shalt  }
0x67: {  	_ =	shalt  }
0x68: {  	_ =	shalt  }
0x69: {  	_ =	shalt  }
0x6a: {  	_ =	shalt  }
0x6b: {  	_ =	shalt  }
0x6c: {  	_ =	shalt  }
0x6d: {  	_ =	shalt  }
0x6e: {  	_ =	shalt  }
0x6f: {  	_ =	shalt  }
0x70: {  	_ =	shalt  }
0x71: {  	_ =	shalt  }
0x72: {  	_ =	shalt  }
0x73: {  	_ =	shalt  }
0x74: {  	_ =	shalt  }
0x75: {  	_ =	shalt  }
0x76: {  	_ =	shalt  }
0x77: {  	_ =	shalt  }
0x78: {  	_ =	shalt  }
0x79: {  	_ =	shalt  }
0x7a: {  	_ =	shalt  }
0x7b: {  	_ =	shalt  }
0x7c: {  	_ =	shalt  }
0x7d: {  	_ =	shalt  }
0x7e: {  	_ =	shalt  }
0x7f: {  	_ =	shalt  }
0x80: {  	_ =	shalt  }
0x81: {  	_ =	shalt  }
0x82: {  	_ =	shalt  }
0x83: {  	_ =	shalt  }
0x84: {  	_ =	shalt  }
0x85: {  	_ =	shalt  }
0x86: {  	_ =	shalt  }
0x87: {  	_ =	shalt  }
.Lfunc_end0:
.L_simem_size_0:
called_computation_lowered:
.L_overlay_start_0:
0x88: {  	s2 =	sld [smem:$0x3FD9]  }
0x89: {  	s3 =	sld [smem:$0x3FFE];
	_ =	sdelay $0x1  }
0x8a: {  	s1 =	srdreg.scid  }
0x8b: {  	s0 =	sand.u32 $0x1, s1  }
0x8c: {  	s16 =	sshll.u32 s0, $0xA;
	s2 =	sadd.s32 s3, s2  }
0x8d: {  	s2 =	sadd.s32 s2, s16  }
0x8e: {  	[smem:$0x3FC0] =	sst s2  }
0x8f: {  	_ = 	snop  }
0x90: {  	(tm) =	ssettm $0x1  }
0x91: {  	s17 =	sld [smem:$0x3FFB];
	_ =	sdelay $0x3  }
0x92: {  	_ =	strace s17  }
0x93: {  	s2 =	sld [smem:$0x3FFC];
	_ =	sdelay $0x3  }
0x94: {  	_ =	strace s2  }
0x95: {  	s2 =	sld [smem:$0x3FFD];
	_ =	sdelay $0x3  }
0x96: {  	_ =	strace s2  }
0x97: {  	_ =	strace $0x8FFFFFFF  }
0x98: {  	s18 =	sld [smem:$0x3FDB];
	_ =	sdelay $0x1  }
0x99: {  	s19 =	simm.s32 $_scs_section_size  }
0x9a: {  	s4 =	simm.s32 $_size__tile_overlayer_lowered;
	s5 =	simm.s32 $_tile_overlayer_lowered  }
0x9b: {  	s22 =	simm.s32 $0x1BFF;
	s21 =	sshll.u32 s5, $0x1;
	s2 =	sadd.s32 s19, s18  }
0x9c: {  	s6 =	simm.s32 $0x0;
	s20 =	sshll.u32 s4, $0x1;
	s4 =	sadd.s32 s21, s2  }
0x9d: {  	[timem:s6], [sflag:s22] =	dma.local [hbm:s4], s20  }
0x9e: {  	_ =	swait.ge [sflag:s22], s20  }
0x9f: {  	s3 =	ssub.s32 $0x0, s20;
	[sflag:s22] =	ssyncset.done $0x0  }
0xa0: {  	[sflag:s22] =	ssyncadd.s32 s3;
	_ =	sdelay $0x1  }
0xa1: {  	s23 =	simm.s32 $0x1B8B  }
0xa2: {  	_ =	swait.ge [sflag:s23], $0x1  }
0xa3: {  	[sflag:s23] =	ssyncset.done $0x0  }
0xa4: {  	s25 =	simm.s32 $0x1B8E;
	s24 =	sld [smem:$0x3FFE];
	[sflag:s23] =	ssyncadd.s32 $0xFFFFFFFF  }
0xa5: {  	s26 =	simm.s32 $execute0_lowered;
	[smem:$0x3FD2] =	sst s25  }
0xa6: {  	s4 =	sshll.u32 s26, $0x1;
	_ =	strace $0x80000046;
	[dreg:$0x1] =	wrdreg $0xFFFFFFFF  }
0xa7: {  	s28 =	simm.s32 $_size_execute0_lowered;
	s2 =	sadd.s32 s2, s4;
	[dreg:$0x0] =	wrdreg $0x0  }
0xa8: {  	s4 =	sshll.u32 s28, $0x1;
	[dreg:$0x2] =	wrdreg s2  }
0xa9: {  	[dreg:$0x3] =	wrdreg s4  }
0xaa: {  	[dreg:$0x4] =	wrdreg $0xC0  }
0xab: {  	_ =	task [dreg:s6], $0x5FFFF  }
0xac: {  	[dreg:$0x1] =	wrdreg $0xFFFFFFFF  }
0xad: {  	[dreg:$0x0] =	wrdreg $0x60  }
0xae: {  	[dreg:$0x2] =	wrdreg s24  }
0xaf: {  	[dreg:$0x3] =	wrdreg $0x9  }
0xb0: {  	_ =	task.clear_ibuf [dreg:s6], $0x4FFFF;
	_ =	strace $0x90000046  }
0xb1: {  	s29 =	simm.s32 $0x9;
	_ =	strace $0x80000048  }
0xb2: {  	_ =	swait.ge [sflag:s29], $0x1  }
0xb3: {  	[sflag:s29] =	ssyncadd.s32 $0xFFFFFFFF  }
0xb4: {  	_ =	strace $0x90000048  }
0xb5: {  	_ =	sfence  }
0xb6: {  	s30 =	sld [smem:$0x0];
	_ =	sdelay $0x2  }
0xb7: {  	s31 =	sshll.u32 s1, $0xD;
	s1 =	sshrl.u32 s1, $0x2  }
0xb8: {  	s3 =	sand.u32 $0x4000, s31;
	s1 =	sadd.s32 s1, s30  }
0xb9: {  	s0 =	sor.u32 s3, s0;
	s1 =	sshll.u32 s1, $0x11  }
0xba: {  	s0 =	sor.u32 s1, s0  }
0xbb: {  	s0 =	sadd.s32 $0x8F2B, s0  }
0xbc: {  	[sflag:s0] =	ssyncadd.remote.s32 $0x1  }
0xbd: {  	_ =	sfence.sel $0xFFFF  }
0xbe: {  	[dreg:$0x0] =	wrdreg $0xFFFFFFFF;
	(pc) =	sbr.abs _section_cstart, $3  }
0xbf: {  	[dreg:$0x1] =	wrdreg $0xFFFFFFFF  }
0xc0: {  	_ =	task.clear_ibuf [dreg:s6], $0x2FFFF;
	_ =	strace $0x9FFFFFFF  }
0xc1: {  	(tm) =	ssettm $0x7FFFFFFF  }
tec
execute0_lowered:
.L_overlay_start_1:
0x0: {  	(tag) =	ssettag $0x1  }
0x1: {  	v0 =	vimm.s32 $0x6381;
	vm0 =	vcmask $0x300  }
0x2: {  	vm14 =	vcmask $0x704;
	v0 =	vsel vm0, $0x6000, v0  }
0x3: {  	vm15 =	vcmask $0xB08;
	v0 =	vsel vm14, $0x6080, v0  }
0x4: {  	vm4 =	vcmask $0xF0C;
	v0 =	vsel vm15, $0x6100, v0  }
0x5: {  	vm5 =	vcmask $0x1310;
	v0 =	vsel vm4, $0x6180, v0  }
0x6: {  	vm6 =	vcmask $0x1714;
	v0 =	vsel vm5, $0x6200, v0  }
0x7: {  	vm7 =	vcmask $0x1B18;
	v0 =	vsel vm6, $0x6280, v0  }
0x8: {  	s1 =	srdreg.scid;
	vm8 =	vcmask $0x1F1C;
	v0 =	vsel vm7, $0x6300, v0  }
0x9: {  	s0 =	stileid.u32;
	s3 =	rddreg [dreg:$0x0];
	vm9 =	vcmask $0x2320;
	s2 =	simm.s32 $0x0;
	v0 =	vsel vm8, $0x6380, v0  }
0xa: {  	vm10 =	vcmask $0x2724;
	s8 =	simm.s32 $0x1;
	s9 =	simm.s32 $0x6400;
	s10 =	simm.s32 $0x0;
	v0 =	vsel vm9, $0x6001, v0  }
0xb: {  	vm11 =	vcmask $0x2B28;
	s4 =	sand.u32 $0x1, s1;
	s5 =	sshll.u32 s0, $0x1;
	s1 =	rddreg [dreg:$0x1];
	v1 =	vsel vm10, $0x6081, v0  }
0xc: {  	vm12 =	vcmask $0x2F2C;
	vm13 =	vcmask $0x3330;
	[smem:$0x7FF] =	sst s2;
	s5 =	sor.u32 s4, s5;
	s4 =	ssub.s32 $0x2, s4;
	v2 =	vsel vm11, $0x6101, v1  }
0xd: {  	vm14 =	vcmask $0x3734;
	s6 =	smul.u32 $0xC80, s5;
	s5 =	sshll.u32 s5, $0x4;
	s31 =	sshrl.u32 s4, $0x1;
	v0 =	vlaneseq.u32;
	v3 =	vsel vm12, $0x6181, v2  }
0xe: {  	_ =	strace $0x80000047;
	vm15 =	vcmask $0x3B38;
	s5 =	sadd.s32 s5, s3;
	s7 =	ssub.s32 s4, s31;
	v1 =	vmul.u32 $0x80, v0;
	v4 =	vsel vm13, $0x6201, v3  }
0xf: {  	s6 =	sadd.s32 s6, s3;
	s3 =	sadd.s32 $0x1400, s5;
	s5 =	smax.u32 s7, $0x1;
	v2 =	vimm.s32 $0x0;
	v3 =	vand.u32 $0x7, v0;
	v5 =	vsel vm14, $0x6281, v4  }
0x10: {  	s7 =	simm.s32 $0x1000;
	s4 =	sadd.s32 $0x1A400, s6;
	s6 =	simm.s32 $0x80;
	v4 =	vshrl.u32 v0, $0x3;
	v6 =	vor.u32 $0xC0, v3;
	v5 =	vsel vm15, $0x6301, v5  }
.LBB2_1:
0x11: {  	[tilespmem:s2], [sflag:$0x1] =	stream.strided.gather [hbm4b:s3+s6], $0x6400, s7, s6, $0x38;
	[tilespmem:$0xC800] =	vst v63  }
0x12: {  	_ =	swait.ge [sflag:s8], $0x6400  }
0x13: {  	[sflag:s8] =	ssyncset.done $0x0  }
0x14: {  	s11 =	simm.s32 $0x0;
	s12 =	simm.s32 $0x0;
	[sflag:s8] =	ssyncadd.s32 $0xFFFF9C00  }
.LBB2_2:
0x15: {  	v7 =	vmov s12;
	s13 =	simm.s32 $0x0  }
0x16: {  	v7 =	vand.u32 $0x7F, v7;
	v8 =	vmov s13  }
0x17: {  	v7 =	vbroadcast v7, $0x0;
	v8 =	vshll.u32 v8, $0x7  }
0x18: {  	v8 =	vor.u32 v1, v8  }
0x19: {  	v8 =	vor.u32 v7, v8;
	_ =	sdelay $0x4  }
0x1a: {  	s15 =	sadd.s32 $0x0, s11;
	s13 =	simm.s32 $0x10;
	v8 =	vld.idx.msk [tilespmem:v8+s2+$0x0], $0xffff  }
0x1b: {  	s14 =	simm.s32 $0x20;
	v10 =	vadd.s32 s15, v0;
	v9 =	vmov s13  }
.LBB2_3:
0x1c: {  	p0 =	sne.s32 s14, $0xB0;
	v9 =	vshll.u32 v9, $0x7;
	v10 =	vand.u32 $0x1FFF8, v10  }
0x1d: {  	v9 =	vor.u32 v1, v9;
	v10 =	vor.u32 v3, v10  }
0x1e: {  	v9 =	vor.u32 v7, v9  }
0x1f: {  	vm0 =	vgt.s32 v8, $0x7BFFF  }
0x20: {  	v8 =	vshll.u32 v8, $0x1;
	v11 =	vsel vm0, $0xFFF08001, v2  }
.Ltmp0:
0x21: {  	v8 =	vadd.s32 v8, v11;
	(pc) =	sbr.rel @p0 .LBB2_3-.Ltmp0, $4  }
0x22: {  	[tilespmem:v10+s9+$0x0] =	vst.idx.msk $0xffff, v8  }
0x23: {  	v8 =	vld.idx.msk [tilespmem:v9+s2+$0x0], $0xffff  }
0x24: {  	s15 =	sadd.s32 s13, s11;
	s13 =	smov.u32 s14  }
0x25: {  	s14 =	sadd.s32 $0x10, s14;
	v10 =	vadd.s32 s15, v0;
	v9 =	vmov s13  }
0x26: {  	v9 =	vshll.u32 v9, $0x7;
	v10 =	vand.u32 $0x1FFF8, v10  }
0x27: {  	v9 =	vor.u32 v1, v9;
	v10 =	vor.u32 v3, v10  }
0x28: {  	v7 =	vor.u32 v7, v9  }
0x29: {  	vm0 =	vgt.s32 v8, $0x7BFFF  }
0x2a: {  	v8 =	vshll.u32 v8, $0x1;
	v62 =	vsel vm0, $0xFFF08001, v2  }
0x2b: {  	v8 =	vadd.s32 v8, v62  }
0x2c: {  	[tilespmem:v10+s9+$0x0] =	vst.idx.msk $0xffff, v8  }
0x2d: {  	s13 =	sadd.s32 s13, s11;
	v7 =	vld.idx.msk [tilespmem:v7+s2+$0x0], $0xffff  }
0x2e: {  	v8 =	vadd.s32 s13, v0  }
0x2f: {  	s12 =	sadd.s32 $0x1, s12;
	v8 =	vand.u32 $0x1FFF8, v8  }
0x30: {  	p0 =	sne.s32 s12, $0x80;
	v8 =	vor.u32 v3, v8  }
.Ltmp1:
0x31: {  	_ = 	snop;
	(pc) =	sbr.rel @p0 .LBB2_2-.Ltmp1, $4  }
0x32: {  	vm15 =	vgt.s32 v7, $0x7BFFF  }
0x33: {  	v7 =	vshll.u32 v7, $0x1;
	v63 =	vsel vm15, $0xFFF08001, v2  }
0x34: {  	v7 =	vadd.s32 v7, v63  }
0x35: {  	s11 =	sadd.s32 $0xC8, s11;
	[tilespmem:v8+s9+$0x0] =	vst.idx.msk $0xffff, v7  }
0x36: {  	s11 =	simm.s32 $0x0  }
0x37: {  	v7 =	vmov s11  }
0x38: {  	v7 =	vand.u32 $0x7F, v7  }
0x39: {  	v7 =	vor.u32 v5, v7;
	_ =	sdelay $0x2  }
0x3a: {  	v8 =	vor.u32 s11, v4  }
0x3b: {  	v8 =	vmul.u32 $0xC8, v8  }
0x3c: {  	v7 =	vld.idx.msk [tilespmem:v7+s2+$0x0], $0xffff  }
0x3d: {  	s11 =	simm.s32 $0x2;
	v9 =	vadd.s32 v6, v8  }
0x3e: {  	s12 =	simm.s32 $0x4;
	v8 =	vmov s11;
	v9 =	vand.u32 $0x7FFFFFF8, v9  }
.LBB2_6:
0x3f: {  	p0 =	sne.s32 s12, $0x7E;
	v8 =	vand.u32 $0x7F, v8;
	v9 =	vor.u32 v3, v9  }
0x40: {  	v8 =	vor.u32 v5, v8  }
0x41: {  	vm0 =	vgt.s32 v7, $0x7BFFF  }
0x42: {  	v7 =	vshll.u32 v7, $0x1;
	v10 =	vsel vm0, $0xFFF08001, v2  }
0x43: {  	v7 =	vadd.s32 v7, v10  }
.Ltmp2:
0x44: {  	v10 =	vor.u32 s11, v4;
	s11 =	smov.u32 s12;
	[tilespmem:v9+s9+$0x0] =	vst.idx.msk $0xffff, v7;
	(pc) =	sbr.rel @p0 .LBB2_6-.Ltmp2, $3  }
0x45: {  	v7 =	vld.idx.msk [tilespmem:v8+s2+$0x0], $0xffff;
	v8 =	vmul.u32 $0xC8, v10;
	_ =	sdelay $0x1  }
0x46: {  	v9 =	vadd.s32 v6, v8  }
0x47: {  	s12 =	sadd.s32 $0x2, s12;
	v8 =	vmov s11;
	v9 =	vand.u32 $0x7FFFFFF8, v9  }
0x48: {  	v8 =	vand.u32 $0x7F, v8;
	v9 =	vor.u32 v3, v9  }
0x49: {  	v8 =	vor.u32 v5, v8  }
0x4a: {  	vm0 =	vgt.s32 v7, $0x7BFFF  }
0x4b: {  	v7 =	vshll.u32 v7, $0x1;
	v10 =	vsel vm0, $0xFFF08001, v2  }
0x4c: {  	v62 =	vor.u32 s11, v4;
	v7 =	vadd.s32 v7, v10  }
0x4d: {  	[tilespmem:v9+s9+$0x0] =	vst.idx.msk $0xffff, v7;
	v7 =	vmul.u32 $0xC8, v62  }
0x4e: {  	v8 =	vld.idx.msk [tilespmem:v8+s2+$0x0], $0xffff  }
0x4f: {  	v7 =	vadd.s32 v6, v7  }
0x50: {  	v7 =	vand.u32 $0x7FFFFFF8, v7  }
0x51: {  	v7 =	vor.u32 v3, v7;
	_ =	sdelay $0x1  }
0x52: {  	vm15 =	vgt.s32 v8, $0x7BFFF  }
0x53: {  	s10 =	sadd.s32 $0x1, s10;
	v8 =	vshll.u32 v8, $0x1;
	v63 =	vsel vm15, $0xFFF08001, v2  }
0x54: {  	p0 =	sne.s32 s10, s5;
	v8 =	vadd.s32 v8, v63  }
.Ltmp3:
0x55: {  	[tilespmem:v7+s9+$0x0] =	vst.idx.msk $0xffff, v8;
	(pc) =	sbr.rel @p0 .LBB2_1-.Ltmp3, $4  }
0x56: {  	[hbm4b:s4+s2] =	stream.linear.scatter [tilespmem:s9], [sflag:$0x1], $0x6400, $0x38;
	[tilespmem:$0xC800] =	vst v63  }
0x57: {  	_ =	swait.ge [sflag:s8], $0x6400  }
0x58: {  	[sflag:s8] =	ssyncset.done $0x0  }
0x59: {  	[sflag:s8] =	ssyncadd.s32 $0xFFFF9C00  }
0x5a: {  	_ =	sfence.sel $0x180000  }
0x5b: {  	[bflag:$0x0] =	sbarrier.arrive $0xFFFF  }
0x5c: {  	p0 =	sne.s32 s0, $0x0;
	_ =	strace $0x90000047  }
0x5d: {  	s0 =	sadd.s32 @!p0 $0x100000, s1;
	[bflag:$0x2] =	sbarrier.arrive $0xFFFF  }
0x5e: {  	[sflag:s0] =	ssyncadd.tile.s32 @!p0 $0x1;
	_ =	shalt  }
.Lfunc_end2:
_tile_overlayer_lowered:
.L_overlay_start_2:
0x5f: {  	(tag) =	ssettag $0x2  }
0x60: {  	s0 =	rddreg [dreg:$0x0];
	s2 =	stileid.u32  }
0x61: {  	s1 =	rddreg [dreg:$0x1];
	p0 =	sne.s32 s2, $0x0  }
0x62: {  	s3 =	rddreg [dreg:$0x2];
	[bflag:$0x3] =	sbarrier.arrive $0xFFFF;
	s2 =	simm.s32 @!p0 $0x1C01  }
0x63: {  	[timem:s3], [sflag:s2] =	dma.local @!p0 [hbm:s0], s1  }
0x64: {  	s0 =	simm.s32 @!p0 $0x1  }
0x65: {  	_ =	swait.ge @!p0 [sflag:s0], s1  }
0x66: {  	s1 =	ssub.s32 @!p0 $0x0, s1;
	[sflag:s0] =	ssyncset.done @!p0 $0x0  }
0x67: {  	[sflag:s0] =	ssyncadd.s32 @!p0 s1  }
0x68: {  	[bflag:$0x3] =	sbarrier.arrive $0xFFFF  }
0x69: {  	_ =	shalt  }

// kernel: kernel.9.cloned.1.call-start
scs
__scs_entry_jumppad:
0x0: {  	(pc) =	sbr.rel $0x88, $3  }
0x1: {  	(tag) =	ssettag $0x0;
	lr =	simm.s32 $0x1  }
0x2: {  	[smem:$0x3F99] =	sst lr;
	_ =	strace $0xD0000000  }
0x3: {  	_ = 	snop  }
0x4: {  	_ = 	snop  }
0x5: {  	_ = 	snop  }
0x6: {  	_ = 	snop  }
0x7: {  	_ = 	snop  }
__scs_overlays_trampoline_lowered:
0x8: {  	[smem:$0x3FA8] =	sst s0  }
0x9: {  	[smem:$0x3FA9] =	sst s1  }
0xa: {  	[smem:$0x3FAA] =	sst s2  }
0xb: {  	[smem:$0x3FAB] =	sst s3  }
0xc: {  	[smem:$0x3FAC] =	sst s4  }
0xd: {  	[smem:$0x3FAD] =	sst s5  }
0xe: {  	[smem:$0x3FAE] =	sst s6  }
0xf: {  	[smem:$0x3FAF] =	sst s7  }
0x10: {  	[smem:$0x3FB0] =	sst s8  }
0x11: {  	[smem:$0x3FB1] =	sst s9;
	s0 =	simm.s32 @!p0 $0x0  }
0x12: {  	s1 =	sld [smem:$0x3F97];
	s0 =	simm.s32 @p0 $0x1  }
0x13: {  	[smem:$0x3FB2] =	sst s0;
	s0 =	simm.s32 @!p1 $0x0  }
0x14: {  	s2 =	sld [smem:$0x3F96];
	s0 =	simm.s32 @p1 $0x1  }
0x15: {  	[smem:$0x3FB3] =	sst s0;
	s0 =	simm.s32 @!p2 $0x0  }
0x16: {  	s3 =	sld [smem:$0x3FDB];
	s0 =	simm.s32 @p2 $0x1  }
0x17: {  	s4 =	simm.s32 $0x1BF5;
	[smem:$0x3FB5] =	sst s0  }
0x18: {  	s0 =	sld [smem:$0x3F98];
	_ =	swait.ge [sflag:s4], $0x0  }
0x19: {  	s7 =	sld [smem:$0x3F99]  }
0x1a: {  	s8 =	sadd.s32 $0xFFFFE003, lr  }
0x1b: {  	s9 =	sadd.s32 $0xFFFFFEF7, lr;
	s5 =	simm.s32 $0xFFFFFFFF;
	p2 =	slt.u32 s8, $0xFFFFF086  }
0x1c: {  	p1 =	slt.u32 s9, $0xF7A;
	s5 =	simm.s32 @!p2 $0x0  }
0x1d: {  	s5 =	simm.s32 @p1 $0x1;
	p0 =	seq.s32 s7, s2  }
0x1e: {  	s7 =	smul.u32 @!p0 $0xF7A, s2;
	p2 =	seq.s32 @!p0 s5, $0x0  }
0x1f: {  	s9 =	smul.u32 $0xF7A, s1;
	s8 =	simm.s32 @!p0 $0x1BF5;
	p2 =	por !p2, p0  }
0x20: {  	[sflag:s8] =	ssyncset.s32 @!p0 $0xFFFFF086;
	s6 =	sadd.s32 @!p0 s3, s7;
	s7 =	simm.s32 @!p0 $0x108  }
0x21: {  	s3 =	sadd.s32 s3, s9;
	s6 =	sadd.s32 @!p0 $0x88, s6;
	s7 =	simm.s32 @p2 $0x1082  }
0x22: {  	[simem:s7], [sflag:s8] =	dma.local @!p0 [hbm:s6], $0xF7A  }
0x23: {  	s9 =	sor.u32 $0xD0000000, s2;
	s6 =	simm.s32 $0x108;
	_ =	swait.ge @!p0 [sflag:s8], $0x0  }
0x24: {  	s3 =	sadd.s32 $0x88, s3;
	s6 =	simm.s32 @!p1 $0x1082;
	[sflag:s4] =	ssyncset.s32 $0xFFFFF086  }
0x25: {  	[simem:s6], [sflag:s4] =	dma.local [hbm:s3], $0xF7A  }
0x26: {  	[smem:$0x3F99] =	sst s1;
	(tag) =	ssettag s2;
	_ =	strace s9  }
0x27: {  	s1 =	sld [smem:$0x3FA9]  }
0x28: {  	s2 =	sld [smem:$0x3FAA]  }
0x29: {  	s4 =	sld [smem:$0x3FAC]  }
0x2a: {  	p0 =	seq.s32 s5, $0x0;
	s5 =	sld [smem:$0x3FAD]  }
0x2b: {  	s6 =	sld [smem:$0x3FAE]  }
0x2c: {  	s7 =	sld [smem:$0x3FAF]  }
0x2d: {  	s3 =	simm.s32 $0x108;
	s8 =	sld [smem:$0x3FB0]  }
0x2e: {  	s3 =	simm.s32 @!p0 $0x1082;
	s9 =	sld [smem:$0x3FB1]  }
0x2f: {  	lr =	sadd.s32 s0, s3;
	s0 =	sld [smem:$0x3FA8]  }
0x30: {  	s3 =	sld [smem:$0x3FAB]  }
0x31: {  	[smem:$0x3FB4] =	sst s10  }
0x32: {  	s10 =	sld [smem:$0x3FB2];
	_ =	sdelay $0x3  }
0x33: {  	p0 =	seq.s32 s10, $0x1;
	s10 =	sld [smem:$0x3FB4];
	_ =	sdelay $0x3  }
0x34: {  	[smem:$0x3FB4] =	sst s10  }
0x35: {  	s10 =	sld [smem:$0x3FB3];
	_ =	sdelay $0x3  }
0x36: {  	p1 =	seq.s32 s10, $0x1;
	s10 =	sld [smem:$0x3FB4];
	_ =	sdelay $0x3  }
0x37: {  	[smem:$0x3FB4] =	sst s10  }
0x38: {  	s10 =	sld [smem:$0x3FB5]  }
0x39: {  	_ = 	snop;
	(pc) =	sbr.ind lr, $3  }
0x3a: {  	_ = 	snop  }
0x3b: {  	_ = 	snop  }
0x3c: {  	p2 =	seq.s32 s10, $0x1;
	s10 =	sld [smem:$0x3FB4]  }
0x3d: {  	_ =	shalt  }
0x3e: {  	_ =	shalt  }
0x3f: {  	_ =	shalt  }
0x40: {  	_ =	shalt  }
0x41: {  	_ =	shalt  }
0x42: {  	_ =	shalt  }
0x43: {  	_ =	shalt  }
0x44: {  	_ =	shalt  }
0x45: {  	_ =	shalt  }
0x46: {  	_ =	shalt  }
0x47: {  	_ =	shalt  }
0x48: {  	_ =	shalt  }
0x49: {  	_ =	shalt  }
0x4a: {  	_ =	shalt  }
0x4b: {  	_ =	shalt  }
0x4c: {  	_ =	shalt  }
0x4d: {  	_ =	shalt  }
0x4e: {  	_ =	shalt  }
0x4f: {  	_ =	shalt  }
0x50: {  	_ =	shalt  }
0x51: {  	_ =	shalt  }
0x52: {  	_ =	shalt  }
0x53: {  	_ =	shalt  }
0x54: {  	_ =	shalt  }
0x55: {  	_ =	shalt  }
0x56: {  	_ =	shalt  }
0x57: {  	_ =	shalt  }
0x58: {  	_ =	shalt  }
0x59: {  	_ =	shalt  }
0x5a: {  	_ =	shalt  }
0x5b: {  	_ =	shalt  }
0x5c: {  	_ =	shalt  }
0x5d: {  	_ =	shalt  }
0x5e: {  	_ =	shalt  }
0x5f: {  	_ =	shalt  }
0x60: {  	_ =	shalt  }
0x61: {  	_ =	shalt  }
0x62: {  	_ =	shalt  }
0x63: {  	_ =	shalt  }
0x64: {  	_ =	shalt  }
0x65: {  	_ =	shalt  }
0x66: {  	_ =	shalt  }
0x67: {  	_ =	shalt  }
0x68: {  	_ =	shalt  }
0x69: {  	_ =	shalt  }
0x6a: {  	_ =	shalt  }
0x6b: {  	_ =	shalt  }
0x6c: {  	_ =	shalt  }
0x6d: {  	_ =	shalt  }
0x6e: {  	_ =	shalt  }
0x6f: {  	_ =	shalt  }
0x70: {  	_ =	shalt  }
0x71: {  	_ =	shalt  }
0x72: {  	_ =	shalt  }
0x73: {  	_ =	shalt  }
0x74: {  	_ =	shalt  }
0x75: {  	_ =	shalt  }
0x76: {  	_ =	shalt  }
0x77: {  	_ =	shalt  }
0x78: {  	_ =	shalt  }
0x79: {  	_ =	shalt  }
0x7a: {  	_ =	shalt  }
0x7b: {  	_ =	shalt  }
0x7c: {  	_ =	shalt  }
0x7d: {  	_ =	shalt  }
0x7e: {  	_ =	shalt  }
0x7f: {  	_ =	shalt  }
0x80: {  	_ =	shalt  }
0x81: {  	_ =	shalt  }
0x82: {  	_ =	shalt  }
0x83: {  	_ =	shalt  }
0x84: {  	_ =	shalt  }
0x85: {  	_ =	shalt  }
0x86: {  	_ =	shalt  }
0x87: {  	_ =	shalt  }
.Lfunc_end0:
.L_simem_size_0:
called_computation.1_lowered:
.L_overlay_start_0:
0x88: {  	s2 =	sld [smem:$0x3FD9]  }
0x89: {  	s3 =	sld [smem:$0x3FFE];
	_ =	sdelay $0x1  }
0x8a: {  	s1 =	srdreg.scid  }
0x8b: {  	s0 =	sand.u32 $0x1, s1  }
0x8c: {  	s17 =	sshll.u32 s0, $0xA;
	s2 =	sadd.s32 s3, s2  }
0x8d: {  	s2 =	sadd.s32 s2, s17  }
0x8e: {  	[smem:$0x3FC0] =	sst s2  }
0x8f: {  	_ = 	snop  }
0x90: {  	s2 =	sld [smem:$0x3FD0];
	(tm) =	ssettm $0x1  }
0x91: {  	s18 =	sld [smem:$0x3FFB];
	_ =	sdelay $0x3  }
0x92: {  	_ =	strace s18  }
0x93: {  	s3 =	sld [smem:$0x3FFC];
	_ =	sdelay $0x3  }
0x94: {  	_ =	strace s3  }
0x95: {  	s3 =	sld [smem:$0x3FFD];
	_ =	sdelay $0x3  }
0x96: {  	_ =	strace s3  }
0x97: {  	_ =	strace $0x8FFFFFFF  }
0x98: {  	s19 =	sld [smem:$0x3FDB];
	_ =	sdelay $0x1  }
0x99: {  	s4 =	simm.s32 $_scs_section_size  }
0x9a: {  	s5 =	simm.s32 $_size__tile_overlayer_lowered;
	s6 =	simm.s32 $_tile_overlayer_lowered  }
0x9b: {  	s22 =	simm.s32 $0x1BFF;
	s21 =	sshll.u32 s6, $0x1;
	s3 =	sadd.s32 s4, s19  }
0x9c: {  	s7 =	simm.s32 $0x0;
	s20 =	sshll.u32 s5, $0x1;
	s5 =	sadd.s32 s21, s3  }
0x9d: {  	[timem:s7], [sflag:s22] =	dma.local [hbm:s5], s20  }
0x9e: {  	_ =	swait.ge [sflag:s22], s20  }
0x9f: {  	s4 =	ssub.s32 $0x0, s20;
	[sflag:s22] =	ssyncset.done $0x0  }
0xa0: {  	[sflag:s22] =	ssyncadd.s32 s4;
	_ =	sdelay $0x1  }
0xa1: {  	s23 =	simm.s32 $0x1B8B  }
0xa2: {  	_ =	swait.ge [sflag:s23], $0x1  }
0xa3: {  	[sflag:s23] =	ssyncset.done $0x0  }
0xa4: {  	s25 =	simm.s32 $0x1B8E;
	s24 =	sld [smem:$0x3FFE];
	[sflag:s23] =	ssyncadd.s32 $0xFFFFFFFF  }
0xa5: {  	s26 =	simm.s32 $execute0_lowered;
	[smem:$0x3FD2] =	sst s25  }
0xa6: {  	s5 =	sshll.u32 s26, $0x1;
	_ =	strace $0x80000049;
	[dreg:$0x1] =	wrdreg $0xFFFFFFFF  }
0xa7: {  	s28 =	simm.s32 $_size_execute0_lowered;
	s3 =	sadd.s32 s3, s5;
	[dreg:$0x0] =	wrdreg $0x0  }
0xa8: {  	s5 =	sshll.u32 s28, $0x1;
	[dreg:$0x2] =	wrdreg s3  }
0xa9: {  	[dreg:$0x3] =	wrdreg s5  }
0xaa: {  	[dreg:$0x4] =	wrdreg $0xC0  }
0xab: {  	_ =	task [dreg:s7], $0x5FFFF  }
0xac: {  	[dreg:$0x1] =	wrdreg $0xFFFFFFFF  }
0xad: {  	[dreg:$0x0] =	wrdreg $0x60  }
0xae: {  	[dreg:$0x2] =	wrdreg s24  }
0xaf: {  	[dreg:$0x3] =	wrdreg s2  }
0xb0: {  	[dreg:$0x4] =	wrdreg $0x9  }
0xb1: {  	_ =	task.clear_ibuf [dreg:s7], $0x5FFFF;
	_ =	strace $0x90000049  }
0xb2: {  	s29 =	simm.s32 $0x9;
	_ =	strace $0x8000004B  }
0xb3: {  	_ =	swait.ge [sflag:s29], $0x1  }
0xb4: {  	[sflag:s29] =	ssyncadd.s32 $0xFFFFFFFF  }
0xb5: {  	_ =	strace $0x9000004B  }
0xb6: {  	_ =	sfence  }
0xb7: {  	s30 =	sld [smem:$0x0];
	_ =	sdelay $0x2  }
0xb8: {  	s31 =	sshll.u32 s1, $0xD;
	s1 =	sshrl.u32 s1, $0x2  }
0xb9: {  	s3 =	sand.u32 $0x4000, s31;
	s1 =	sadd.s32 s1, s30  }
0xba: {  	s0 =	sor.u32 s3, s0;
	s1 =	sshll.u32 s1, $0x11  }
0xbb: {  	s0 =	sor.u32 s1, s0  }
0xbc: {  	s0 =	sadd.s32 $0x8F2B, s0  }
0xbd: {  	[sflag:s0] =	ssyncadd.remote.s32 $0x1  }
0xbe: {  	_ =	sfence.sel $0xFFFF  }
0xbf: {  	[dreg:$0x0] =	wrdreg $0xFFFFFFFF;
	(pc) =	sbr.abs _section_cstart, $3  }
0xc0: {  	[dreg:$0x1] =	wrdreg $0xFFFFFFFF  }
0xc1: {  	_ =	task.clear_ibuf [dreg:s7], $0x2FFFF;
	_ =	strace $0x9FFFFFFF  }
0xc2: {  	(tm) =	ssettm $0x7FFFFFFF  }
0xc3: {  	_ =	shalt  }
tec
execute0_lowered:
.L_overlay_start_1:
0x0: {  	(tag) =	ssettag $0x1  }
0x1: {  	s0 =	rddreg [dreg:$0x0]  }
0x2: {  	s1 =	srdreg.scid;
	s2 =	stileid.u32  }
0x3: {  	s5 =	rddreg [dreg:$0x1];
	s7 =	simm.s32 $0x7;
	s8 =	simm.s32 $0x68  }
0x4: {  	s9 =	simm.s32 $0x6400;
	s10 =	simm.s32 $0x60;
	s11 =	simm.s32 $0x7E00  }
0x5: {  	s13 =	simm.s32 $0x9600;
	s15 =	simm.s32 $0xB000;
	s28 =	simm.s32 $0x14600  }
0x6: {  	s29 =	simm.s32 $0x15E00;
	s30 =	simm.s32 $0x17800;
	s31 =	simm.s32 $0x1  }
0x7: {  	s12 =	simm.s32 $0x4;
	s14 =	simm.s32 $0x5;
	s16 =	simm.s32 $0x6  }
0x8: {  	s17 =	simm.s32 $0x19000;
	s1 =	sand.u32 $0x1, s1;
	s3 =	sshll.u32 s2, $0x1  }
0x9: {  	s18 =	simm.s32 $0x0;
	s2 =	simm.s32 $0x0;
	s6 =	sor.u32 s1, s3  }
0xa: {  	[smem:$0x7FF] =	sst s2;
	s1 =	ssub.s32 $0x2, s1;
	s3 =	smul.u32 $0xC80, s6  }
0xb: {  	_ =	strace $0x8000004A;
	s25 =	sshrl.u32 s1, $0x1;
	s26 =	sshll.u32 s6, $0xA  }
0xc: {  	s5 =	sadd.s32 s5, s26;
	s26 =	simm.s32 $0x388;
	s4 =	sadd.s32 s3, s0  }
0xd: {  	s3 =	sadd.s32 $0x33400, s0;
	s0 =	ssub.s32 s1, s25;
	s1 =	simm.s32 $0x2  }
0xe: {  	s4 =	sadd.s32 $0x1A400, s4;
	s6 =	smax.u32 s0, $0x1;
	s0 =	simm.s32 $0x3  }
.LBB2_1:
0xf: {  	[tilespmem:s2], [sflag:$0x7] =	stream.linear.gather [hbm4b:s4+s2], $0x6400, $0x38;
	[tilespmem:$0x1B000] =	vst v63  }
0x10: {  	_ =	swait.ge [sflag:s7], $0x6400  }
0x11: {  	[sflag:s7] =	ssyncset.done $0x0  }
0x12: {  	[sflag:s7] =	ssyncadd.s32 $0xFFFF9C00  }
0x13: {  	[tilespmem:s9], [sflag:$0x1] =	stream.indirect.gather [hbm4b:s3+s8], $0x40, s2, s8, $0xb8;
	[tilespmem:$0x1B000] =	vst v63  }
0x14: {  	_ = 	snop  }
0x15: {  	[tilespmem:s11], [sflag:$0x1] =	stream.indirect.gather [hbm4b:s3+s10], $0x40, s8, s10, $0xb8;
	[tilespmem:$0x1B000] =	vst v63  }
0x16: {  	s19 =	simm.s32 $0xC8  }
0x17: {  	[tilespmem:s13], [sflag:$0x2] =	stream.indirect.gather [hbm4b:s3+s8], $0x40, s19, s8, $0xb8;
	[tilespmem:$0x1B000] =	vst v63  }
0x18: {  	s22 =	simm.s32 $0x130  }
0x19: {  	[tilespmem:s15], [sflag:$0x2] =	stream.indirect.gather [hbm4b:s3+s10], $0x40, s22, s10, $0xb8;
	[tilespmem:$0x1B000] =	vst v63  }
0x1a: {  	s23 =	simm.s32 $0x190;
	s20 =	simm.s32 $0xC800  }
0x1b: {  	[tilespmem:s20], [sflag:$0x3] =	stream.indirect.gather [hbm4b:s3+s8], $0x40, s23, s8, $0xb8;
	[tilespmem:$0x1B000] =	vst v63  }
0x1c: {  	s24 =	simm.s32 $0x1F8;
	s25 =	simm.s32 $0xE200  }
0x1d: {  	[tilespmem:s25], [sflag:$0x3] =	stream.indirect.gather [hbm4b:s3+s10], $0x40, s24, s10, $0xb8;
	[tilespmem:$0x1B000] =	vst v63  }
0x1e: {  	s21 =	simm.s32 $0xFA00;
	s20 =	simm.s32 $0x258  }
0x1f: {  	[tilespmem:s21], [sflag:$0x4] =	stream.indirect.gather [hbm4b:s3+s8], $0x40, s20, s8, $0xb8;
	[tilespmem:$0x1B000] =	vst v63  }
0x20: {  	s22 =	simm.s32 $0x2C0;
	s23 =	simm.s32 $0x11400  }
0x21: {  	[tilespmem:s23], [sflag:$0x4] =	stream.indirect.gather [hbm4b:s3+s10], $0x40, s22, s10, $0xb8;
	[tilespmem:$0x1B000] =	vst v63  }
0x22: {  	s24 =	simm.s32 $0x320;
	s25 =	simm.s32 $0x12C00  }
0x23: {  	[tilespmem:s25], [sflag:$0x5] =	stream.indirect.gather [hbm4b:s3+s8], $0x40, s24, s8, $0xb8;
	[tilespmem:$0x1B000] =	vst v63  }
0x24: {  	s19 =	simm.s32 $0x0  }
0x25: {  	[tilespmem:s28], [sflag:$0x5] =	stream.indirect.gather [hbm4b:s3+s10], $0x40, s26, s10, $0xb8;
	[tilespmem:$0x1B000] =	vst v63  }
.LBB2_2:
0x26: {  	s20 =	smul.u32 $0x6, s19;
	_ =	sdelay $0x1  }
0x27: {  	s20 =	sadd.s32 $0x5, s20  }
0x28: {  	s21 =	smul.u32 $0x320, s20;
	_ =	sdelay $0x1  }
0x29: {  	s21 =	sshra.s32 s21, $0x2  }
0x2a: {  	[tilespmem:s29], [sflag:$0x6] =	stream.indirect.gather [hbm4b:s3+s8], $0x40, s21, s8, $0xb8;
	[tilespmem:$0x1B000] =	vst v63  }
0x2b: {  	s21 =	sadd.s32 $0x68, s21  }
0x2c: {  	[tilespmem:s30], [sflag:$0x6] =	stream.indirect.gather [hbm4b:s3+s10], $0x40, s21, s10, $0xb8;
	[tilespmem:$0x1B000] =	vst v63  }
0x2d: {  	_ =	swait.ge [sflag:s31], $0x3200  }
0x2e: {  	[sflag:s31] =	ssyncset.done $0x0  }
0x2f: {  	s22 =	simm.s32 $0x6480;
	[sflag:s31] =	ssyncadd.s32 $0xFFFFCE00  }
0x30: {  	v0 =	vld [tilespmem:s22+$0x40]  }
0x31: {  	v1 =	vld [tilespmem:s22+$0x50]  }
0x32: {  	v2 =	vld [tilespmem:s22+$0x0]  }
0x33: {  	v3 =	vld [tilespmem:s22+$0x10]  }
0x34: {  	v9 =	vld [tilespmem:s22+$0xFFFFFFC0]  }
0x35: {  	v12 =	vld [tilespmem:s22+$0xFFFFFFD0]  }
0x36: {  	v5 =	vld [tilespmem:s22+$0xFFFFFF80]  }
0x37: {  	v7 =	vld [tilespmem:s22+$0xFFFFFF90]  }
0x38: {  	v10 =	vld [tilespmem:s22+$0xFFFFFFA0]  }
0x39: {  	v13 =	vld [tilespmem:s22+$0xFFFFFFB0]  }
0x3a: {  	v6 =	vld [tilespmem:s22+$0xFFFFFFE0]  }
0x3b: {  	v8 =	vld [tilespmem:s22+$0xFFFFFFF0]  }
0x3c: {  	v14 =	vimm.f32 $0.0e+00;
	v4 =	vld [tilespmem:s22+$0x20]  }
0x3d: {  	v15 =	vadd.f32 v5, v14;
	v16 =	vadd.f32 v7, v14;
	v7 =	vld [tilespmem:s22+$0x30]  }
0x3e: {  	v11 =	vadd.f32 v10, v14;
	v10 =	vadd.f32 v13, v14;
	v5 =	vld [tilespmem:s22+$0x60]  }
0x3f: {  	s21 =	simm.s32 $0x0;
	v13 =	vadd.f32 v9, v15;
	v12 =	vadd.f32 v12, v16;
	v9 =	vld [tilespmem:s22+$0x70];
	s22 =	simm.s32 $0x6580  }
.LBB2_3:
0x40: {  	v14 =	vld [tilespmem:s22+$0x40];
	v6 =	vadd.f32 v6, v11;
	v8 =	vadd.f32 v8, v10  }
0x41: {  	v10 =	vld [tilespmem:s22+$0x50];
	v11 =	vadd.f32 v2, v13;
	v12 =	vadd.f32 v3, v12  }
0x42: {  	v2 =	vld [tilespmem:s22+$0x0];
	v4 =	vadd.f32 v4, v6;
	v6 =	vadd.f32 v7, v8  }
0x43: {  	v3 =	vld [tilespmem:s22+$0x10];
	v7 =	vadd.f32 v0, v11;
	v11 =	vadd.f32 v1, v12  }
0x44: {  	v12 =	vld [tilespmem:s22+$0xFFFFFFC0];
	v5 =	vadd.f32 v5, v4;
	v9 =	vadd.f32 v9, v6  }
0x45: {  	v15 =	vld [tilespmem:s22+$0xFFFFFFD0];
	v0 =	vmov v14  }
0x46: {  	v13 =	vld [tilespmem:s22+$0xFFFFFF80];
	v1 =	vmov v10  }
0x47: {  	v10 =	vld [tilespmem:s22+$0xFFFFFF90]  }
0x48: {  	v14 =	vld [tilespmem:s22+$0xFFFFFFA0]  }
0x49: {  	s21 =	sadd.s32 $0x4, s21;
	v16 =	vld [tilespmem:s22+$0xFFFFFFB0]  }
0x4a: {  	p0 =	slt.u32 s21, $0xC4;
	v6 =	vld [tilespmem:s22+$0xFFFFFFE0]  }
.Ltmp0:
0x4b: {  	v8 =	vld [tilespmem:s22+$0xFFFFFFF0];
	(pc) =	sbr.rel @p0 .LBB2_3-.Ltmp0, $4  }
0x4c: {  	v4 =	vld [tilespmem:s22+$0x20]  }
0x4d: {  	v13 =	vadd.f32 v13, v7;
	v17 =	vadd.f32 v10, v11;
	v7 =	vld [tilespmem:s22+$0x30]  }
0x4e: {  	v11 =	vadd.f32 v14, v5;
	v10 =	vadd.f32 v16, v9;
	v5 =	vld [tilespmem:s22+$0x60]  }
0x4f: {  	v13 =	vadd.f32 v12, v13;
	v12 =	vadd.f32 v15, v17;
	v9 =	vld [tilespmem:s22+$0x70];
	s22 =	sadd.s32 $0x100, s22  }
0x50: {  	_ = 	snop  }
0x51: {  	v6 =	vadd.f32 v6, v11;
	v2 =	vadd.f32 v2, v13  }
0x52: {  	v8 =	vadd.f32 v8, v10;
	v3 =	vadd.f32 v3, v12  }
0x53: {  	v4 =	vadd.f32 v4, v6;
	v0 =	vadd.f32 v0, v2  }
0x54: {  	s21 =	smul.u32 $0x600, s19;
	v2 =	vadd.f32 v7, v8;
	v1 =	vadd.f32 v1, v3  }
0x55: {  	v3 =	vadd.f32 v5, v4;
	v0 =	vmul.f32 $4.999999890e-03, v0  }
0x56: {  	s21 =	sshra.s32 s21, $0x2;
	v2 =	vadd.f32 v9, v2;
	v1 =	vmul.f32 $4.999999890e-03, v1  }
0x57: {  	s22 =	smul.u32 $0x12C0, s19;
	[tilespmem:s21+$0x19000] =	vst v0;
	v0 =	vmul.f32 $4.999999890e-03, v3  }
0x58: {  	[tilespmem:s21+$0x19010] =	vst v1;
	v1 =	vmul.f32 $4.999999890e-03, v2  }
0x59: {  	s22 =	sshra.s32 s22, $0x2;
	[tilespmem:s21+$0x19020] =	vst v0  }
0x5a: {  	s23 =	sadd.s32 $0x4B0, s22;
	[tilespmem:s21+$0x19030] =	vst v1  }
0x5b: {  	[tilespmem:s9], [sflag:$0x1] =	stream.indirect.gather [hbm4b:s3+s8], $0x40, s23, s8, $0xb8;
	[tilespmem:$0x1B000] =	vst v63  }
0x5c: {  	s25 =	sadd.s32 $0x518, s22  }
0x5d: {  	[tilespmem:s11], [sflag:$0x1] =	stream.indirect.gather [hbm4b:s3+s10], $0x40, s25, s10, $0xb8;
	[tilespmem:$0x1B000] =	vst v63  }
0x5e: {  	_ =	swait.ge [sflag:s1], $0x3200  }
0x5f: {  	[sflag:s1] =	ssyncset.done $0x0  }
0x60: {  	s24 =	simm.s32 $0x9680;
	[sflag:s1] =	ssyncadd.s32 $0xFFFFCE00  }
0x61: {  	v0 =	vld [tilespmem:s24+$0x40]  }
0x62: {  	v1 =	vld [tilespmem:s24+$0x50]  }
0x63: {  	v2 =	vld [tilespmem:s24+$0x0]  }
0x64: {  	v3 =	vld [tilespmem:s24+$0x10]  }
0x65: {  	v9 =	vld [tilespmem:s24+$0xFFFFFFC0]  }
0x66: {  	v12 =	vld [tilespmem:s24+$0xFFFFFFD0]  }
0x67: {  	v5 =	vld [tilespmem:s24+$0xFFFFFF80]  }
0x68: {  	v7 =	vld [tilespmem:s24+$0xFFFFFF90]  }
0x69: {  	v10 =	vld [tilespmem:s24+$0xFFFFFFA0]  }
0x6a: {  	v13 =	vld [tilespmem:s24+$0xFFFFFFB0]  }
0x6b: {  	v6 =	vld [tilespmem:s24+$0xFFFFFFE0]  }
0x6c: {  	v8 =	vld [tilespmem:s24+$0xFFFFFFF0]  }
0x6d: {  	v14 =	vimm.f32 $0.0e+00;
	v4 =	vld [tilespmem:s24+$0x20]  }
0x6e: {  	v15 =	vadd.f32 v5, v14;
	v16 =	vadd.f32 v7, v14;
	v7 =	vld [tilespmem:s24+$0x30]  }
0x6f: {  	v11 =	vadd.f32 v10, v14;
	v10 =	vadd.f32 v13, v14;
	v5 =	vld [tilespmem:s24+$0x60]  }
0x70: {  	s23 =	simm.s32 $0x0;
	v13 =	vadd.f32 v9, v15;
	v12 =	vadd.f32 v12, v16;
	v9 =	vld [tilespmem:s24+$0x70];
	s24 =	simm.s32 $0x9780  }
.LBB2_5:
0x71: {  	v14 =	vld [tilespmem:s24+$0x40];
	v6 =	vadd.f32 v6, v11;
	v8 =	vadd.f32 v8, v10  }
0x72: {  	v10 =	vld [tilespmem:s24+$0x50];
	v11 =	vadd.f32 v2, v13;
	v12 =	vadd.f32 v3, v12  }
0x73: {  	v2 =	vld [tilespmem:s24+$0x0];
	v4 =	vadd.f32 v4, v6;
	v6 =	vadd.f32 v7, v8  }
0x74: {  	v3 =	vld [tilespmem:s24+$0x10];
	v7 =	vadd.f32 v0, v11;
	v11 =	vadd.f32 v1, v12  }
0x75: {  	v12 =	vld [tilespmem:s24+$0xFFFFFFC0];
	v5 =	vadd.f32 v5, v4;
	v9 =	vadd.f32 v9, v6  }
0x76: {  	v15 =	vld [tilespmem:s24+$0xFFFFFFD0];
	v0 =	vmov v14  }
0x77: {  	v13 =	vld [tilespmem:s24+$0xFFFFFF80];
	v1 =	vmov v10  }
0x78: {  	v10 =	vld [tilespmem:s24+$0xFFFFFF90]  }
0x79: {  	v14 =	vld [tilespmem:s24+$0xFFFFFFA0]  }
0x7a: {  	s23 =	sadd.s32 $0x4, s23;
	v16 =	vld [tilespmem:s24+$0xFFFFFFB0]  }
0x7b: {  	p0 =	slt.u32 s23, $0xC4;
	v6 =	vld [tilespmem:s24+$0xFFFFFFE0]  }
.Ltmp1:
0x7c: {  	v8 =	vld [tilespmem:s24+$0xFFFFFFF0];
	(pc) =	sbr.rel @p0 .LBB2_5-.Ltmp1, $4  }
0x7d: {  	v4 =	vld [tilespmem:s24+$0x20]  }
0x7e: {  	v13 =	vadd.f32 v13, v7;
	v17 =	vadd.f32 v10, v11;
	v7 =	vld [tilespmem:s24+$0x30]  }
0x7f: {  	v11 =	vadd.f32 v14, v5;
	v10 =	vadd.f32 v16, v9;
	v5 =	vld [tilespmem:s24+$0x60]  }
0x80: {  	v13 =	vadd.f32 v12, v13;
	v12 =	vadd.f32 v15, v17;
	v9 =	vld [tilespmem:s24+$0x70];
	s24 =	sadd.s32 $0x100, s24  }
0x81: {  	_ = 	snop  }
0x82: {  	v6 =	vadd.f32 v6, v11;
	v2 =	vadd.f32 v2, v13  }
0x83: {  	v8 =	vadd.f32 v8, v10;
	v3 =	vadd.f32 v3, v12  }
0x84: {  	v4 =	vadd.f32 v4, v6;
	v0 =	vadd.f32 v0, v2  }
0x85: {  	v2 =	vadd.f32 v7, v8;
	v1 =	vadd.f32 v1, v3  }
0x86: {  	v3 =	vadd.f32 v5, v4;
	v0 =	vmul.f32 $4.999999890e-03, v0  }
0x87: {  	v2 =	vadd.f32 v9, v2;
	v1 =	vmul.f32 $4.999999890e-03, v1  }
0x88: {  	[tilespmem:s21+$0x19040] =	vst v0;
	v0 =	vmul.f32 $4.999999890e-03, v3  }
0x89: {  	[tilespmem:s21+$0x19050] =	vst v1;
	v1 =	vmul.f32 $4.999999890e-03, v2  }
0x8a: {  	[tilespmem:s21+$0x19060] =	vst v0  }
0x8b: {  	s23 =	sadd.s32 $0x578, s22;
	[tilespmem:s21+$0x19070] =	vst v1  }
0x8c: {  	[tilespmem:s13], [sflag:$0x2] =	stream.indirect.gather [hbm4b:s3+s8], $0x40, s23, s8, $0xb8;
	[tilespmem:$0x1B000] =	vst v63  }
0x8d: {  	s25 =	sadd.s32 $0x5E0, s22  }
0x8e: {  	[tilespmem:s15], [sflag:$0x2] =	stream.indirect.gather [hbm4b:s3+s10], $0x40, s25, s10, $0xb8;
	[tilespmem:$0x1B000] =	vst v63  }
0x8f: {  	_ =	swait.ge [sflag:s0], $0x3200  }
0x90: {  	[sflag:s0] =	ssyncset.done $0x0  }
0x91: {  	s24 =	simm.s32 $0xC880;
	[sflag:s0] =	ssyncadd.s32 $0xFFFFCE00  }
0x92: {  	v0 =	vld [tilespmem:s24+$0x40]  }
0x93: {  	v1 =	vld [tilespmem:s24+$0x50]  }
0x94: {  	v2 =	vld [tilespmem:s24+$0x0]  }
0x95: {  	v3 =	vld [tilespmem:s24+$0x10]  }
0x96: {  	v9 =	vld [tilespmem:s24+$0xFFFFFFC0]  }
0x97: {  	v12 =	vld [tilespmem:s24+$0xFFFFFFD0]  }
0x98: {  	v5 =	vld [tilespmem:s24+$0xFFFFFF80]  }
0x99: {  	v7 =	vld [tilespmem:s24+$0xFFFFFF90]  }
0x9a: {  	v10 =	vld [tilespmem:s24+$0xFFFFFFA0]  }
0x9b: {  	v13 =	vld [tilespmem:s24+$0xFFFFFFB0]  }
0x9c: {  	v6 =	vld [tilespmem:s24+$0xFFFFFFE0]  }
0x9d: {  	v8 =	vld [tilespmem:s24+$0xFFFFFFF0]  }
0x9e: {  	v14 =	vimm.f32 $0.0e+00;
	v4 =	vld [tilespmem:s24+$0x20]  }
0x9f: {  	v15 =	vadd.f32 v5, v14;
	v16 =	vadd.f32 v7, v14;
	v7 =	vld [tilespmem:s24+$0x30]  }
0xa0: {  	v11 =	vadd.f32 v10, v14;
	v10 =	vadd.f32 v13, v14;
	v5 =	vld [tilespmem:s24+$0x60]  }
0xa1: {  	s23 =	simm.s32 $0x0;
	v13 =	vadd.f32 v9, v15;
	v12 =	vadd.f32 v12, v16;
	v9 =	vld [tilespmem:s24+$0x70];
	s24 =	simm.s32 $0xC980  }
.LBB2_7:
0xa2: {  	v14 =	vld [tilespmem:s24+$0x40];
	v6 =	vadd.f32 v6, v11;
	v8 =	vadd.f32 v8, v10  }
0xa3: {  	v10 =	vld [tilespmem:s24+$0x50];
	v11 =	vadd.f32 v2, v13;
	v12 =	vadd.f32 v3, v12  }
0xa4: {  	v2 =	vld [tilespmem:s24+$0x0];
	v4 =	vadd.f32 v4, v6;
	v6 =	vadd.f32 v7, v8  }
0xa5: {  	v3 =	vld [tilespmem:s24+$0x10];
	v7 =	vadd.f32 v0, v11;
	v11 =	vadd.f32 v1, v12  }
0xa6: {  	v12 =	vld [tilespmem:s24+$0xFFFFFFC0];
	v5 =	vadd.f32 v5, v4;
	v9 =	vadd.f32 v9, v6  }
0xa7: {  	v15 =	vld [tilespmem:s24+$0xFFFFFFD0];
	v0 =	vmov v14  }
0xa8: {  	v13 =	vld [tilespmem:s24+$0xFFFFFF80];
	v1 =	vmov v10  }
0xa9: {  	v10 =	vld [tilespmem:s24+$0xFFFFFF90]  }
0xaa: {  	v14 =	vld [tilespmem:s24+$0xFFFFFFA0]  }
0xab: {  	s23 =	sadd.s32 $0x4, s23;
	v16 =	vld [tilespmem:s24+$0xFFFFFFB0]  }
0xac: {  	p0 =	slt.u32 s23, $0xC4;
	v6 =	vld [tilespmem:s24+$0xFFFFFFE0]  }
.Ltmp2:
0xad: {  	v8 =	vld [tilespmem:s24+$0xFFFFFFF0];
	(pc) =	sbr.rel @p0 .LBB2_7-.Ltmp2, $4  }
0xae: {  	v4 =	vld [tilespmem:s24+$0x20]  }
0xaf: {  	v13 =	vadd.f32 v13, v7;
	v17 =	vadd.f32 v10, v11;
	v7 =	vld [tilespmem:s24+$0x30]  }
0xb0: {  	v11 =	vadd.f32 v14, v5;
	v10 =	vadd.f32 v16, v9;
	v5 =	vld [tilespmem:s24+$0x60]  }
0xb1: {  	v13 =	vadd.f32 v12, v13;
	v12 =	vadd.f32 v15, v17;
	v9 =	vld [tilespmem:s24+$0x70];
	s24 =	sadd.s32 $0x100, s24  }
0xb2: {  	_ = 	snop  }
0xb3: {  	v6 =	vadd.f32 v6, v11;
	v2 =	vadd.f32 v2, v13  }
0xb4: {  	v8 =	vadd.f32 v8, v10;
	v3 =	vadd.f32 v3, v12  }
0xb5: {  	v4 =	vadd.f32 v4, v6;
	v0 =	vadd.f32 v0, v2  }
0xb6: {  	v2 =	vadd.f32 v7, v8;
	v1 =	vadd.f32 v1, v3  }
0xb7: {  	v3 =	vadd.f32 v5, v4;
	v0 =	vmul.f32 $4.999999890e-03, v0  }
0xb8: {  	v2 =	vadd.f32 v9, v2;
	v1 =	vmul.f32 $4.999999890e-03, v1  }
0xb9: {  	[tilespmem:s21+$0x19080] =	vst v0;
	v0 =	vmul.f32 $4.999999890e-03, v3  }
0xba: {  	[tilespmem:s21+$0x19090] =	vst v1;
	v1 =	vmul.f32 $4.999999890e-03, v2  }
0xbb: {  	p0 =	seq.s32 s19, $0x14;
	[tilespmem:s21+$0x190A0] =	vst v0  }
0xbc: {  	s23 =	sadd.s32 @!p0 $0x640, s22;
	s24 =	simm.s32 @!p0 $0x68;
	s25 =	simm.s32 @!p0 $0xC800;
	[tilespmem:s21+$0x190B0] =	vst v1  }
0xbd: {  	[tilespmem:s25], [sflag:$0x3] =	stream.indirect.gather @!p0 [hbm4b:s3+s24], $0x40, s23, s24, $0xb8;
	[tilespmem:$0x1B000] =	vst v63  }
0xbe: {  	s23 =	sadd.s32 @!p0 $0x6A8, s22;
	s24 =	simm.s32 @!p0 $0x60;
	s25 =	simm.s32 @!p0 $0xE200  }
0xbf: {  	[tilespmem:s25], [sflag:$0x3] =	stream.indirect.gather @!p0 [hbm4b:s3+s24], $0x40, s23, s24, $0xb8;
	[tilespmem:$0x1B000] =	vst v63  }
0xc0: {  	_ =	swait.ge [sflag:s12], $0x3200  }
0xc1: {  	[sflag:s12] =	ssyncset.done $0x0  }
0xc2: {  	s25 =	simm.s32 $0xFA80;
	[sflag:s12] =	ssyncadd.s32 $0xFFFFCE00  }
0xc3: {  	v0 =	vld [tilespmem:s25+$0x40]  }
0xc4: {  	v1 =	vld [tilespmem:s25+$0x50]  }
0xc5: {  	v2 =	vld [tilespmem:s25+$0x0]  }
0xc6: {  	v3 =	vld [tilespmem:s25+$0x10]  }
0xc7: {  	v9 =	vld [tilespmem:s25+$0xFFFFFFC0]  }
0xc8: {  	v12 =	vld [tilespmem:s25+$0xFFFFFFD0]  }
0xc9: {  	v5 =	vld [tilespmem:s25+$0xFFFFFF80]  }
0xca: {  	v7 =	vld [tilespmem:s25+$0xFFFFFF90]  }
0xcb: {  	v10 =	vld [tilespmem:s25+$0xFFFFFFA0]  }
0xcc: {  	v13 =	vld [tilespmem:s25+$0xFFFFFFB0]  }
0xcd: {  	v6 =	vld [tilespmem:s25+$0xFFFFFFE0]  }
0xce: {  	v8 =	vld [tilespmem:s25+$0xFFFFFFF0]  }
0xcf: {  	v14 =	vimm.f32 $0.0e+00;
	v4 =	vld [tilespmem:s25+$0x20]  }
0xd0: {  	v15 =	vadd.f32 v5, v14;
	v16 =	vadd.f32 v7, v14;
	v7 =	vld [tilespmem:s25+$0x30]  }
0xd1: {  	v11 =	vadd.f32 v10, v14;
	v10 =	vadd.f32 v13, v14;
	v5 =	vld [tilespmem:s25+$0x60]  }
0xd2: {  	s23 =	simm.s32 $0x0;
	s24 =	simm.s32 $0xFB80;
	v13 =	vadd.f32 v9, v15;
	v12 =	vadd.f32 v12, v16;
	v9 =	vld [tilespmem:s25+$0x70]  }
.LBB2_9:
0xd3: {  	v14 =	vld [tilespmem:s24+$0x40];
	v6 =	vadd.f32 v6, v11;
	v8 =	vadd.f32 v8, v10  }
0xd4: {  	v10 =	vld [tilespmem:s24+$0x50];
	v11 =	vadd.f32 v2, v13;
	v12 =	vadd.f32 v3, v12  }
0xd5: {  	v2 =	vld [tilespmem:s24+$0x0];
	v4 =	vadd.f32 v4, v6;
	v6 =	vadd.f32 v7, v8  }
0xd6: {  	v3 =	vld [tilespmem:s24+$0x10];
	v7 =	vadd.f32 v0, v11;
	v11 =	vadd.f32 v1, v12  }
0xd7: {  	v12 =	vld [tilespmem:s24+$0xFFFFFFC0];
	v5 =	vadd.f32 v5, v4;
	v9 =	vadd.f32 v9, v6  }
0xd8: {  	v15 =	vld [tilespmem:s24+$0xFFFFFFD0];
	v0 =	vmov v14  }
0xd9: {  	v13 =	vld [tilespmem:s24+$0xFFFFFF80];
	v1 =	vmov v10  }
0xda: {  	v10 =	vld [tilespmem:s24+$0xFFFFFF90]  }
0xdb: {  	v14 =	vld [tilespmem:s24+$0xFFFFFFA0]  }
0xdc: {  	s23 =	sadd.s32 $0x4, s23;
	v16 =	vld [tilespmem:s24+$0xFFFFFFB0]  }
0xdd: {  	p1 =	slt.u32 s23, $0xC4;
	v6 =	vld [tilespmem:s24+$0xFFFFFFE0]  }
.Ltmp3:
0xde: {  	v8 =	vld [tilespmem:s24+$0xFFFFFFF0];
	(pc) =	sbr.rel @p1 .LBB2_9-.Ltmp3, $4  }
0xdf: {  	v4 =	vld [tilespmem:s24+$0x20]  }
0xe0: {  	v13 =	vadd.f32 v13, v7;
	v17 =	vadd.f32 v10, v11;
	v7 =	vld [tilespmem:s24+$0x30]  }
0xe1: {  	v11 =	vadd.f32 v14, v5;
	v10 =	vadd.f32 v16, v9;
	v5 =	vld [tilespmem:s24+$0x60]  }
0xe2: {  	v13 =	vadd.f32 v12, v13;
	v12 =	vadd.f32 v15, v17;
	v9 =	vld [tilespmem:s24+$0x70];
	s24 =	sadd.s32 $0x100, s24  }
0xe3: {  	_ = 	snop  }
0xe4: {  	v6 =	vadd.f32 v6, v11;
	v2 =	vadd.f32 v2, v13  }
0xe5: {  	v8 =	vadd.f32 v8, v10;
	v3 =	vadd.f32 v3, v12  }
0xe6: {  	v4 =	vadd.f32 v4, v6;
	v0 =	vadd.f32 v0, v2  }
0xe7: {  	v2 =	vadd.f32 v7, v8;
	v1 =	vadd.f32 v1, v3  }
0xe8: {  	v3 =	vadd.f32 v5, v4;
	v0 =	vmul.f32 $4.999999890e-03, v0  }
0xe9: {  	v2 =	vadd.f32 v9, v2;
	v1 =	vmul.f32 $4.999999890e-03, v1  }
0xea: {  	[tilespmem:s21+$0x190C0] =	vst v0;
	v0 =	vmul.f32 $4.999999890e-03, v3  }
0xeb: {  	[tilespmem:s21+$0x190D0] =	vst v1;
	v1 =	vmul.f32 $4.999999890e-03, v2  }
0xec: {  	[tilespmem:s21+$0x190E0] =	vst v0  }
0xed: {  	s23 =	sadd.s32 @!p0 $0x708, s22;
	s24 =	simm.s32 @!p0 $0x68;
	s25 =	simm.s32 @!p0 $0xFA00;
	[tilespmem:s21+$0x190F0] =	vst v1  }
0xee: {  	[tilespmem:s25], [sflag:$0x4] =	stream.indirect.gather @!p0 [hbm4b:s3+s24], $0x40, s23, s24, $0xb8;
	[tilespmem:$0x1B000] =	vst v63  }
0xef: {  	s23 =	sadd.s32 @!p0 $0x770, s22;
	s24 =	simm.s32 @!p0 $0x60;
	s25 =	simm.s32 @!p0 $0x11400  }
0xf0: {  	[tilespmem:s25], [sflag:$0x4] =	stream.indirect.gather @!p0 [hbm4b:s3+s24], $0x40, s23, s24, $0xb8;
	[tilespmem:$0x1B000] =	vst v63  }
0xf1: {  	_ =	swait.ge [sflag:s14], $0x3200  }
0xf2: {  	[sflag:s14] =	ssyncset.done $0x0  }
0xf3: {  	s25 =	simm.s32 $0x12C80;
	[sflag:s14] =	ssyncadd.s32 $0xFFFFCE00  }
0xf4: {  	v0 =	vld [tilespmem:s25+$0x40]  }
0xf5: {  	v1 =	vld [tilespmem:s25+$0x50]  }
0xf6: {  	v2 =	vld [tilespmem:s25+$0x0]  }
0xf7: {  	v3 =	vld [tilespmem:s25+$0x10]  }
0xf8: {  	v9 =	vld [tilespmem:s25+$0xFFFFFFC0]  }
0xf9: {  	v12 =	vld [tilespmem:s25+$0xFFFFFFD0]  }
0xfa: {  	v5 =	vld [tilespmem:s25+$0xFFFFFF80]  }
0xfb: {  	v7 =	vld [tilespmem:s25+$0xFFFFFF90]  }
0xfc: {  	v10 =	vld [tilespmem:s25+$0xFFFFFFA0]  }
0xfd: {  	v13 =	vld [tilespmem:s25+$0xFFFFFFB0]  }
0xfe: {  	v6 =	vld [tilespmem:s25+$0xFFFFFFE0]  }
0xff: {  	v8 =	vld [tilespmem:s25+$0xFFFFFFF0]  }
0x100: {  	v14 =	vimm.f32 $0.0e+00;
	v4 =	vld [tilespmem:s25+$0x20]  }
0x101: {  	v15 =	vadd.f32 v5, v14;
	v16 =	vadd.f32 v7, v14;
	v7 =	vld [tilespmem:s25+$0x30]  }
0x102: {  	v11 =	vadd.f32 v10, v14;
	v10 =	vadd.f32 v13, v14;
	v5 =	vld [tilespmem:s25+$0x60]  }
0x103: {  	s23 =	simm.s32 $0x0;
	s24 =	simm.s32 $0x12D80;
	v13 =	vadd.f32 v9, v15;
	v12 =	vadd.f32 v12, v16;
	v9 =	vld [tilespmem:s25+$0x70]  }
.LBB2_11:
0x104: {  	v14 =	vld [tilespmem:s24+$0x40];
	v6 =	vadd.f32 v6, v11;
	v8 =	vadd.f32 v8, v10  }
0x105: {  	v10 =	vld [tilespmem:s24+$0x50];
	v11 =	vadd.f32 v2, v13;
	v12 =	vadd.f32 v3, v12  }
0x106: {  	v2 =	vld [tilespmem:s24+$0x0];
	v4 =	vadd.f32 v4, v6;
	v6 =	vadd.f32 v7, v8  }
0x107: {  	v3 =	vld [tilespmem:s24+$0x10];
	v7 =	vadd.f32 v0, v11;
	v11 =	vadd.f32 v1, v12  }
0x108: {  	v12 =	vld [tilespmem:s24+$0xFFFFFFC0];
	v5 =	vadd.f32 v5, v4;
	v9 =	vadd.f32 v9, v6  }
0x109: {  	v15 =	vld [tilespmem:s24+$0xFFFFFFD0];
	v0 =	vmov v14  }
0x10a: {  	v13 =	vld [tilespmem:s24+$0xFFFFFF80];
	v1 =	vmov v10  }
0x10b: {  	v10 =	vld [tilespmem:s24+$0xFFFFFF90]  }
0x10c: {  	v14 =	vld [tilespmem:s24+$0xFFFFFFA0]  }
0x10d: {  	s23 =	sadd.s32 $0x4, s23;
	v16 =	vld [tilespmem:s24+$0xFFFFFFB0]  }
0x10e: {  	p1 =	slt.u32 s23, $0xC4;
	v6 =	vld [tilespmem:s24+$0xFFFFFFE0]  }
.Ltmp4:
0x10f: {  	v8 =	vld [tilespmem:s24+$0xFFFFFFF0];
	(pc) =	sbr.rel @p1 .LBB2_11-.Ltmp4, $4  }
0x110: {  	v4 =	vld [tilespmem:s24+$0x20]  }
0x111: {  	v13 =	vadd.f32 v13, v7;
	v17 =	vadd.f32 v10, v11;
	v7 =	vld [tilespmem:s24+$0x30]  }
0x112: {  	v11 =	vadd.f32 v14, v5;
	v10 =	vadd.f32 v16, v9;
	v5 =	vld [tilespmem:s24+$0x60]  }
0x113: {  	v13 =	vadd.f32 v12, v13;
	v12 =	vadd.f32 v15, v17;
	v9 =	vld [tilespmem:s24+$0x70];
	s24 =	sadd.s32 $0x100, s24  }
0x114: {  	_ = 	snop  }
0x115: {  	v6 =	vadd.f32 v6, v11;
	v2 =	vadd.f32 v2, v13  }
0x116: {  	v8 =	vadd.f32 v8, v10;
	v3 =	vadd.f32 v3, v12  }
0x117: {  	v4 =	vadd.f32 v4, v6;
	v0 =	vadd.f32 v0, v2  }
0x118: {  	v2 =	vadd.f32 v7, v8;
	v1 =	vadd.f32 v1, v3  }
0x119: {  	v3 =	vadd.f32 v5, v4;
	v0 =	vmul.f32 $4.999999890e-03, v0  }
0x11a: {  	v2 =	vadd.f32 v9, v2;
	v1 =	vmul.f32 $4.999999890e-03, v1  }
0x11b: {  	[tilespmem:s21+$0x19100] =	vst v0;
	v0 =	vmul.f32 $4.999999890e-03, v3  }
0x11c: {  	[tilespmem:s21+$0x19110] =	vst v1;
	v1 =	vmul.f32 $4.999999890e-03, v2  }
0x11d: {  	[tilespmem:s21+$0x19120] =	vst v0  }
0x11e: {  	s23 =	simm.s32 @!p0 $0x68;
	s24 =	simm.s32 @!p0 $0x12C00;
	[tilespmem:s21+$0x19130] =	vst v1;
	s21 =	sadd.s32 @!p0 $0x7D0, s22  }
0x11f: {  	[tilespmem:s24], [sflag:$0x5] =	stream.indirect.gather @!p0 [hbm4b:s3+s23], $0x40, s21, s23, $0xb8;
	[tilespmem:$0x1B000] =	vst v63  }
0x120: {  	s21 =	sadd.s32 @!p0 $0x838, s22;
	s22 =	simm.s32 @!p0 $0x60;
	s23 =	simm.s32 @!p0 $0x14600  }
0x121: {  	[tilespmem:s23], [sflag:$0x5] =	stream.indirect.gather @!p0 [hbm4b:s3+s22], $0x40, s21, s22, $0xb8;
	[tilespmem:$0x1B000] =	vst v63  }
0x122: {  	_ =	swait.ge [sflag:s16], $0x3200  }
0x123: {  	[sflag:s16] =	ssyncset.done $0x0  }
0x124: {  	s25 =	simm.s32 $0x15E80;
	[sflag:s16] =	ssyncadd.s32 $0xFFFFCE00  }
0x125: {  	v0 =	vld [tilespmem:s25+$0x40]  }
0x126: {  	v1 =	vld [tilespmem:s25+$0x50]  }
0x127: {  	v2 =	vld [tilespmem:s25+$0x0]  }
0x128: {  	v3 =	vld [tilespmem:s25+$0x10]  }
0x129: {  	v9 =	vld [tilespmem:s25+$0xFFFFFFC0]  }
0x12a: {  	v12 =	vld [tilespmem:s25+$0xFFFFFFD0]  }
0x12b: {  	v5 =	vld [tilespmem:s25+$0xFFFFFF80]  }
0x12c: {  	v7 =	vld [tilespmem:s25+$0xFFFFFF90]  }
0x12d: {  	v10 =	vld [tilespmem:s25+$0xFFFFFFA0]  }
0x12e: {  	v13 =	vld [tilespmem:s25+$0xFFFFFFB0]  }
0x12f: {  	v6 =	vld [tilespmem:s25+$0xFFFFFFE0]  }
0x130: {  	v8 =	vld [tilespmem:s25+$0xFFFFFFF0]  }
0x131: {  	v14 =	vimm.f32 $0.0e+00;
	v4 =	vld [tilespmem:s25+$0x20]  }
0x132: {  	v15 =	vadd.f32 v5, v14;
	v16 =	vadd.f32 v7, v14;
	v7 =	vld [tilespmem:s25+$0x30]  }
0x133: {  	v11 =	vadd.f32 v10, v14;
	v10 =	vadd.f32 v13, v14;
	v5 =	vld [tilespmem:s25+$0x60]  }
0x134: {  	s21 =	simm.s32 $0x0;
	s22 =	simm.s32 $0x15F80;
	v13 =	vadd.f32 v9, v15;
	v12 =	vadd.f32 v12, v16;
	v9 =	vld [tilespmem:s25+$0x70]  }
.LBB2_13:
0x135: {  	v14 =	vld [tilespmem:s22+$0x40];
	v6 =	vadd.f32 v6, v11;
	v8 =	vadd.f32 v8, v10  }
0x136: {  	v10 =	vld [tilespmem:s22+$0x50];
	v11 =	vadd.f32 v2, v13;
	v12 =	vadd.f32 v3, v12  }
0x137: {  	v2 =	vld [tilespmem:s22+$0x0];
	v4 =	vadd.f32 v4, v6;
	v6 =	vadd.f32 v7, v8  }
0x138: {  	v3 =	vld [tilespmem:s22+$0x10];
	v7 =	vadd.f32 v0, v11;
	v11 =	vadd.f32 v1, v12  }
0x139: {  	v12 =	vld [tilespmem:s22+$0xFFFFFFC0];
	v5 =	vadd.f32 v5, v4;
	v9 =	vadd.f32 v9, v6  }
0x13a: {  	v15 =	vld [tilespmem:s22+$0xFFFFFFD0];
	v0 =	vmov v14  }
0x13b: {  	v13 =	vld [tilespmem:s22+$0xFFFFFF80];
	v1 =	vmov v10  }
0x13c: {  	v10 =	vld [tilespmem:s22+$0xFFFFFF90]  }
0x13d: {  	v14 =	vld [tilespmem:s22+$0xFFFFFFA0]  }
0x13e: {  	s21 =	sadd.s32 $0x4, s21;
	v16 =	vld [tilespmem:s22+$0xFFFFFFB0]  }
0x13f: {  	p0 =	slt.u32 s21, $0xC4;
	v6 =	vld [tilespmem:s22+$0xFFFFFFE0]  }
.Ltmp5:
0x140: {  	v8 =	vld [tilespmem:s22+$0xFFFFFFF0];
	(pc) =	sbr.rel @p0 .LBB2_13-.Ltmp5, $4  }
0x141: {  	v4 =	vld [tilespmem:s22+$0x20]  }
0x142: {  	v13 =	vadd.f32 v13, v7;
	v17 =	vadd.f32 v10, v11;
	v7 =	vld [tilespmem:s22+$0x30]  }
0x143: {  	v11 =	vadd.f32 v14, v5;
	v10 =	vadd.f32 v16, v9;
	v5 =	vld [tilespmem:s22+$0x60]  }
0x144: {  	v13 =	vadd.f32 v12, v13;
	v12 =	vadd.f32 v15, v17;
	v9 =	vld [tilespmem:s22+$0x70];
	s22 =	sadd.s32 $0x100, s22  }
0x145: {  	_ = 	snop  }
0x146: {  	v6 =	vadd.f32 v6, v11;
	v2 =	vadd.f32 v2, v13  }
0x147: {  	v8 =	vadd.f32 v8, v10;
	v3 =	vadd.f32 v3, v12  }
0x148: {  	v4 =	vadd.f32 v4, v6;
	v0 =	vadd.f32 v0, v2  }
0x149: {  	s19 =	sadd.s32 $0x1, s19;
	v60 =	vadd.f32 v7, v8;
	v1 =	vadd.f32 v1, v3  }
0x14a: {  	s20 =	sshll.u32 s20, $0x6;
	p0 =	sne.s32 s19, $0x15;
	v61 =	vadd.f32 v5, v4;
	v0 =	vmul.f32 $4.999999890e-03, v0  }
.Ltmp6:
0x14b: {  	s20 =	sand.u32 $0x3FFFFFC0, s20;
	v2 =	vadd.f32 v9, v60;
	v1 =	vmul.f32 $4.999999890e-03, v1;
	(pc) =	sbr.rel @p0 .LBB2_2-.Ltmp6, $4  }
0x14c: {  	v62 =	vmul.f32 $4.999999890e-03, v61;
	[tilespmem:s20+$0x19000] =	vst v0  }
0x14d: {  	v63 =	vmul.f32 $4.999999890e-03, v2;
	[tilespmem:s20+$0x19010] =	vst v1  }
0x14e: {  	[tilespmem:s20+$0x19020] =	vst v62  }
0x14f: {  	[tilespmem:s20+$0x19030] =	vst v63  }
0x150: {  	_ =	swait.ge [sflag:s31], $0x3200  }
0x151: {  	[sflag:s31] =	ssyncset.done $0x0  }
0x152: {  	s20 =	simm.s32 $0x6480;
	[sflag:s31] =	ssyncadd.s32 $0xFFFFCE00  }
0x153: {  	v0 =	vld [tilespmem:s20+$0x40]  }
0x154: {  	v1 =	vld [tilespmem:s20+$0x50]  }
0x155: {  	v2 =	vld [tilespmem:s20+$0x0]  }
0x156: {  	v3 =	vld [tilespmem:s20+$0x10]  }
0x157: {  	v9 =	vld [tilespmem:s20+$0xFFFFFFC0]  }
0x158: {  	v12 =	vld [tilespmem:s20+$0xFFFFFFD0]  }
0x159: {  	v5 =	vld [tilespmem:s20+$0xFFFFFF80]  }
0x15a: {  	v7 =	vld [tilespmem:s20+$0xFFFFFF90]  }
0x15b: {  	v10 =	vld [tilespmem:s20+$0xFFFFFFA0]  }
0x15c: {  	v13 =	vld [tilespmem:s20+$0xFFFFFFB0]  }
0x15d: {  	v6 =	vld [tilespmem:s20+$0xFFFFFFE0]  }
0x15e: {  	v8 =	vld [tilespmem:s20+$0xFFFFFFF0]  }
0x15f: {  	v14 =	vimm.f32 $0.0e+00;
	v4 =	vld [tilespmem:s20+$0x20]  }
0x160: {  	v15 =	vadd.f32 v5, v14;
	v16 =	vadd.f32 v7, v14;
	v7 =	vld [tilespmem:s20+$0x30]  }
0x161: {  	v11 =	vadd.f32 v10, v14;
	v10 =	vadd.f32 v13, v14;
	v5 =	vld [tilespmem:s20+$0x60]  }
0x162: {  	s19 =	simm.s32 $0x0;
	v13 =	vadd.f32 v9, v15;
	v12 =	vadd.f32 v12, v16;
	v9 =	vld [tilespmem:s20+$0x70];
	s20 =	simm.s32 $0x6580  }
.LBB2_16:
0x163: {  	v14 =	vld [tilespmem:s20+$0x40];
	v6 =	vadd.f32 v6, v11;
	v8 =	vadd.f32 v8, v10  }
0x164: {  	v10 =	vld [tilespmem:s20+$0x50];
	v11 =	vadd.f32 v2, v13;
	v12 =	vadd.f32 v3, v12  }
0x165: {  	v2 =	vld [tilespmem:s20+$0x0];
	v4 =	vadd.f32 v4, v6;
	v6 =	vadd.f32 v7, v8  }
0x166: {  	v3 =	vld [tilespmem:s20+$0x10];
	v7 =	vadd.f32 v0, v11;
	v11 =	vadd.f32 v1, v12  }
0x167: {  	v12 =	vld [tilespmem:s20+$0xFFFFFFC0];
	v5 =	vadd.f32 v5, v4;
	v9 =	vadd.f32 v9, v6  }
0x168: {  	v15 =	vld [tilespmem:s20+$0xFFFFFFD0];
	v0 =	vmov v14  }
0x169: {  	v13 =	vld [tilespmem:s20+$0xFFFFFF80];
	v1 =	vmov v10  }
0x16a: {  	v10 =	vld [tilespmem:s20+$0xFFFFFF90]  }
0x16b: {  	v14 =	vld [tilespmem:s20+$0xFFFFFFA0]  }
0x16c: {  	s19 =	sadd.s32 $0x4, s19;
	v16 =	vld [tilespmem:s20+$0xFFFFFFB0]  }
0x16d: {  	p0 =	slt.u32 s19, $0xC4;
	v6 =	vld [tilespmem:s20+$0xFFFFFFE0]  }
.Ltmp7:
0x16e: {  	v8 =	vld [tilespmem:s20+$0xFFFFFFF0];
	(pc) =	sbr.rel @p0 .LBB2_16-.Ltmp7, $4  }
0x16f: {  	v4 =	vld [tilespmem:s20+$0x20]  }
0x170: {  	v13 =	vadd.f32 v13, v7;
	v17 =	vadd.f32 v10, v11;
	v7 =	vld [tilespmem:s20+$0x30]  }
0x171: {  	v11 =	vadd.f32 v14, v5;
	v10 =	vadd.f32 v16, v9;
	v5 =	vld [tilespmem:s20+$0x60]  }
0x172: {  	v13 =	vadd.f32 v12, v13;
	v12 =	vadd.f32 v15, v17;
	v9 =	vld [tilespmem:s20+$0x70];
	s20 =	sadd.s32 $0x100, s20  }
0x173: {  	_ = 	snop  }
0x174: {  	v6 =	vadd.f32 v6, v11;
	v2 =	vadd.f32 v2, v13  }
0x175: {  	v8 =	vadd.f32 v8, v10;
	v3 =	vadd.f32 v3, v12  }
0x176: {  	v4 =	vadd.f32 v4, v6;
	v0 =	vadd.f32 v0, v2  }
0x177: {  	v2 =	vadd.f32 v7, v8;
	v1 =	vadd.f32 v1, v3  }
0x178: {  	v3 =	vadd.f32 v5, v4;
	v0 =	vmul.f32 $4.999999890e-03, v0  }
0x179: {  	v2 =	vadd.f32 v9, v2;
	v1 =	vmul.f32 $4.999999890e-03, v1  }
0x17a: {  	[tilespmem:$0x1AF80] =	vst v0;
	v0 =	vmul.f32 $4.999999890e-03, v3  }
0x17b: {  	[tilespmem:$0x1AF90] =	vst v1;
	v1 =	vmul.f32 $4.999999890e-03, v2  }
0x17c: {  	[tilespmem:$0x1AFA0] =	vst v0  }
0x17d: {  	[tilespmem:$0x1AFB0] =	vst v1  }
0x17e: {  	_ =	swait.ge [sflag:s1], $0x3200  }
0x17f: {  	[sflag:s1] =	ssyncset.done $0x0  }
0x180: {  	s20 =	simm.s32 $0x9680;
	[sflag:s1] =	ssyncadd.s32 $0xFFFFCE00  }
0x181: {  	v0 =	vld [tilespmem:s20+$0x40]  }
0x182: {  	v1 =	vld [tilespmem:s20+$0x50]  }
0x183: {  	v2 =	vld [tilespmem:s20+$0x0]  }
0x184: {  	v3 =	vld [tilespmem:s20+$0x10]  }
0x185: {  	v9 =	vld [tilespmem:s20+$0xFFFFFFC0]  }
0x186: {  	v12 =	vld [tilespmem:s20+$0xFFFFFFD0]  }
0x187: {  	v5 =	vld [tilespmem:s20+$0xFFFFFF80]  }
0x188: {  	v7 =	vld [tilespmem:s20+$0xFFFFFF90]  }
0x189: {  	v10 =	vld [tilespmem:s20+$0xFFFFFFA0]  }
0x18a: {  	v13 =	vld [tilespmem:s20+$0xFFFFFFB0]  }
0x18b: {  	v6 =	vld [tilespmem:s20+$0xFFFFFFE0]  }
0x18c: {  	v8 =	vld [tilespmem:s20+$0xFFFFFFF0]  }
0x18d: {  	v14 =	vimm.f32 $0.0e+00;
	v4 =	vld [tilespmem:s20+$0x20]  }
0x18e: {  	v15 =	vadd.f32 v5, v14;
	v16 =	vadd.f32 v7, v14;
	v7 =	vld [tilespmem:s20+$0x30]  }
0x18f: {  	v11 =	vadd.f32 v10, v14;
	v10 =	vadd.f32 v13, v14;
	v5 =	vld [tilespmem:s20+$0x60]  }
0x190: {  	s19 =	simm.s32 $0x0;
	v13 =	vadd.f32 v9, v15;
	v12 =	vadd.f32 v12, v16;
	v9 =	vld [tilespmem:s20+$0x70];
	s20 =	simm.s32 $0x9780  }
.LBB2_18:
0x191: {  	v14 =	vld [tilespmem:s20+$0x40];
	v6 =	vadd.f32 v6, v11;
	v8 =	vadd.f32 v8, v10  }
0x192: {  	v10 =	vld [tilespmem:s20+$0x50];
	v11 =	vadd.f32 v2, v13;
	v12 =	vadd.f32 v3, v12  }
0x193: {  	v2 =	vld [tilespmem:s20+$0x0];
	v4 =	vadd.f32 v4, v6;
	v6 =	vadd.f32 v7, v8  }
0x194: {  	v3 =	vld [tilespmem:s20+$0x10];
	v7 =	vadd.f32 v0, v11;
	v11 =	vadd.f32 v1, v12  }
0x195: {  	v12 =	vld [tilespmem:s20+$0xFFFFFFC0];
	v5 =	vadd.f32 v5, v4;
	v9 =	vadd.f32 v9, v6  }
0x196: {  	v15 =	vld [tilespmem:s20+$0xFFFFFFD0];
	v0 =	vmov v14  }
0x197: {  	v13 =	vld [tilespmem:s20+$0xFFFFFF80];
	v1 =	vmov v10  }
0x198: {  	v10 =	vld [tilespmem:s20+$0xFFFFFF90]  }
0x199: {  	v14 =	vld [tilespmem:s20+$0xFFFFFFA0]  }
0x19a: {  	s19 =	sadd.s32 $0x4, s19;
	v16 =	vld [tilespmem:s20+$0xFFFFFFB0]  }
0x19b: {  	p0 =	slt.u32 s19, $0xC4;
	v6 =	vld [tilespmem:s20+$0xFFFFFFE0]  }
.Ltmp8:
0x19c: {  	v8 =	vld [tilespmem:s20+$0xFFFFFFF0];
	(pc) =	sbr.rel @p0 .LBB2_18-.Ltmp8, $4  }
0x19d: {  	v4 =	vld [tilespmem:s20+$0x20]  }
0x19e: {  	v13 =	vadd.f32 v13, v7;
	v17 =	vadd.f32 v10, v11;
	v7 =	vld [tilespmem:s20+$0x30]  }
0x19f: {  	v11 =	vadd.f32 v14, v5;
	v10 =	vadd.f32 v16, v9;
	v5 =	vld [tilespmem:s20+$0x60]  }
0x1a0: {  	v13 =	vadd.f32 v12, v13;
	v12 =	vadd.f32 v15, v17;
	v9 =	vld [tilespmem:s20+$0x70];
	s20 =	sadd.s32 $0x100, s20  }
0x1a1: {  	_ = 	snop  }
0x1a2: {  	v6 =	vadd.f32 v6, v11;
	v2 =	vadd.f32 v2, v13  }
0x1a3: {  	v8 =	vadd.f32 v8, v10;
	v3 =	vadd.f32 v3, v12  }
0x1a4: {  	v4 =	vadd.f32 v4, v6;
	v0 =	vadd.f32 v0, v2  }
0x1a5: {  	v60 =	vadd.f32 v7, v8;
	v1 =	vadd.f32 v1, v3  }
0x1a6: {  	v61 =	vadd.f32 v5, v4;
	v0 =	vmul.f32 $4.999999890e-03, v0  }
0x1a7: {  	v2 =	vadd.f32 v9, v60;
	v1 =	vmul.f32 $4.999999890e-03, v1  }
0x1a8: {  	v62 =	vmul.f32 $4.999999890e-03, v61;
	[tilespmem:$0x1AFC0] =	vst v0  }
0x1a9: {  	s18 =	sadd.s32 $0x1, s18;
	v63 =	vmul.f32 $4.999999890e-03, v2;
	[tilespmem:$0x1AFD0] =	vst v1  }
0x1aa: {  	p0 =	sne.s32 s18, s6;
	[tilespmem:$0x1AFE0] =	vst v62  }
.Ltmp9:
0x1ab: {  	[tilespmem:$0x1AFF0] =	vst v63;
	(pc) =	sbr.rel @p0 .LBB2_1-.Ltmp9, $4  }
0x1ac: {  	[hbm4b:s5+s2] =	stream.linear.scatter [tilespmem:s17], [sflag:$0x7], $0x2000, $0x38;
	[tilespmem:$0x1B000] =	vst v63  }
0x1ad: {  	_ =	swait.ge [sflag:s7], $0x2000  }
0x1ae: {  	[sflag:s7] =	ssyncset.done $0x0  }
0x1af: {  	[sflag:s7] =	ssyncadd.s32 $0xFFFFE000  }
0x1b0: {  	_ =	sfence.sel $0x180000  }
0x1b1: {  	[bflag:$0x0] =	sbarrier.arrive $0xFFFF  }
0x1b2: {  	_ =	strace $0x9000004A  }
0x1b3: {  	s0 =	stileid.u32;
	[bflag:$0x2] =	sbarrier.arrive $0xFFFF  }
0x1b4: {  	p0 =	sne.s32 s0, $0x0;
	s0 =	rddreg [dreg:$0x2]  }
0x1b5: {  	s0 =	sadd.s32 @!p0 $0x100000, s0  }
0x1b6: {  	[sflag:s0] =	ssyncadd.tile.s32 @!p0 $0x1;
	_ =	shalt  }
.Lfunc_end2:
_tile_overlayer_lowered:
.L_overlay_start_2:
0x1b7: {  	(tag) =	ssettag $0x2  }
0x1b8: {  	s0 =	rddreg [dreg:$0x0];
	s2 =	stileid.u32  }
0x1b9: {  	s1 =	rddreg [dreg:$0x1];
	p0 =	sne.s32 s2, $0x0  }
0x1ba: {  	s3 =	rddreg [dreg:$0x2];
	[bflag:$0x3] =	sbarrier.arrive $0xFFFF;
	s2 =	simm.s32 @!p0 $0x1C07  }
0x1bb: {  	[timem:s3], [sflag:s2] =	dma.local @!p0 [hbm:s0], s1  }
0x1bc: {  	s0 =	simm.s32 @!p0 $0x7  }
0x1bd: {  	_ =	swait.ge @!p0 [sflag:s0], s1  }
0x1be: {  	s1 =	ssub.s32 @!p0 $0x0, s1;
	[sflag:s0] =	ssyncset.done @!p0 $0x0  }
0x1bf: {  	[sflag:s0] =	ssyncadd.s32 @!p0 s1  }
0x1c0: {  	[bflag:$0x3] =	sbarrier.arrive $0xFFFF  }
0x1c1: {  	_ =	shalt  }

</sc_bundles>
